<compile_context>
chip_gen: v7x
topology: tpu7x:2x2x1
jax: 0.10.2.dev20260603
libtpu: 0.0.44.dev20260713+nightly
codegen_flags: <defaults>
</compile_context>

<pallas_src>
import functools

import jax
import jax.numpy as jnp
from jax import lax
from jax.experimental import pallas as pl
from jax.experimental.pallas import tpu as pltpu
from jax.experimental.pallas import tpu_sc as plsc

N = 10000
NPAD = 10240
E = 320000
EPAD = 327680
D = 128
G = 64
EPS = 1e-5

NC = 2
NS = 16
NW = NC * NS
CH = 128
NCHUNK = EPAD // CH
CPW = NCHUNK // NW
NH = 2
HC = CPW // NH
NCR = E // CH
NCP = NCHUNK - NCR
RPT = NPAD // NS

BR = 1024
NBLK = NPAD // BR


def _sc_mesh():
    return plsc.VectorSubcoreMesh(core_axis_name="c", subcore_axis_name="s",
                                  num_cores=NC, num_subcores=NS)


_SPLIT = (NW - 1) * CPW


def _load_idx(real_hbm, tail_hbm, cbase, buf):
    @pl.when(cbase < _SPLIT)
    def _():
        pltpu.sync_copy(real_hbm.at[pl.ds(cbase, HC)], buf)

    @pl.when(cbase >= _SPLIT)
    def _():
        pltpu.sync_copy(tail_hbm.at[pl.ds(cbase - _SPLIT, HC)], buf)


@functools.cache
def _build_sc_degree():
    return functools.partial(
        pl.kernel,
        out_type=jax.ShapeDtypeStruct((NC, NPAD), jnp.float32),
        mesh=_sc_mesh(),
        scratch_types=[
            pltpu.VMEM((CPW, CH), jnp.int32),
            pltpu.VMEM((CH,), jnp.float32),
            pltpu.VMEM((RPT,), jnp.float32),
            pltpu.VMEM_SHARED((NPAD,), jnp.float32),
        ],
    )(_sc_degree_body)


def _sc_degree(dst2, dtail):
    return _build_sc_degree()(dst2, dtail)


def _sc_degree_body(dst_hbm, tail_hbm, out_hbm, dst_v, ones_v, zeros_v, hist):
    c = lax.axis_index("c")
    s = lax.axis_index("s")
    wid = c * NS + s

    def fill_ones(i, carry):
        ones_v[pl.ds(i * 16, 16)] = jnp.ones((16,), jnp.float32)
        return carry

    lax.fori_loop(0, CH // 16, fill_ones, 0)

    def fill_zeros(i, carry):
        zeros_v[pl.ds(i * 16, 16)] = jnp.zeros((16,), jnp.float32)
        return carry

    lax.fori_loop(0, RPT // 16, fill_zeros, 0)
    pltpu.sync_copy(zeros_v, hist.at[pl.ds(s * RPT, RPT)])
    _load_idx(dst_hbm, tail_hbm, wid * CPW, dst_v.at[pl.ds(0, HC)])
    _load_idx(dst_hbm, tail_hbm, wid * CPW + HC, dst_v.at[pl.ds(HC, HC)])
    plsc.subcore_barrier()

    def body(j, carry):
        pltpu.sync_copy(ones_v, hist.at[dst_v.at[j]], add=True)
        return carry

    lax.fori_loop(0, CPW, body, 0)
    plsc.subcore_barrier()
    pltpu.sync_copy(hist.at[pl.ds(s * RPT, RPT)], out_hbm.at[c, pl.ds(s * RPT, RPT)])


@functools.cache
def _build_sc_agg():
    return functools.partial(
        pl.kernel,
        out_type=jax.ShapeDtypeStruct((NC, NPAD, D), jnp.float32),
        mesh=_sc_mesh(),
        scratch_types=[
            pltpu.VMEM((HC, CH), jnp.int32),
            pltpu.VMEM((HC, CH), jnp.int32),
            pltpu.VMEM((2, CH, D), jnp.float32),
            pltpu.VMEM_SHARED((NPAD, D), jnp.float32),
            pltpu.SemaphoreType.DMA,
            pltpu.SemaphoreType.DMA,
        ],
    )(_sc_agg_body)


def _sc_agg(hp, src2, dst2, stail, dtail):
    return _build_sc_agg()(hp, src2, dst2, stail, dtail)


def _sc_agg_body(hp_hbm, src_hbm, dst_hbm, stail_hbm, dtail_hbm, out_hbm,
                 src_v, dst_v, rows_v, acc, gsem, ssem):
    c = lax.axis_index("c")
    s = lax.axis_index("s")
    wid = c * NS + s
    rbase = s * RPT
    @pl.when(c == 0)
    def _():
        pltpu.sync_copy(hp_hbm.at[pl.ds(rbase, RPT)], acc.at[pl.ds(rbase, RPT)])

    @pl.when(c == 1)
    def _():
        def zfill(i, carry):
            rows_v[0, i // 8, pl.ds((i % 8) * 16, 16)] = jnp.zeros((16,), jnp.float32)
            return carry

        lax.fori_loop(0, CH * 8, zfill, 0)

        def zcopy(i, carry):
            pltpu.sync_copy(rows_v.at[0], acc.at[pl.ds(rbase + i * CH, CH)])
            return carry

        lax.fori_loop(0, RPT // CH, zcopy, 0)

    plsc.subcore_barrier()

    def stage(h, carry):
        cbase = wid * CPW + h * HC
        _load_idx(src_hbm, stail_hbm, cbase, src_v)
        _load_idx(dst_hbm, dtail_hbm, cbase, dst_v)
        pltpu.async_copy(hp_hbm.at[src_v.at[0]], rows_v.at[0], gsem)
        pltpu.async_copy(hp_hbm.at[src_v.at[1]], rows_v.at[1], gsem)

        def body(i, c2):
            j = i * 2
            pltpu.make_async_copy(hp_hbm.at[src_v.at[j]], rows_v.at[0], gsem).wait()
            pltpu.make_async_copy(rows_v.at[0], acc.at[dst_v.at[j]], ssem).start(add=True)
            pltpu.make_async_copy(hp_hbm.at[src_v.at[j + 1]], rows_v.at[1], gsem).wait()
            pltpu.make_async_copy(rows_v.at[1], acc.at[dst_v.at[j + 1]], ssem).start(add=True)
            pltpu.make_async_copy(rows_v.at[0], acc.at[dst_v.at[j]], ssem).wait()

            @pl.when(j + 2 < HC)
            def _():
                pltpu.async_copy(hp_hbm.at[src_v.at[j + 2]], rows_v.at[0], gsem)

            pltpu.make_async_copy(rows_v.at[1], acc.at[dst_v.at[j + 1]], ssem).wait()

            @pl.when(j + 3 < HC)
            def _():
                pltpu.async_copy(hp_hbm.at[src_v.at[j + 3]], rows_v.at[1], gsem)

            return c2

        lax.fori_loop(0, HC // 2, body, 0)
        return carry

    lax.fori_loop(0, NH, stage, 0)
    plsc.subcore_barrier()
    pltpu.sync_copy(acc.at[pl.ds(rbase, RPT)], out_hbm.at[c, pl.ds(rbase, RPT)])


def _dot(a, b):
    return jnp.dot(a, b, preferred_element_type=jnp.float32)


def _tc_pre(x, W0, degB):
    def body(x_ref, w_ref, deg_ref, o_ref):
        dinv = lax.rsqrt(deg_ref[...].astype(jnp.float32))
        h = _dot(x_ref[...], w_ref[...]) * dinv
        row = pl.program_id(0) * BR + lax.broadcasted_iota(jnp.int32, (BR, D), 0)
        o_ref[...] = jnp.where(row < N, h, 0.0)

    return pl.pallas_call(
        body,
        grid=(NBLK,),
        in_specs=[pl.BlockSpec((BR, D), lambda i: (i, 0)),
                  pl.BlockSpec((D, D), lambda i: (0, 0)),
                  pl.BlockSpec((BR, D), lambda i: (i, 0))],
        out_specs=pl.BlockSpec((BR, D), lambda i: (i, 0)),
        out_shape=jax.ShapeDtypeStruct((NPAD, D), jnp.float32),
    )(x, W0, degB)


def _tc_mid(p, degB, b0r, g0r, be0r, W1):
    def body(p_ref, deg_ref, b_ref, g_ref, be_ref, w_ref, o_ref):
        dinv = lax.rsqrt(deg_ref[...].astype(jnp.float32))
        u = dinv * (p_ref[0] + p_ref[1]) + b_ref[...]
        mu = jnp.mean(u, axis=-1, keepdims=True)
        var = jnp.mean((u - mu) ** 2, axis=-1, keepdims=True)
        t = (u - mu) * lax.rsqrt(var + EPS) * g_ref[...] + be_ref[...]
        r = jnp.maximum(t, 0.0)
        h2 = _dot(r, w_ref[...]) * dinv
        row = pl.program_id(0) * BR + lax.broadcasted_iota(jnp.int32, (BR, D), 0)
        o_ref[...] = jnp.where(row < N, h2, 0.0)

    blk = pl.BlockSpec((BR, D), lambda i: (i, 0))
    pblk = pl.BlockSpec((2, BR, D), lambda i: (0, i, 0))
    one = pl.BlockSpec((1, D), lambda i: (0, 0))
    wspec = pl.BlockSpec((D, D), lambda i: (0, 0))
    return pl.pallas_call(
        body,
        grid=(NBLK,),
        in_specs=[pblk, blk, one, one, one, wspec],
        out_specs=blk,
        out_shape=jax.ShapeDtypeStruct((NPAD, D), jnp.float32),
    )(p, degB, b0r, g0r, be0r, W1)


def _tc_post(q, degB, b1r, g1r, be1r, batchB, Wh1, bh1r, Wh2p, bh2r):
    def body(q_ref, deg_ref, b_ref, g_ref, be_ref, bat_ref,
             wh1_ref, bh1_ref, wh2_ref, bh2_ref, o_ref, acc_ref):
        i = pl.program_id(0)

        @pl.when(i == 0)
        def _():
            acc_ref[...] = jnp.zeros_like(acc_ref)

        dinv = lax.rsqrt(deg_ref[...].astype(jnp.float32))
        u = dinv * (q_ref[0] + q_ref[1]) + b_ref[...]
        mu = jnp.mean(u, axis=-1, keepdims=True)
        var = jnp.mean((u - mu) ** 2, axis=-1, keepdims=True)
        t = (u - mu) * lax.rsqrt(var + EPS) * g_ref[...] + be_ref[...]
        r = jnp.maximum(t, 0.0)
        row = i * BR + lax.broadcasted_iota(jnp.int32, (BR, G), 0)
        oh = ((bat_ref[...][:, :G].astype(jnp.int32) ==
               lax.broadcasted_iota(jnp.int32, (BR, G), 1)) & (row < N)
              ).astype(jnp.float32)
        lane = lax.broadcasted_iota(jnp.int32, (BR, D), 1)
        ones_col = jnp.where(lane == 0, 1.0, 0.0)
        re = jnp.concatenate([r, ones_col], axis=1)
        s = lax.dot_general(oh, re, (((0,), (0,)), ((), ())),
                            precision=lax.Precision.HIGHEST,
                            preferred_element_type=jnp.float32)
        acc_ref[...] += s

        @pl.when(i == NBLK - 1)
        def _():
            counts = acc_ref[:, D:D + 1]
            Z = acc_ref[:, :D] / jnp.maximum(counts, 1.0)
            hid = jnp.maximum(_dot(Z, wh1_ref[...]) + bh1_ref[...], 0.0)
            o_ref[...] = _dot(hid, wh2_ref[...]) + bh2_ref[...]

    blk = pl.BlockSpec((BR, D), lambda i: (i, 0))
    pblk = pl.BlockSpec((2, BR, D), lambda i: (0, i, 0))
    one = pl.BlockSpec((1, D), lambda i: (0, 0))
    wspec = pl.BlockSpec((D, D), lambda i: (0, 0))
    return pl.pallas_call(
        body,
        grid=(NBLK,),
        in_specs=[pblk, blk, one, one, one, blk, wspec, one, wspec, one],
        out_specs=pl.BlockSpec((G, D), lambda i: (0, 0)),
        out_shape=jax.ShapeDtypeStruct((G, D), jnp.float32),
        scratch_shapes=[pltpu.VMEM((G, 2 * D), jnp.float32)],
    )(q, degB, b1r, g1r, be1r, batchB, Wh1, bh1r, Wh2p, bh2r)


def kernel(x, edge_index, batch, W0, b0, g0, be0, W1, b1, g1, be1, Wh1, bh1, Wh2, bh2):
    nreal = _SPLIT * CH
    src2 = edge_index[0, :nreal].reshape(_SPLIT, CH)
    dst2 = edge_index[1, :nreal].reshape(_SPLIT, CH)
    pad_e = N + jnp.arange(EPAD - E, dtype=jnp.int32) % (NPAD - N)
    stail = jnp.concatenate([edge_index[0, nreal:], pad_e]).reshape(CPW, CH)
    dtail = jnp.concatenate([edge_index[1, nreal:], pad_e]).reshape(CPW, CH)
    batchB = jnp.broadcast_to(batch[:, None], (N, D)).astype(jnp.int8)

    degp = _sc_degree(dst2, dtail)
    deg = degp[0] + degp[1] + 1.0
    degB = jnp.broadcast_to(deg[:, None], (NPAD, D)).astype(jnp.bfloat16)

    b0r, g0r, be0r = b0.reshape(1, D), g0.reshape(1, D), be0.reshape(1, D)
    b1r, g1r, be1r = b1.reshape(1, D), g1.reshape(1, D), be1.reshape(1, D)
    bh1r = bh1.reshape(1, D)
    Wh2p = jnp.pad(Wh2, ((0, 0), (0, D - 1)))
    bh2r = jnp.pad(bh2, (0, D - 1)).reshape(1, D)

    hp1 = _tc_pre(x, W0, degB)
    p = _sc_agg(hp1, src2, dst2, stail, dtail)
    hp2 = _tc_mid(p, degB, b0r, g0r, be0r, W1)
    q = _sc_agg(hp2, src2, dst2, stail, dtail)
    logits_full = _tc_post(q, degB, b1r, g1r, be1r, batchB,
                           Wh1, bh1r, Wh2p, bh2r)
    return logits_full[:, :1]

# --- scband reference (transcript-rebuilt; emitter-appended) ---
"""Pipeline reference for scband-gcncontext-subgraph-classifier-26731876451141 (READ-ONLY COPY).

The authoritative reference and input builder live on the scoring server;
editing this copy changes nothing except your own understanding.
"""

import jax, jax.numpy as jnp
import numpy as np

N = 10000
E = 320000
D_IN = 128
D_H = 128
D_OUT = 1
N_GRAPHS = 64
EPS = 1e-5


def _gcn_conv(x, W, b, src, dst, num_nodes):
    # GCNConv with normalize=True and default add_self_loops=True
    loop = jnp.arange(num_nodes, dtype=src.dtype)
    s = jnp.concatenate([src, loop])
    d = jnp.concatenate([dst, loop])
    ew = jnp.ones(s.shape[0], dtype=x.dtype)
    deg = jax.ops.segment_sum(ew, d, num_segments=num_nodes)
    dinv = jnp.where(deg > 0, jax.lax.rsqrt(deg), 0.0)
    norm = dinv[s] * dinv[d]
    h = x @ W
    msg = h[s] * norm[:, None]
    out = jax.ops.segment_sum(msg, d, num_segments=num_nodes)
    return out + b


def _layer_norm(h, g, b):
    mu = jnp.mean(h, axis=-1, keepdims=True)
    var = jnp.var(h, axis=-1, keepdims=True)
    return (h - mu) * jax.lax.rsqrt(var + EPS) * g + b


def setup_inputs(seed: int = 0) -> dict:
    key = jax.random.key(seed)
    ks = jax.random.split(key, 16)
    x = jax.random.normal(ks[0], (N, D_IN), dtype=jnp.float32)
    edge_index = jax.random.randint(ks[1], (2, E), 0, N, dtype=jnp.int32)
    batch = jnp.sort(jax.random.randint(ks[2], (N,), 0, N_GRAPHS, dtype=jnp.int32))
    def lin(k, fan_in, fan_out):
        lim = 1.0 / np.sqrt(fan_in)
        return jax.random.uniform(k, (fan_in, fan_out), jnp.float32, -lim, lim)
    return {
        "x": x,
        "edge_index": edge_index,
        "batch": batch,
        "W0": lin(ks[3], D_IN, D_H),
        "b0": jnp.zeros((D_H,), jnp.float32),
        "g0": jnp.ones((D_H,), jnp.float32),
        "be0": jnp.zeros((D_H,), jnp.float32),
        "W1": lin(ks[4], D_H, D_H),
        "b1": jnp.zeros((D_H,), jnp.float32),
        "g1": jnp.ones((D_H,), jnp.float32),
        "be1": jnp.zeros((D_H,), jnp.float32),
        "Wh1": lin(ks[5], D_H, D_H),
        "bh1": jnp.zeros((D_H,), jnp.float32),
        "Wh2": lin(ks[6], D_H, D_OUT),
        "bh2": jnp.zeros((D_OUT,), jnp.float32),
    }


def reference(x, edge_index, batch, W0, b0, g0, be0, W1, b1, g1, be1, Wh1, bh1, Wh2, bh2):
    src, dst = edge_index[0], edge_index[1]
    # layer 1
    h = _gcn_conv(x, W0, b0, src, dst, N)
    h = _layer_norm(h, g0, be0)
    h = jax.nn.relu(h)  # dropout is identity in eval mode
    # layer 2
    h = _gcn_conv(h, W1, b1, src, dst, N)
    h = _layer_norm(h, g1, be1)
    h = jax.nn.relu(h)
    # global mean pool per subgraph
    Z_sum = jax.ops.segment_sum(h, batch, num_segments=N_GRAPHS)
    counts = jax.ops.segment_sum(jnp.ones((N,), h.dtype), batch, num_segments=N_GRAPHS)
    Z = Z_sum / jnp.clip(counts, 1.0)[:, None]
    # MLP head
    hid = jax.nn.relu(Z @ Wh1 + bh1)
    logits = hid @ Wh2 + bh2
    return logits

if __name__ == "__main__":
    import jax
    _d = setup_inputs()
    print(jax.jit(kernel)(*tuple(_d.values())))

</pallas_src>

<mosaic_0001>
#map = affine_map<(d0, d1) -> (0, 0)>
#map1 = affine_map<(d0, d1) -> (0, 0, 0)>
module attributes {stable_mosaic.version = 14 : i64} {
  func.func @_sc_agg_body(%arg0: i32, %arg1: i32, %arg2: memref<10240x128xf32, #tpu.memory_space<hbm>>, %arg3: memref<2480x128xi32, #tpu.memory_space<hbm>>, %arg4: memref<2480x128xi32, #tpu.memory_space<hbm>>, %arg5: memref<80x128xi32, #tpu.memory_space<hbm>>, %arg6: memref<80x128xi32, #tpu.memory_space<hbm>>, %arg7: memref<2x10240x128xf32, #tpu.memory_space<hbm>>, %arg8: memref<40x128xi32, #tpu.memory_space<vmem>>, %arg9: memref<40x128xi32, #tpu.memory_space<vmem>>, %arg10: memref<2x128x128xf32, #tpu.memory_space<vmem>>, %arg11: memref<10240x128xf32, #tpu.memory_space<vmem_shared>>, %arg12: memref<!tpu.dma_semaphore, #tpu.memory_space<semaphore_mem>>, %arg13: memref<!tpu.dma_semaphore, #tpu.memory_space<semaphore_mem>>) attributes {dimension_semantics = [#tpu.dimension_semantics<core_parallel>, #tpu.dimension_semantics<subcore_parallel>], iteration_bounds = array<i64: 2, 16>, scalar_prefetch = 0 : i64, scratch_operands = 6 : i64, tpu.core_type = #tpu.core_type<sc_vector_subcore>, window_params = [{transform_indices = #map}, {transform_indices = #map}, {transform_indices = #map}, {transform_indices = #map}, {transform_indices = #map}, {transform_indices = #map1}]} {
    %mul3A = arith.constant 16 : i32
    %mul3A_0 = arith.muli %arg0, %mul3A : i32
    %add3A = arith.addi %mul3A_0, %arg1 : i32
    %mul3A_1 = arith.constant 640 : i32
    %mul3A_2 = arith.muli %arg1, %mul3A_1 : i32
    %eq3A = arith.constant 0 : i32
    %eq3A_3 = arith.cmpi eq, %arg0, %eq3A : i32
    %convert_element_type3A = arith.extui %eq3A_3 : i1 to i32
    %cond3A = arith.constant 0 : i32
    %cond3A_4 = arith.cmpi ne, %convert_element_type3A, %cond3A : i32
    scf.if %cond3A_4 {
      "tpu.region"() ({
        %run_scoped3A = tpu.sem_alloc : memref<!tpu.dma_semaphore, #tpu.memory_space<semaphore_mem>>
        %dma_start3A = arith.constant 0 : i32
        %dma_start3A_16 = tpu.memref_slice %arg11[%mul3A_2, %dma_start3A] : memref<10240x128xf32, #tpu.memory_space<vmem_shared>> -> memref<640x128xf32, #tpu.memory_space<vmem_shared>>
        %dma_start3A_17 = arith.constant 0 : i32
        %dma_start3A_18 = tpu.memref_slice %arg2[%mul3A_2, %dma_start3A_17] : memref<10240x128xf32, #tpu.memory_space<hbm>> -> memref<640x128xf32, #tpu.memory_space<hbm>>
        tpu.enqueue_dma source(%dma_start3A_18 : memref<640x128xf32, #tpu.memory_space<hbm>>) target(%dma_start3A_16 : memref<640x128xf32, #tpu.memory_space<vmem_shared>>) target_semaphore(%run_scoped3A : memref<!tpu.dma_semaphore, #tpu.memory_space<semaphore_mem>>)
        %dma_wait3A = arith.constant 0 : i32
        %dma_wait3A_19 = tpu.memref_slice %arg11[%mul3A_2, %dma_wait3A] : memref<10240x128xf32, #tpu.memory_space<vmem_shared>> -> memref<640x128xf32, #tpu.memory_space<vmem_shared>>
        %dma_wait3A_20 = arith.constant 0 : i32
        %dma_wait3A_21 = tpu.memref_slice %arg2[%mul3A_2, %dma_wait3A_20] : memref<10240x128xf32, #tpu.memory_space<hbm>> -> memref<640x128xf32, #tpu.memory_space<hbm>>
        tpu.wait_dma2 semaphore(%run_scoped3A : memref<!tpu.dma_semaphore, #tpu.memory_space<semaphore_mem>>) src(%dma_wait3A_21 : memref<640x128xf32, #tpu.memory_space<hbm>>) dst(%dma_wait3A_19 : memref<640x128xf32, #tpu.memory_space<vmem_shared>>)
        tpu.yield
      }) : () -> ()
    } else {
    }
    %eq3A_5 = arith.constant 1 : i32
    %eq3A_6 = arith.cmpi eq, %arg0, %eq3A_5 : i32
    %convert_element_type3A_7 = arith.extui %eq3A_6 : i1 to i32
    %cond3A_8 = arith.constant 0 : i32
    %cond3A_9 = arith.cmpi ne, %convert_element_type3A_7, %cond3A_8 : i32
    scf.if %cond3A_9 {
      %scan3A_16 = arith.constant 0 : i32
      %scan3A_17 = arith.constant 0 : i32
      %scan3A_18 = arith.constant 1024 : i32
      %scan3A_19 = arith.addi %scan3A_17, %scan3A_18 : i32
      %scan3A_20 = arith.constant 1 : i32
      scf.for %scan3A_28 = %scan3A_17 to %scan3A_19 step %scan3A_20  : i32 {
        %broadcast_in_dim3A = arith.constant 0.000000e+00 : f32
        %broadcast_in_dim3A_29 = vector.broadcast %broadcast_in_dim3A : f32 to vector<16xf32>
        %jit3A = arith.constant 8 : i32
        %div3A = arith.divsi %scan3A_28, %jit3A : i32
        %sign3A = arith.constant 0 : i32
        %sign3A_30 = arith.cmpi sgt, %scan3A_28, %sign3A : i32
        %sign3A_31 = arith.extui %sign3A_30 : i1 to i32
        %sign3A_32 = arith.constant 0 : i32
        %sign3A_33 = arith.cmpi slt, %scan3A_28, %sign3A_32 : i32
        %sign3A_34 = arith.extui %sign3A_33 : i1 to i32
        %sign3A_35 = arith.subi %sign3A_31, %sign3A_34 : i32
        %sign3A_36 = arith.constant 0 : i32
        %sign3A_37 = arith.cmpi sgt, %jit3A, %sign3A_36 : i32
        %sign3A_38 = arith.extui %sign3A_37 : i1 to i32
        %sign3A_39 = arith.constant 0 : i32
        %sign3A_40 = arith.cmpi slt, %jit3A, %sign3A_39 : i32
        %sign3A_41 = arith.extui %sign3A_40 : i1 to i32
        %sign3A_42 = arith.subi %sign3A_38, %sign3A_41 : i32
        %ne3A = arith.cmpi ne, %sign3A_35, %sign3A_42 : i32
        %rem3A = arith.remsi %scan3A_28, %jit3A : i32
        %ne3A_43 = arith.constant 0 : i32
        %ne3A_44 = arith.cmpi ne, %rem3A, %ne3A_43 : i32
        %and3A = arith.andi %ne3A, %ne3A_44 : i1
        %sub3A = arith.constant 1 : i32
        %sub3A_45 = arith.subi %div3A, %sub3A : i32
        %select_n3A = arith.select %and3A, %sub3A_45, %div3A : i32
        %jit3A_46 = arith.constant 8 : i32
        %eq3A_47 = arith.constant 0 : i32
        %eq3A_48 = arith.cmpi eq, %jit3A_46, %eq3A_47 : i32
        %jit3A_49 = arith.constant 1 : i32
        %select_n3A_50 = arith.select %eq3A_48, %jit3A_49, %jit3A_46 : i32
        %rem3A_51 = arith.remsi %scan3A_28, %select_n3A_50 : i32
        %ne3A_52 = arith.constant 0 : i32
        %ne3A_53 = arith.cmpi ne, %rem3A_51, %ne3A_52 : i32
        %lt3A = arith.constant 0 : i32
        %lt3A_54 = arith.cmpi slt, %rem3A_51, %lt3A : i32
        %lt3A_55 = arith.constant 0 : i32
        %lt3A_56 = arith.cmpi slt, %select_n3A_50, %lt3A_55 : i32
        %ne3A_57 = arith.xori %lt3A_54, %lt3A_56 : i1
        %and3A_58 = arith.andi %ne3A_57, %ne3A_53 : i1
        %add3A_59 = arith.addi %rem3A_51, %select_n3A_50 : i32
        %select_n3A_60 = arith.select %and3A_58, %add3A_59, %rem3A_51 : i32
        %mul3A_61 = arith.constant 16 : i32
        %mul3A_62 = arith.muli %select_n3A_60, %mul3A_61 : i32
        %swap3A = arith.constant 0 : i32
        %swap3A_63 = arith.index_cast %swap3A : i32 to index
        %swap3A_64 = arith.index_cast %select_n3A : i32 to index
        %swap3A_65 = arith.index_cast %mul3A_62 : i32 to index
        %swap3A_66 = tpu.vector_load %arg10[%swap3A_63, %swap3A_64, %swap3A_65] {strides = array<i32>} : memref<2x128x128xf32, #tpu.memory_space<vmem>>, vector<1x1x16xf32>,
        %swap3A_67 = vector.shape_cast %swap3A_66 : vector<1x1x16xf32> to vector<16xf32>
        %swap3A_68 = vector.shape_cast %broadcast_in_dim3A_29 : vector<16xf32> to vector<1x1x16xf32>
        tpu.vector_store %arg10[%swap3A_63, %swap3A_64, %swap3A_65], %swap3A_68 {strides = array<i32>} : memref<2x128x128xf32, #tpu.memory_space<vmem>>, vector<1x1x16xf32>,
      }
      %scan3A_21 = arith.constant 1024 : i32
      %scan3A_22 = arith.constant 0 : i32
      %scan3A_23 = arith.constant 0 : i32
      %scan3A_24 = arith.constant 5 : i32
      %scan3A_25 = arith.addi %scan3A_23, %scan3A_24 : i32
      %scan3A_26 = arith.constant 1 : i32
      scf.for %scan3A_28 = %scan3A_23 to %scan3A_25 step %scan3A_26  : i32 {
        %mul3A_29 = arith.constant 128 : i32
        %mul3A_30 = arith.muli %scan3A_28, %mul3A_29 : i32
        %add3A_31 = arith.addi %mul3A_2, %mul3A_30 : i32
        %run_scoped3A = arith.constant 0 : i32
        "tpu.region"() ({
          %run_scoped3A_32 = tpu.sem_alloc : memref<!tpu.dma_semaphore, #tpu.memory_space<semaphore_mem>>
          %dma_start3A = arith.constant 0 : i32
          %dma_start3A_33 = arith.constant 0 : i32
          %dma_start3A_34 = tpu.memref_slice %arg10[%run_scoped3A, %dma_start3A, %dma_start3A_33] : memref<2x128x128xf32, #tpu.memory_space<vmem>> -> memref<1x128x128xf32, #tpu.memory_space<vmem>>
          %dma_start3A_35 = tpu.memref_squeeze %dma_start3A_34 : memref<1x128x128xf32, #tpu.memory_space<vmem>> -> memref<128x128xf32, #tpu.memory_space<vmem>>
          %dma_start3A_36 = arith.constant 0 : i32
          %dma_start3A_37 = tpu.memref_slice %arg11[%add3A_31, %dma_start3A_36] : memref<10240x128xf32, #tpu.memory_space<vmem_shared>> -> memref<128x128xf32, #tpu.memory_space<vmem_shared>>
          %dma_start3A_38 = arith.constant 0 : i32
          %dma_start3A_39 = tpu.memref_slice %arg11[%add3A_31, %dma_start3A_38] : memref<10240x128xf32, #tpu.memory_space<vmem_shared>> -> memref<128x128xf32, #tpu.memory_space<vmem_shared>>
          %dma_start3A_40 = arith.constant 0 : i32
          %dma_start3A_41 = arith.constant 0 : i32
          %dma_start3A_42 = tpu.memref_slice %arg10[%run_scoped3A, %dma_start3A_40, %dma_start3A_41] : memref<2x128x128xf32, #tpu.memory_space<vmem>> -> memref<1x128x128xf32, #tpu.memory_space<vmem>>
          %dma_start3A_43 = tpu.memref_squeeze %dma_start3A_42 : memref<1x128x128xf32, #tpu.memory_space<vmem>> -> memref<128x128xf32, #tpu.memory_space<vmem>>
          tpu.enqueue_dma source(%dma_start3A_43 : memref<128x128xf32, #tpu.memory_space<vmem>>) target(%dma_start3A_39 : memref<128x128xf32, #tpu.memory_space<vmem_shared>>) target_semaphore(%run_scoped3A_32 : memref<!tpu.dma_semaphore, #tpu.memory_space<semaphore_mem>>)
          %dma_wait3A = arith.constant 0 : i32
          %dma_wait3A_44 = arith.constant 0 : i32
          %dma_wait3A_45 = tpu.memref_slice %arg10[%run_scoped3A, %dma_wait3A, %dma_wait3A_44] : memref<2x128x128xf32, #tpu.memory_space<vmem>> -> memref<1x128x128xf32, #tpu.memory_space<vmem>>
          %dma_wait3A_46 = tpu.memref_squeeze %dma_wait3A_45 : memref<1x128x128xf32, #tpu.memory_space<vmem>> -> memref<128x128xf32, #tpu.memory_space<vmem>>
          %dma_wait3A_47 = arith.constant 0 : i32
          %dma_wait3A_48 = tpu.memref_slice %arg11[%add3A_31, %dma_wait3A_47] : memref<10240x128xf32, #tpu.memory_space<vmem_shared>> -> memref<128x128xf32, #tpu.memory_space<vmem_shared>>
          %dma_wait3A_49 = arith.constant 0 : i32
          %dma_wait3A_50 = tpu.memref_slice %arg11[%add3A_31, %dma_wait3A_49] : memref<10240x128xf32, #tpu.memory_space<vmem_shared>> -> memref<128x128xf32, #tpu.memory_space<vmem_shared>>
          %dma_wait3A_51 = arith.constant 0 : i32
          %dma_wait3A_52 = arith.constant 0 : i32
          %dma_wait3A_53 = tpu.memref_slice %arg10[%run_scoped3A, %dma_wait3A_51, %dma_wait3A_52] : memref<2x128x128xf32, #tpu.memory_space<vmem>> -> memref<1x128x128xf32, #tpu.memory_space<vmem>>
          %dma_wait3A_54 = tpu.memref_squeeze %dma_wait3A_53 : memref<1x128x128xf32, #tpu.memory_space<vmem>> -> memref<128x128xf32, #tpu.memory_space<vmem>>
          tpu.wait_dma2 semaphore(%run_scoped3A_32 : memref<!tpu.dma_semaphore, #tpu.memory_space<semaphore_mem>>) src(%dma_wait3A_54 : memref<128x128xf32, #tpu.memory_space<vmem>>) dst(%dma_wait3A_50 : memref<128x128xf32, #tpu.memory_space<vmem_shared>>)
          tpu.yield
        }) : () -> ()
      }
      %scan3A_27 = arith.constant 5 : i32
    } else {
    }
    %barrier3A = arith.constant 0 : index
    tpu.barrier barrier_id(%barrier3A)
    %scan3A = arith.constant 0 : i32
    %scan3A_10 = arith.constant 0 : i32
    %scan3A_11 = arith.constant 2 : i32
    %scan3A_12 = arith.addi %scan3A_10, %scan3A_11 : i32
    %scan3A_13 = arith.constant 1 : i32
    scf.for %scan3A_16 = %scan3A_10 to %scan3A_12 step %scan3A_13  : i32 {
      %mul3A_17 = arith.constant 80 : i32
      %mul3A_18 = arith.muli %add3A, %mul3A_17 : i32
      %mul3A_19 = arith.constant 40 : i32
      %mul3A_20 = arith.muli %scan3A_16, %mul3A_19 : i32
      %add3A_21 = arith.addi %mul3A_18, %mul3A_20 : i32
      %lt3A = arith.constant 2480 : i32
      %lt3A_22 = arith.cmpi slt, %add3A_21, %lt3A : i32
      %convert_element_type3A_23 = arith.extui %lt3A_22 : i1 to i32
      %cond3A_24 = arith.constant 0 : i32
      %cond3A_25 = arith.cmpi ne, %convert_element_type3A_23, %cond3A_24 : i32
      scf.if %cond3A_25 {
        "tpu.region"() ({
          %run_scoped3A = tpu.sem_alloc : memref<!tpu.dma_semaphore, #tpu.memory_space<semaphore_mem>>
          %dma_start3A_69 = arith.constant 0 : i32
          %dma_start3A_70 = tpu.memref_slice %arg3[%add3A_21, %dma_start3A_69] : memref<2480x128xi32, #tpu.memory_space<hbm>> -> memref<40x128xi32, #tpu.memory_space<hbm>>
          %dma_start3A_71 = arith.constant 0 : i32
          %dma_start3A_72 = tpu.memref_slice %arg3[%add3A_21, %dma_start3A_71] : memref<2480x128xi32, #tpu.memory_space<hbm>> -> memref<40x128xi32, #tpu.memory_space<hbm>>
          tpu.enqueue_dma source(%dma_start3A_72 : memref<40x128xi32, #tpu.memory_space<hbm>>) target(%arg8 : memref<40x128xi32, #tpu.memory_space<vmem>>) target_semaphore(%run_scoped3A : memref<!tpu.dma_semaphore, #tpu.memory_space<semaphore_mem>>)
          %dma_wait3A = arith.constant 0 : i32
          %dma_wait3A_73 = tpu.memref_slice %arg3[%add3A_21, %dma_wait3A] : memref<2480x128xi32, #tpu.memory_space<hbm>> -> memref<40x128xi32, #tpu.memory_space<hbm>>
          %dma_wait3A_74 = arith.constant 0 : i32
          %dma_wait3A_75 = tpu.memref_slice %arg3[%add3A_21, %dma_wait3A_74] : memref<2480x128xi32, #tpu.memory_space<hbm>> -> memref<40x128xi32, #tpu.memory_space<hbm>>
          tpu.wait_dma2 semaphore(%run_scoped3A : memref<!tpu.dma_semaphore, #tpu.memory_space<semaphore_mem>>) src(%dma_wait3A_75 : memref<40x128xi32, #tpu.memory_space<hbm>>) dst(%arg8 : memref<40x128xi32, #tpu.memory_space<vmem>>)
          tpu.yield
        }) : () -> ()
      } else {
      }
      %ge3A = arith.constant 2480 : i32
      %ge3A_26 = arith.cmpi sge, %add3A_21, %ge3A : i32
      %convert_element_type3A_27 = arith.extui %ge3A_26 : i1 to i32
      %cond3A_28 = arith.constant 0 : i32
      %cond3A_29 = arith.cmpi ne, %convert_element_type3A_27, %cond3A_28 : i32
      scf.if %cond3A_29 {
        %sub3A = arith.constant 2480 : i32
        %sub3A_69 = arith.subi %add3A_21, %sub3A : i32
        "tpu.region"() ({
          %run_scoped3A = tpu.sem_alloc : memref<!tpu.dma_semaphore, #tpu.memory_space<semaphore_mem>>
          %dma_start3A_70 = arith.constant 0 : i32
          %dma_start3A_71 = tpu.memref_slice %arg5[%sub3A_69, %dma_start3A_70] : memref<80x128xi32, #tpu.memory_space<hbm>> -> memref<40x128xi32, #tpu.memory_space<hbm>>
          %dma_start3A_72 = arith.constant 0 : i32
          %dma_start3A_73 = tpu.memref_slice %arg5[%sub3A_69, %dma_start3A_72] : memref<80x128xi32, #tpu.memory_space<hbm>> -> memref<40x128xi32, #tpu.memory_space<hbm>>
          tpu.enqueue_dma source(%dma_start3A_73 : memref<40x128xi32, #tpu.memory_space<hbm>>) target(%arg8 : memref<40x128xi32, #tpu.memory_space<vmem>>) target_semaphore(%run_scoped3A : memref<!tpu.dma_semaphore, #tpu.memory_space<semaphore_mem>>)
          %dma_wait3A = arith.constant 0 : i32
          %dma_wait3A_74 = tpu.memref_slice %arg5[%sub3A_69, %dma_wait3A] : memref<80x128xi32, #tpu.memory_space<hbm>> -> memref<40x128xi32, #tpu.memory_space<hbm>>
          %dma_wait3A_75 = arith.constant 0 : i32
          %dma_wait3A_76 = tpu.memref_slice %arg5[%sub3A_69, %dma_wait3A_75] : memref<80x128xi32, #tpu.memory_space<hbm>> -> memref<40x128xi32, #tpu.memory_space<hbm>>
          tpu.wait_dma2 semaphore(%run_scoped3A : memref<!tpu.dma_semaphore, #tpu.memory_space<semaphore_mem>>) src(%dma_wait3A_76 : memref<40x128xi32, #tpu.memory_space<hbm>>) dst(%arg8 : memref<40x128xi32, #tpu.memory_space<vmem>>)
          tpu.yield
        }) : () -> ()
      } else {
      }
      %lt3A_30 = arith.constant 2480 : i32
      %lt3A_31 = arith.cmpi slt, %add3A_21, %lt3A_30 : i32
      %convert_element_type3A_32 = arith.extui %lt3A_31 : i1 to i32
      %cond3A_33 = arith.constant 0 : i32
      %cond3A_34 = arith.cmpi ne, %convert_element_type3A_32, %cond3A_33 : i32
      scf.if %cond3A_34 {
        "tpu.region"() ({
          %run_scoped3A = tpu.sem_alloc : memref<!tpu.dma_semaphore, #tpu.memory_space<semaphore_mem>>
          %dma_start3A_69 = arith.constant 0 : i32
          %dma_start3A_70 = tpu.memref_slice %arg4[%add3A_21, %dma_start3A_69] : memref<2480x128xi32, #tpu.memory_space<hbm>> -> memref<40x128xi32, #tpu.memory_space<hbm>>
          %dma_start3A_71 = arith.constant 0 : i32
          %dma_start3A_72 = tpu.memref_slice %arg4[%add3A_21, %dma_start3A_71] : memref<2480x128xi32, #tpu.memory_space<hbm>> -> memref<40x128xi32, #tpu.memory_space<hbm>>
          tpu.enqueue_dma source(%dma_start3A_72 : memref<40x128xi32, #tpu.memory_space<hbm>>) target(%arg9 : memref<40x128xi32, #tpu.memory_space<vmem>>) target_semaphore(%run_scoped3A : memref<!tpu.dma_semaphore, #tpu.memory_space<semaphore_mem>>)
          %dma_wait3A = arith.constant 0 : i32
          %dma_wait3A_73 = tpu.memref_slice %arg4[%add3A_21, %dma_wait3A] : memref<2480x128xi32, #tpu.memory_space<hbm>> -> memref<40x128xi32, #tpu.memory_space<hbm>>
          %dma_wait3A_74 = arith.constant 0 : i32
          %dma_wait3A_75 = tpu.memref_slice %arg4[%add3A_21, %dma_wait3A_74] : memref<2480x128xi32, #tpu.memory_space<hbm>> -> memref<40x128xi32, #tpu.memory_space<hbm>>
          tpu.wait_dma2 semaphore(%run_scoped3A : memref<!tpu.dma_semaphore, #tpu.memory_space<semaphore_mem>>) src(%dma_wait3A_75 : memref<40x128xi32, #tpu.memory_space<hbm>>) dst(%arg9 : memref<40x128xi32, #tpu.memory_space<vmem>>)
          tpu.yield
        }) : () -> ()
      } else {
      }
      %ge3A_35 = arith.constant 2480 : i32
      %ge3A_36 = arith.cmpi sge, %add3A_21, %ge3A_35 : i32
      %convert_element_type3A_37 = arith.extui %ge3A_36 : i1 to i32
      %cond3A_38 = arith.constant 0 : i32
      %cond3A_39 = arith.cmpi ne, %convert_element_type3A_37, %cond3A_38 : i32
      scf.if %cond3A_39 {
        %sub3A = arith.constant 2480 : i32
        %sub3A_69 = arith.subi %add3A_21, %sub3A : i32
        "tpu.region"() ({
          %run_scoped3A = tpu.sem_alloc : memref<!tpu.dma_semaphore, #tpu.memory_space<semaphore_mem>>
          %dma_start3A_70 = arith.constant 0 : i32
          %dma_start3A_71 = tpu.memref_slice %arg6[%sub3A_69, %dma_start3A_70] : memref<80x128xi32, #tpu.memory_space<hbm>> -> memref<40x128xi32, #tpu.memory_space<hbm>>
          %dma_start3A_72 = arith.constant 0 : i32
          %dma_start3A_73 = tpu.memref_slice %arg6[%sub3A_69, %dma_start3A_72] : memref<80x128xi32, #tpu.memory_space<hbm>> -> memref<40x128xi32, #tpu.memory_space<hbm>>
          tpu.enqueue_dma source(%dma_start3A_73 : memref<40x128xi32, #tpu.memory_space<hbm>>) target(%arg9 : memref<40x128xi32, #tpu.memory_space<vmem>>) target_semaphore(%run_scoped3A : memref<!tpu.dma_semaphore, #tpu.memory_space<semaphore_mem>>)
          %dma_wait3A = arith.constant 0 : i32
          %dma_wait3A_74 = tpu.memref_slice %arg6[%sub3A_69, %dma_wait3A] : memref<80x128xi32, #tpu.memory_space<hbm>> -> memref<40x128xi32, #tpu.memory_space<hbm>>
          %dma_wait3A_75 = arith.constant 0 : i32
          %dma_wait3A_76 = tpu.memref_slice %arg6[%sub3A_69, %dma_wait3A_75] : memref<80x128xi32, #tpu.memory_space<hbm>> -> memref<40x128xi32, #tpu.memory_space<hbm>>
          tpu.wait_dma2 semaphore(%run_scoped3A : memref<!tpu.dma_semaphore, #tpu.memory_space<semaphore_mem>>) src(%dma_wait3A_76 : memref<40x128xi32, #tpu.memory_space<hbm>>) dst(%arg9 : memref<40x128xi32, #tpu.memory_space<vmem>>)
          tpu.yield
        }) : () -> ()
      } else {
      }
      %dma_start3A = arith.constant 0 : i32
      %dma_start3A_40 = arith.constant 0 : i32
      %dma_start3A_41 = arith.constant 0 : i32
      %dma_start3A_42 = arith.constant 0 : i32
      %dma_start3A_43 = tpu.memref_slice %arg10[%dma_start3A_40, %dma_start3A_41, %dma_start3A_42] : memref<2x128x128xf32, #tpu.memory_space<vmem>> -> memref<1x128x128xf32, #tpu.memory_space<vmem>>
      %dma_start3A_44 = tpu.memref_squeeze %dma_start3A_43 : memref<1x128x128xf32, #tpu.memory_space<vmem>> -> memref<128x128xf32, #tpu.memory_space<vmem>>
      %dma_start3A_45 = arith.constant 0 : i32
      %dma_start3A_46 = tpu.memref_slice %arg8[%dma_start3A, %dma_start3A_45] : memref<40x128xi32, #tpu.memory_space<vmem>> -> memref<1x128xi32, #tpu.memory_space<vmem>>
      %dma_start3A_47 = tpu.memref_squeeze %dma_start3A_46 : memref<1x128xi32, #tpu.memory_space<vmem>> -> memref<128xi32, #tpu.memory_space<vmem>>
      %dma_start3A_48 = arith.constant 0 : i32
      %dma_start3A_49 = arith.constant 0 : i32
      %dma_start3A_50 = tpu.memref_slice %arg2[%dma_start3A_48, %dma_start3A_49] : memref<10240x128xf32, #tpu.memory_space<hbm>> -> memref<10240x128xf32, #tpu.memory_space<hbm>>
      tpu.enqueue_indirect_dma source(%dma_start3A_50 : memref<10240x128xf32, #tpu.memory_space<hbm>>) target(%dma_start3A_44 : memref<128x128xf32, #tpu.memory_space<vmem>>) offsets(%dma_start3A_47 : memref<128xi32, #tpu.memory_space<vmem>>) semaphore(%arg12 : memref<!tpu.dma_semaphore, #tpu.memory_space<semaphore_mem>>)
      %dma_start3A_51 = arith.constant 1 : i32
      %dma_start3A_52 = arith.constant 1 : i32
      %dma_start3A_53 = arith.constant 0 : i32
      %dma_start3A_54 = arith.constant 0 : i32
      %dma_start3A_55 = tpu.memref_slice %arg10[%dma_start3A_52, %dma_start3A_53, %dma_start3A_54] : memref<2x128x128xf32, #tpu.memory_space<vmem>> -> memref<1x128x128xf32, #tpu.memory_space<vmem>>
      %dma_start3A_56 = tpu.memref_squeeze %dma_start3A_55 : memref<1x128x128xf32, #tpu.memory_space<vmem>> -> memref<128x128xf32, #tpu.memory_space<vmem>>
      %dma_start3A_57 = arith.constant 0 : i32
      %dma_start3A_58 = tpu.memref_slice %arg8[%dma_start3A_51, %dma_start3A_57] : memref<40x128xi32, #tpu.memory_space<vmem>> -> memref<1x128xi32, #tpu.memory_space<vmem>>
      %dma_start3A_59 = tpu.memref_squeeze %dma_start3A_58 : memref<1x128xi32, #tpu.memory_space<vmem>> -> memref<128xi32, #tpu.memory_space<vmem>>
      %dma_start3A_60 = arith.constant 0 : i32
      %dma_start3A_61 = arith.constant 0 : i32
      %dma_start3A_62 = tpu.memref_slice %arg2[%dma_start3A_60, %dma_start3A_61] : memref<10240x128xf32, #tpu.memory_space<hbm>> -> memref<10240x128xf32, #tpu.memory_space<hbm>>
      tpu.enqueue_indirect_dma source(%dma_start3A_62 : memref<10240x128xf32, #tpu.memory_space<hbm>>) target(%dma_start3A_56 : memref<128x128xf32, #tpu.memory_space<vmem>>) offsets(%dma_start3A_59 : memref<128xi32, #tpu.memory_space<vmem>>) semaphore(%arg12 : memref<!tpu.dma_semaphore, #tpu.memory_space<semaphore_mem>>)
      %scan3A_63 = arith.constant 0 : i32
      %scan3A_64 = arith.constant 0 : i32
      %scan3A_65 = arith.constant 20 : i32
      %scan3A_66 = arith.addi %scan3A_64, %scan3A_65 : i32
      %scan3A_67 = arith.constant 1 : i32
      scf.for %scan3A_69 = %scan3A_64 to %scan3A_66 step %scan3A_67  : i32 {
        %mul3A_70 = arith.constant 2 : i32
        %mul3A_71 = arith.muli %scan3A_69, %mul3A_70 : i32
        %dma_wait3A = arith.constant 0 : i32
        %dma_wait3A_72 = arith.constant 0 : i32
        %dma_wait3A_73 = arith.constant 0 : i32
        %dma_wait3A_74 = tpu.memref_slice %arg10[%dma_wait3A, %dma_wait3A_72, %dma_wait3A_73] : memref<2x128x128xf32, #tpu.memory_space<vmem>> -> memref<1x128x128xf32, #tpu.memory_space<vmem>>
        %dma_wait3A_75 = tpu.memref_squeeze %dma_wait3A_74 : memref<1x128x128xf32, #tpu.memory_space<vmem>> -> memref<128x128xf32, #tpu.memory_space<vmem>>
        %dma_wait3A_76 = arith.constant 0 : i32
        %dma_wait3A_77 = tpu.memref_slice %arg8[%mul3A_71, %dma_wait3A_76] : memref<40x128xi32, #tpu.memory_space<vmem>> -> memref<1x128xi32, #tpu.memory_space<vmem>>
        %dma_wait3A_78 = tpu.memref_squeeze %dma_wait3A_77 : memref<1x128xi32, #tpu.memory_space<vmem>> -> memref<128xi32, #tpu.memory_space<vmem>>
        %dma_wait3A_79 = arith.constant 0 : i32
        %dma_wait3A_80 = arith.constant 0 : i32
        %dma_wait3A_81 = tpu.memref_slice %arg2[%dma_wait3A_79, %dma_wait3A_80] : memref<10240x128xf32, #tpu.memory_space<hbm>> -> memref<10240x128xf32, #tpu.memory_space<hbm>>
        tpu.wait_indirect_dma semaphore(%arg12 : memref<!tpu.dma_semaphore, #tpu.memory_space<semaphore_mem>>) src(%dma_wait3A_81 : memref<10240x128xf32, #tpu.memory_space<hbm>>) dst(%dma_wait3A_75 : memref<128x128xf32, #tpu.memory_space<vmem>>)
        %dma_start3A_82 = arith.constant 0 : i32
        %dma_start3A_83 = arith.constant 0 : i32
        %dma_start3A_84 = arith.constant 0 : i32
        %dma_start3A_85 = tpu.memref_slice %arg10[%dma_start3A_82, %dma_start3A_83, %dma_start3A_84] : memref<2x128x128xf32, #tpu.memory_space<vmem>> -> memref<1x128x128xf32, #tpu.memory_space<vmem>>
        %dma_start3A_86 = tpu.memref_squeeze %dma_start3A_85 : memref<1x128x128xf32, #tpu.memory_space<vmem>> -> memref<128x128xf32, #tpu.memory_space<vmem>>
        %dma_start3A_87 = arith.constant 0 : i32
        %dma_start3A_88 = tpu.memref_slice %arg9[%mul3A_71, %dma_start3A_87] : memref<40x128xi32, #tpu.memory_space<vmem>> -> memref<1x128xi32, #tpu.memory_space<vmem>>
        %dma_start3A_89 = tpu.memref_squeeze %dma_start3A_88 : memref<1x128xi32, #tpu.memory_space<vmem>> -> memref<128xi32, #tpu.memory_space<vmem>>
        %dma_start3A_90 = arith.constant 0 : i32
        %dma_start3A_91 = arith.constant 0 : i32
        %dma_start3A_92 = tpu.memref_slice %arg11[%dma_start3A_90, %dma_start3A_91] : memref<10240x128xf32, #tpu.memory_space<vmem_shared>> -> memref<10240x128xf32, #tpu.memory_space<vmem_shared>>
        tpu.enqueue_indirect_dma source(%dma_start3A_86 : memref<128x128xf32, #tpu.memory_space<vmem>>) target(%dma_start3A_92 : memref<10240x128xf32, #tpu.memory_space<vmem_shared>>) offsets(%dma_start3A_89 : memref<128xi32, #tpu.memory_space<vmem>>) semaphore(%arg13 : memref<!tpu.dma_semaphore, #tpu.memory_space<semaphore_mem>>) {add = true}
        %add3A_93 = arith.constant 1 : i32
        %add3A_94 = arith.addi %mul3A_71, %add3A_93 : i32
        %dma_wait3A_95 = arith.constant 1 : i32
        %dma_wait3A_96 = arith.constant 0 : i32
        %dma_wait3A_97 = arith.constant 0 : i32
        %dma_wait3A_98 = tpu.memref_slice %arg10[%dma_wait3A_95, %dma_wait3A_96, %dma_wait3A_97] : memref<2x128x128xf32, #tpu.memory_space<vmem>> -> memref<1x128x128xf32, #tpu.memory_space<vmem>>
        %dma_wait3A_99 = tpu.memref_squeeze %dma_wait3A_98 : memref<1x128x128xf32, #tpu.memory_space<vmem>> -> memref<128x128xf32, #tpu.memory_space<vmem>>
        %dma_wait3A_100 = arith.constant 0 : i32
        %dma_wait3A_101 = tpu.memref_slice %arg8[%add3A_94, %dma_wait3A_100] : memref<40x128xi32, #tpu.memory_space<vmem>> -> memref<1x128xi32, #tpu.memory_space<vmem>>
        %dma_wait3A_102 = tpu.memref_squeeze %dma_wait3A_101 : memref<1x128xi32, #tpu.memory_space<vmem>> -> memref<128xi32, #tpu.memory_space<vmem>>
        %dma_wait3A_103 = arith.constant 0 : i32
        %dma_wait3A_104 = arith.constant 0 : i32
        %dma_wait3A_105 = tpu.memref_slice %arg2[%dma_wait3A_103, %dma_wait3A_104] : memref<10240x128xf32, #tpu.memory_space<hbm>> -> memref<10240x128xf32, #tpu.memory_space<hbm>>
        tpu.wait_indirect_dma semaphore(%arg12 : memref<!tpu.dma_semaphore, #tpu.memory_space<semaphore_mem>>) src(%dma_wait3A_105 : memref<10240x128xf32, #tpu.memory_space<hbm>>) dst(%dma_wait3A_99 : memref<128x128xf32, #tpu.memory_space<vmem>>)
        %add3A_106 = arith.constant 1 : i32
        %add3A_107 = arith.addi %mul3A_71, %add3A_106 : i32
        %dma_start3A_108 = arith.constant 1 : i32
        %dma_start3A_109 = arith.constant 0 : i32
        %dma_start3A_110 = arith.constant 0 : i32
        %dma_start3A_111 = tpu.memref_slice %arg10[%dma_start3A_108, %dma_start3A_109, %dma_start3A_110] : memref<2x128x128xf32, #tpu.memory_space<vmem>> -> memref<1x128x128xf32, #tpu.memory_space<vmem>>
        %dma_start3A_112 = tpu.memref_squeeze %dma_start3A_111 : memref<1x128x128xf32, #tpu.memory_space<vmem>> -> memref<128x128xf32, #tpu.memory_space<vmem>>
        %dma_start3A_113 = arith.constant 0 : i32
        %dma_start3A_114 = tpu.memref_slice %arg9[%add3A_107, %dma_start3A_113] : memref<40x128xi32, #tpu.memory_space<vmem>> -> memref<1x128xi32, #tpu.memory_space<vmem>>
        %dma_start3A_115 = tpu.memref_squeeze %dma_start3A_114 : memref<1x128xi32, #tpu.memory_space<vmem>> -> memref<128xi32, #tpu.memory_space<vmem>>
        %dma_start3A_116 = arith.constant 0 : i32
        %dma_start3A_117 = arith.constant 0 : i32
        %dma_start3A_118 = tpu.memref_slice %arg11[%dma_start3A_116, %dma_start3A_117] : memref<10240x128xf32, #tpu.memory_space<vmem_shared>> -> memref<10240x128xf32, #tpu.memory_space<vmem_shared>>
        tpu.enqueue_indirect_dma source(%dma_start3A_112 : memref<128x128xf32, #tpu.memory_space<vmem>>) target(%dma_start3A_118 : memref<10240x128xf32, #tpu.memory_space<vmem_shared>>) offsets(%dma_start3A_115 : memref<128xi32, #tpu.memory_space<vmem>>) semaphore(%arg13 : memref<!tpu.dma_semaphore, #tpu.memory_space<semaphore_mem>>) {add = true}
        %dma_wait3A_119 = arith.constant 0 : i32
        %dma_wait3A_120 = arith.constant 0 : i32
        %dma_wait3A_121 = arith.constant 0 : i32
        %dma_wait3A_122 = tpu.memref_slice %arg10[%dma_wait3A_119, %dma_wait3A_120, %dma_wait3A_121] : memref<2x128x128xf32, #tpu.memory_space<vmem>> -> memref<1x128x128xf32, #tpu.memory_space<vmem>>
        %dma_wait3A_123 = tpu.memref_squeeze %dma_wait3A_122 : memref<1x128x128xf32, #tpu.memory_space<vmem>> -> memref<128x128xf32, #tpu.memory_space<vmem>>
        %dma_wait3A_124 = arith.constant 0 : i32
        %dma_wait3A_125 = tpu.memref_slice %arg9[%mul3A_71, %dma_wait3A_124] : memref<40x128xi32, #tpu.memory_space<vmem>> -> memref<1x128xi32, #tpu.memory_space<vmem>>
        %dma_wait3A_126 = tpu.memref_squeeze %dma_wait3A_125 : memref<1x128xi32, #tpu.memory_space<vmem>> -> memref<128xi32, #tpu.memory_space<vmem>>
        %dma_wait3A_127 = arith.constant 0 : i32
        %dma_wait3A_128 = arith.constant 0 : i32
        %dma_wait3A_129 = tpu.memref_slice %arg11[%dma_wait3A_127, %dma_wait3A_128] : memref<10240x128xf32, #tpu.memory_space<vmem_shared>> -> memref<10240x128xf32, #tpu.memory_space<vmem_shared>>
        tpu.wait_indirect_dma semaphore(%arg13 : memref<!tpu.dma_semaphore, #tpu.memory_space<semaphore_mem>>) src(%dma_wait3A_123 : memref<128x128xf32, #tpu.memory_space<vmem>>) dst(%dma_wait3A_129 : memref<10240x128xf32, #tpu.memory_space<vmem_shared>>)
        %add3A_130 = arith.constant 2 : i32
        %add3A_131 = arith.addi %mul3A_71, %add3A_130 : i32
        %lt3A_132 = arith.constant 40 : i32
        %lt3A_133 = arith.cmpi slt, %add3A_131, %lt3A_132 : i32
        %convert_element_type3A_134 = arith.extui %lt3A_133 : i1 to i32
        %cond3A_135 = arith.constant 0 : i32
        %cond3A_136 = arith.cmpi ne, %convert_element_type3A_134, %cond3A_135 : i32
        scf.if %cond3A_136 {
          %add3A_157 = arith.constant 2 : i32
          %add3A_158 = arith.addi %mul3A_71, %add3A_157 : i32
          %dma_start3A_159 = arith.constant 0 : i32
          %dma_start3A_160 = arith.constant 0 : i32
          %dma_start3A_161 = arith.constant 0 : i32
          %dma_start3A_162 = tpu.memref_slice %arg10[%dma_start3A_159, %dma_start3A_160, %dma_start3A_161] : memref<2x128x128xf32, #tpu.memory_space<vmem>> -> memref<1x128x128xf32, #tpu.memory_space<vmem>>
          %dma_start3A_163 = tpu.memref_squeeze %dma_start3A_162 : memref<1x128x128xf32, #tpu.memory_space<vmem>> -> memref<128x128xf32, #tpu.memory_space<vmem>>
          %dma_start3A_164 = arith.constant 0 : i32
          %dma_start3A_165 = tpu.memref_slice %arg8[%add3A_158, %dma_start3A_164] : memref<40x128xi32, #tpu.memory_space<vmem>> -> memref<1x128xi32, #tpu.memory_space<vmem>>
          %dma_start3A_166 = tpu.memref_squeeze %dma_start3A_165 : memref<1x128xi32, #tpu.memory_space<vmem>> -> memref<128xi32, #tpu.memory_space<vmem>>
          %dma_start3A_167 = arith.constant 0 : i32
          %dma_start3A_168 = arith.constant 0 : i32
          %dma_start3A_169 = tpu.memref_slice %arg2[%dma_start3A_167, %dma_start3A_168] : memref<10240x128xf32, #tpu.memory_space<hbm>> -> memref<10240x128xf32, #tpu.memory_space<hbm>>
          tpu.enqueue_indirect_dma source(%dma_start3A_169 : memref<10240x128xf32, #tpu.memory_space<hbm>>) target(%dma_start3A_163 : memref<128x128xf32, #tpu.memory_space<vmem>>) offsets(%dma_start3A_166 : memref<128xi32, #tpu.memory_space<vmem>>) semaphore(%arg12 : memref<!tpu.dma_semaphore, #tpu.memory_space<semaphore_mem>>)
        } else {
        }
        %add3A_137 = arith.constant 1 : i32
        %add3A_138 = arith.addi %mul3A_71, %add3A_137 : i32
        %dma_wait3A_139 = arith.constant 1 : i32
        %dma_wait3A_140 = arith.constant 0 : i32
        %dma_wait3A_141 = arith.constant 0 : i32
        %dma_wait3A_142 = tpu.memref_slice %arg10[%dma_wait3A_139, %dma_wait3A_140, %dma_wait3A_141] : memref<2x128x128xf32, #tpu.memory_space<vmem>> -> memref<1x128x128xf32, #tpu.memory_space<vmem>>
        %dma_wait3A_143 = tpu.memref_squeeze %dma_wait3A_142 : memref<1x128x128xf32, #tpu.memory_space<vmem>> -> memref<128x128xf32, #tpu.memory_space<vmem>>
        %dma_wait3A_144 = arith.constant 0 : i32
        %dma_wait3A_145 = tpu.memref_slice %arg9[%add3A_138, %dma_wait3A_144] : memref<40x128xi32, #tpu.memory_space<vmem>> -> memref<1x128xi32, #tpu.memory_space<vmem>>
        %dma_wait3A_146 = tpu.memref_squeeze %dma_wait3A_145 : memref<1x128xi32, #tpu.memory_space<vmem>> -> memref<128xi32, #tpu.memory_space<vmem>>
        %dma_wait3A_147 = arith.constant 0 : i32
        %dma_wait3A_148 = arith.constant 0 : i32
        %dma_wait3A_149 = tpu.memref_slice %arg11[%dma_wait3A_147, %dma_wait3A_148] : memref<10240x128xf32, #tpu.memory_space<vmem_shared>> -> memref<10240x128xf32, #tpu.memory_space<vmem_shared>>
        tpu.wait_indirect_dma semaphore(%arg13 : memref<!tpu.dma_semaphore, #tpu.memory_space<semaphore_mem>>) src(%dma_wait3A_143 : memref<128x128xf32, #tpu.memory_space<vmem>>) dst(%dma_wait3A_149 : memref<10240x128xf32, #tpu.memory_space<vmem_shared>>)
        %add3A_150 = arith.constant 3 : i32
        %add3A_151 = arith.addi %mul3A_71, %add3A_150 : i32
        %lt3A_152 = arith.constant 40 : i32
        %lt3A_153 = arith.cmpi slt, %add3A_151, %lt3A_152 : i32
        %convert_element_type3A_154 = arith.extui %lt3A_153 : i1 to i32
        %cond3A_155 = arith.constant 0 : i32
        %cond3A_156 = arith.cmpi ne, %convert_element_type3A_154, %cond3A_155 : i32
        scf.if %cond3A_156 {
          %add3A_157 = arith.constant 3 : i32
          %add3A_158 = arith.addi %mul3A_71, %add3A_157 : i32
          %dma_start3A_159 = arith.constant 1 : i32
          %dma_start3A_160 = arith.constant 0 : i32
          %dma_start3A_161 = arith.constant 0 : i32
          %dma_start3A_162 = tpu.memref_slice %arg10[%dma_start3A_159, %dma_start3A_160, %dma_start3A_161] : memref<2x128x128xf32, #tpu.memory_space<vmem>> -> memref<1x128x128xf32, #tpu.memory_space<vmem>>
          %dma_start3A_163 = tpu.memref_squeeze %dma_start3A_162 : memref<1x128x128xf32, #tpu.memory_space<vmem>> -> memref<128x128xf32, #tpu.memory_space<vmem>>
          %dma_start3A_164 = arith.constant 0 : i32
          %dma_start3A_165 = tpu.memref_slice %arg8[%add3A_158, %dma_start3A_164] : memref<40x128xi32, #tpu.memory_space<vmem>> -> memref<1x128xi32, #tpu.memory_space<vmem>>
          %dma_start3A_166 = tpu.memref_squeeze %dma_start3A_165 : memref<1x128xi32, #tpu.memory_space<vmem>> -> memref<128xi32, #tpu.memory_space<vmem>>
          %dma_start3A_167 = arith.constant 0 : i32
          %dma_start3A_168 = arith.constant 0 : i32
          %dma_start3A_169 = tpu.memref_slice %arg2[%dma_start3A_167, %dma_start3A_168] : memref<10240x128xf32, #tpu.memory_space<hbm>> -> memref<10240x128xf32, #tpu.memory_space<hbm>>
          tpu.enqueue_indirect_dma source(%dma_start3A_169 : memref<10240x128xf32, #tpu.memory_space<hbm>>) target(%dma_start3A_163 : memref<128x128xf32, #tpu.memory_space<vmem>>) offsets(%dma_start3A_166 : memref<128xi32, #tpu.memory_space<vmem>>) semaphore(%arg12 : memref<!tpu.dma_semaphore, #tpu.memory_space<semaphore_mem>>)
        } else {
        }
      }
      %scan3A_68 = arith.constant 20 : i32
    }
    %scan3A_14 = arith.constant 2 : i32
    %barrier3A_15 = arith.constant 0 : index
    tpu.barrier barrier_id(%barrier3A_15)
    "tpu.region"() ({
      %run_scoped3A = tpu.sem_alloc : memref<!tpu.dma_semaphore, #tpu.memory_space<semaphore_mem>>
      %dma_start3A = arith.constant 0 : i32
      %dma_start3A_16 = tpu.memref_slice %arg7[%arg0, %mul3A_2, %dma_start3A] : memref<2x10240x128xf32, #tpu.memory_space<hbm>> -> memref<1x640x128xf32, #tpu.memory_space<hbm>>
      %dma_start3A_17 = tpu.memref_squeeze %dma_start3A_16 : memref<1x640x128xf32, #tpu.memory_space<hbm>> -> memref<640x128xf32, #tpu.memory_space<hbm>>
      %dma_start3A_18 = arith.constant 0 : i32
      %dma_start3A_19 = tpu.memref_slice %arg11[%mul3A_2, %dma_start3A_18] : memref<10240x128xf32, #tpu.memory_space<vmem_shared>> -> memref<640x128xf32, #tpu.memory_space<vmem_shared>>
      tpu.enqueue_dma source(%dma_start3A_19 : memref<640x128xf32, #tpu.memory_space<vmem_shared>>) target(%dma_start3A_17 : memref<640x128xf32, #tpu.memory_space<hbm>>) target_semaphore(%run_scoped3A : memref<!tpu.dma_semaphore, #tpu.memory_space<semaphore_mem>>)
      %dma_wait3A = arith.constant 0 : i32
      %dma_wait3A_20 = tpu.memref_slice %arg7[%arg0, %mul3A_2, %dma_wait3A] : memref<2x10240x128xf32, #tpu.memory_space<hbm>> -> memref<1x640x128xf32, #tpu.memory_space<hbm>>
      %dma_wait3A_21 = tpu.memref_squeeze %dma_wait3A_20 : memref<1x640x128xf32, #tpu.memory_space<hbm>> -> memref<640x128xf32, #tpu.memory_space<hbm>>
      %dma_wait3A_22 = arith.constant 0 : i32
      %dma_wait3A_23 = tpu.memref_slice %arg11[%mul3A_2, %dma_wait3A_22] : memref<10240x128xf32, #tpu.memory_space<vmem_shared>> -> memref<640x128xf32, #tpu.memory_space<vmem_shared>>
      tpu.wait_dma2 semaphore(%run_scoped3A : memref<!tpu.dma_semaphore, #tpu.memory_space<semaphore_mem>>) src(%dma_wait3A_23 : memref<640x128xf32, #tpu.memory_space<vmem_shared>>) dst(%dma_wait3A_21 : memref<640x128xf32, #tpu.memory_space<hbm>>)
      tpu.yield
    }) : () -> ()
    return
  }
}

#map = affine_map<(d0, d1) -> (0, 0)>
module attributes {stable_mosaic.version = 14 : i64} {
  func.func @_sc_degree_body(%arg0: i32, %arg1: i32, %arg2: memref<2480x128xi32, #tpu.memory_space<hbm>>, %arg3: memref<80x128xi32, #tpu.memory_space<hbm>>, %arg4: memref<2x10240xf32, #tpu.memory_space<hbm>>, %arg5: memref<80x128xi32, #tpu.memory_space<vmem>>, %arg6: memref<128xf32, #tpu.memory_space<vmem>>, %arg7: memref<640xf32, #tpu.memory_space<vmem>>, %arg8: memref<10240xf32, #tpu.memory_space<vmem_shared>>) attributes {dimension_semantics = [#tpu.dimension_semantics<core_parallel>, #tpu.dimension_semantics<subcore_parallel>], iteration_bounds = array<i64: 2, 16>, scalar_prefetch = 0 : i64, scratch_operands = 4 : i64, tpu.core_type = #tpu.core_type<sc_vector_subcore>, window_params = [{transform_indices = #map}, {transform_indices = #map}, {transform_indices = #map}]} {
    %mul3A = arith.constant 16 : i32
    %mul3A_0 = arith.muli %arg0, %mul3A : i32
    %add3A = arith.addi %mul3A_0, %arg1 : i32
    %scan3A = arith.constant 0 : i32
    %scan3A_1 = arith.constant 0 : i32
    %scan3A_2 = arith.constant 8 : i32
    %scan3A_3 = arith.addi %scan3A_1, %scan3A_2 : i32
    %scan3A_4 = arith.constant 1 : i32
    scf.for %scan3A_47 = %scan3A_1 to %scan3A_3 step %scan3A_4  : i32 {
      %broadcast_in_dim3A = arith.constant 1.000000e+00 : f32
      %broadcast_in_dim3A_48 = vector.broadcast %broadcast_in_dim3A : f32 to vector<16xf32>
      %mul3A_49 = arith.constant 16 : i32
      %mul3A_50 = arith.muli %scan3A_47, %mul3A_49 : i32
      %swap3A = arith.index_cast %mul3A_50 : i32 to index
      %swap3A_51 = tpu.vector_load %arg6[%swap3A] {strides = array<i32>} : memref<128xf32, #tpu.memory_space<vmem>>, vector<16xf32>,
      %swap3A_52 = vector.shape_cast %swap3A_51 : vector<16xf32> to vector<16xf32>
      %swap3A_53 = vector.shape_cast %broadcast_in_dim3A_48 : vector<16xf32> to vector<16xf32>
      tpu.vector_store %arg6[%swap3A], %swap3A_53 {strides = array<i32>} : memref<128xf32, #tpu.memory_space<vmem>>, vector<16xf32>,
    }
    %scan3A_5 = arith.constant 8 : i32
    %scan3A_6 = arith.constant 0 : i32
    %scan3A_7 = arith.constant 0 : i32
    %scan3A_8 = arith.constant 40 : i32
    %scan3A_9 = arith.addi %scan3A_7, %scan3A_8 : i32
    %scan3A_10 = arith.constant 1 : i32
    scf.for %scan3A_47 = %scan3A_7 to %scan3A_9 step %scan3A_10  : i32 {
      %broadcast_in_dim3A = arith.constant 0.000000e+00 : f32
      %broadcast_in_dim3A_48 = vector.broadcast %broadcast_in_dim3A : f32 to vector<16xf32>
      %mul3A_49 = arith.constant 16 : i32
      %mul3A_50 = arith.muli %scan3A_47, %mul3A_49 : i32
      %swap3A = arith.index_cast %mul3A_50 : i32 to index
      %swap3A_51 = tpu.vector_load %arg7[%swap3A] {strides = array<i32>} : memref<640xf32, #tpu.memory_space<vmem>>, vector<16xf32>,
      %swap3A_52 = vector.shape_cast %swap3A_51 : vector<16xf32> to vector<16xf32>
      %swap3A_53 = vector.shape_cast %broadcast_in_dim3A_48 : vector<16xf32> to vector<16xf32>
      tpu.vector_store %arg7[%swap3A], %swap3A_53 {strides = array<i32>} : memref<640xf32, #tpu.memory_space<vmem>>, vector<16xf32>,
    }
    %scan3A_11 = arith.constant 40 : i32
    %mul3A_12 = arith.constant 640 : i32
    %mul3A_13 = arith.muli %arg1, %mul3A_12 : i32
    "tpu.region"() ({
      %run_scoped3A = tpu.sem_alloc : memref<!tpu.dma_semaphore, #tpu.memory_space<semaphore_mem>>
      %dma_start3A = tpu.memref_slice %arg8[%mul3A_13] : memref<10240xf32, #tpu.memory_space<vmem_shared>> -> memref<640xf32, #tpu.memory_space<vmem_shared>>
      %dma_start3A_47 = tpu.memref_slice %arg8[%mul3A_13] : memref<10240xf32, #tpu.memory_space<vmem_shared>> -> memref<640xf32, #tpu.memory_space<vmem_shared>>
      tpu.enqueue_dma source(%arg7 : memref<640xf32, #tpu.memory_space<vmem>>) target(%dma_start3A_47 : memref<640xf32, #tpu.memory_space<vmem_shared>>) target_semaphore(%run_scoped3A : memref<!tpu.dma_semaphore, #tpu.memory_space<semaphore_mem>>)
      %dma_wait3A = tpu.memref_slice %arg8[%mul3A_13] : memref<10240xf32, #tpu.memory_space<vmem_shared>> -> memref<640xf32, #tpu.memory_space<vmem_shared>>
      %dma_wait3A_48 = tpu.memref_slice %arg8[%mul3A_13] : memref<10240xf32, #tpu.memory_space<vmem_shared>> -> memref<640xf32, #tpu.memory_space<vmem_shared>>
      tpu.wait_dma2 semaphore(%run_scoped3A : memref<!tpu.dma_semaphore, #tpu.memory_space<semaphore_mem>>) src(%arg7 : memref<640xf32, #tpu.memory_space<vmem>>) dst(%dma_wait3A_48 : memref<640xf32, #tpu.memory_space<vmem_shared>>)
      tpu.yield
    }) : () -> ()
    %mul3A_14 = arith.constant 80 : i32
    %mul3A_15 = arith.muli %add3A, %mul3A_14 : i32
    %lt3A = arith.constant 2480 : i32
    %lt3A_16 = arith.cmpi slt, %mul3A_15, %lt3A : i32
    %convert_element_type3A = arith.extui %lt3A_16 : i1 to i32
    %cond3A = arith.constant 0 : i32
    %cond3A_17 = arith.cmpi ne, %convert_element_type3A, %cond3A : i32
    scf.if %cond3A_17 {
      "tpu.region"() ({
        %run_scoped3A = tpu.sem_alloc : memref<!tpu.dma_semaphore, #tpu.memory_space<semaphore_mem>>
        %dma_start3A = arith.constant 0 : i32
        %dma_start3A_47 = arith.constant 0 : i32
        %dma_start3A_48 = tpu.memref_slice %arg5[%dma_start3A, %dma_start3A_47] : memref<80x128xi32, #tpu.memory_space<vmem>> -> memref<40x128xi32, #tpu.memory_space<vmem>>
        %dma_start3A_49 = arith.constant 0 : i32
        %dma_start3A_50 = tpu.memref_slice %arg2[%mul3A_15, %dma_start3A_49] : memref<2480x128xi32, #tpu.memory_space<hbm>> -> memref<40x128xi32, #tpu.memory_space<hbm>>
        %dma_start3A_51 = arith.constant 0 : i32
        %dma_start3A_52 = arith.constant 0 : i32
        %dma_start3A_53 = tpu.memref_slice %arg5[%dma_start3A_51, %dma_start3A_52] : memref<80x128xi32, #tpu.memory_space<vmem>> -> memref<40x128xi32, #tpu.memory_space<vmem>>
        %dma_start3A_54 = arith.constant 0 : i32
        %dma_start3A_55 = tpu.memref_slice %arg2[%mul3A_15, %dma_start3A_54] : memref<2480x128xi32, #tpu.memory_space<hbm>> -> memref<40x128xi32, #tpu.memory_space<hbm>>
        tpu.enqueue_dma source(%dma_start3A_55 : memref<40x128xi32, #tpu.memory_space<hbm>>) target(%dma_start3A_53 : memref<40x128xi32, #tpu.memory_space<vmem>>) target_semaphore(%run_scoped3A : memref<!tpu.dma_semaphore, #tpu.memory_space<semaphore_mem>>)
        %dma_wait3A = arith.constant 0 : i32
        %dma_wait3A_56 = arith.constant 0 : i32
        %dma_wait3A_57 = tpu.memref_slice %arg5[%dma_wait3A, %dma_wait3A_56] : memref<80x128xi32, #tpu.memory_space<vmem>> -> memref<40x128xi32, #tpu.memory_space<vmem>>
        %dma_wait3A_58 = arith.constant 0 : i32
        %dma_wait3A_59 = tpu.memref_slice %arg2[%mul3A_15, %dma_wait3A_58] : memref<2480x128xi32, #tpu.memory_space<hbm>> -> memref<40x128xi32, #tpu.memory_space<hbm>>
        %dma_wait3A_60 = arith.constant 0 : i32
        %dma_wait3A_61 = arith.constant 0 : i32
        %dma_wait3A_62 = tpu.memref_slice %arg5[%dma_wait3A_60, %dma_wait3A_61] : memref<80x128xi32, #tpu.memory_space<vmem>> -> memref<40x128xi32, #tpu.memory_space<vmem>>
        %dma_wait3A_63 = arith.constant 0 : i32
        %dma_wait3A_64 = tpu.memref_slice %arg2[%mul3A_15, %dma_wait3A_63] : memref<2480x128xi32, #tpu.memory_space<hbm>> -> memref<40x128xi32, #tpu.memory_space<hbm>>
        tpu.wait_dma2 semaphore(%run_scoped3A : memref<!tpu.dma_semaphore, #tpu.memory_space<semaphore_mem>>) src(%dma_wait3A_64 : memref<40x128xi32, #tpu.memory_space<hbm>>) dst(%dma_wait3A_62 : memref<40x128xi32, #tpu.memory_space<vmem>>)
        tpu.yield
      }) : () -> ()
    } else {
    }
    %ge3A = arith.constant 2480 : i32
    %ge3A_18 = arith.cmpi sge, %mul3A_15, %ge3A : i32
    %convert_element_type3A_19 = arith.extui %ge3A_18 : i1 to i32
    %cond3A_20 = arith.constant 0 : i32
    %cond3A_21 = arith.cmpi ne, %convert_element_type3A_19, %cond3A_20 : i32
    scf.if %cond3A_21 {
      %sub3A = arith.constant 2480 : i32
      %sub3A_47 = arith.subi %mul3A_15, %sub3A : i32
      "tpu.region"() ({
        %run_scoped3A = tpu.sem_alloc : memref<!tpu.dma_semaphore, #tpu.memory_space<semaphore_mem>>
        %dma_start3A = arith.constant 0 : i32
        %dma_start3A_48 = arith.constant 0 : i32
        %dma_start3A_49 = tpu.memref_slice %arg5[%dma_start3A, %dma_start3A_48] : memref<80x128xi32, #tpu.memory_space<vmem>> -> memref<40x128xi32, #tpu.memory_space<vmem>>
        %dma_start3A_50 = arith.constant 0 : i32
        %dma_start3A_51 = tpu.memref_slice %arg3[%sub3A_47, %dma_start3A_50] : memref<80x128xi32, #tpu.memory_space<hbm>> -> memref<40x128xi32, #tpu.memory_space<hbm>>
        %dma_start3A_52 = arith.constant 0 : i32
        %dma_start3A_53 = arith.constant 0 : i32
        %dma_start3A_54 = tpu.memref_slice %arg5[%dma_start3A_52, %dma_start3A_53] : memref<80x128xi32, #tpu.memory_space<vmem>> -> memref<40x128xi32, #tpu.memory_space<vmem>>
        %dma_start3A_55 = arith.constant 0 : i32
        %dma_start3A_56 = tpu.memref_slice %arg3[%sub3A_47, %dma_start3A_55] : memref<80x128xi32, #tpu.memory_space<hbm>> -> memref<40x128xi32, #tpu.memory_space<hbm>>
        tpu.enqueue_dma source(%dma_start3A_56 : memref<40x128xi32, #tpu.memory_space<hbm>>) target(%dma_start3A_54 : memref<40x128xi32, #tpu.memory_space<vmem>>) target_semaphore(%run_scoped3A : memref<!tpu.dma_semaphore, #tpu.memory_space<semaphore_mem>>)
        %dma_wait3A = arith.constant 0 : i32
        %dma_wait3A_57 = arith.constant 0 : i32
        %dma_wait3A_58 = tpu.memref_slice %arg5[%dma_wait3A, %dma_wait3A_57] : memref<80x128xi32, #tpu.memory_space<vmem>> -> memref<40x128xi32, #tpu.memory_space<vmem>>
        %dma_wait3A_59 = arith.constant 0 : i32
        %dma_wait3A_60 = tpu.memref_slice %arg3[%sub3A_47, %dma_wait3A_59] : memref<80x128xi32, #tpu.memory_space<hbm>> -> memref<40x128xi32, #tpu.memory_space<hbm>>
        %dma_wait3A_61 = arith.constant 0 : i32
        %dma_wait3A_62 = arith.constant 0 : i32
        %dma_wait3A_63 = tpu.memref_slice %arg5[%dma_wait3A_61, %dma_wait3A_62] : memref<80x128xi32, #tpu.memory_space<vmem>> -> memref<40x128xi32, #tpu.memory_space<vmem>>
        %dma_wait3A_64 = arith.constant 0 : i32
        %dma_wait3A_65 = tpu.memref_slice %arg3[%sub3A_47, %dma_wait3A_64] : memref<80x128xi32, #tpu.memory_space<hbm>> -> memref<40x128xi32, #tpu.memory_space<hbm>>
        tpu.wait_dma2 semaphore(%run_scoped3A : memref<!tpu.dma_semaphore, #tpu.memory_space<semaphore_mem>>) src(%dma_wait3A_65 : memref<40x128xi32, #tpu.memory_space<hbm>>) dst(%dma_wait3A_63 : memref<40x128xi32, #tpu.memory_space<vmem>>)
        tpu.yield
      }) : () -> ()
    } else {
    }
    %mul3A_22 = arith.constant 80 : i32
    %mul3A_23 = arith.muli %add3A, %mul3A_22 : i32
    %add3A_24 = arith.constant 40 : i32
    %add3A_25 = arith.addi %mul3A_23, %add3A_24 : i32
    %lt3A_26 = arith.constant 2480 : i32
    %lt3A_27 = arith.cmpi slt, %add3A_25, %lt3A_26 : i32
    %convert_element_type3A_28 = arith.extui %lt3A_27 : i1 to i32
    %cond3A_29 = arith.constant 0 : i32
    %cond3A_30 = arith.cmpi ne, %convert_element_type3A_28, %cond3A_29 : i32
    scf.if %cond3A_30 {
      "tpu.region"() ({
        %run_scoped3A = tpu.sem_alloc : memref<!tpu.dma_semaphore, #tpu.memory_space<semaphore_mem>>
        %dma_start3A = arith.constant 40 : i32
        %dma_start3A_47 = arith.constant 0 : i32
        %dma_start3A_48 = tpu.memref_slice %arg5[%dma_start3A, %dma_start3A_47] : memref<80x128xi32, #tpu.memory_space<vmem>> -> memref<40x128xi32, #tpu.memory_space<vmem>>
        %dma_start3A_49 = arith.constant 0 : i32
        %dma_start3A_50 = tpu.memref_slice %arg2[%add3A_25, %dma_start3A_49] : memref<2480x128xi32, #tpu.memory_space<hbm>> -> memref<40x128xi32, #tpu.memory_space<hbm>>
        %dma_start3A_51 = arith.constant 40 : i32
        %dma_start3A_52 = arith.constant 0 : i32
        %dma_start3A_53 = tpu.memref_slice %arg5[%dma_start3A_51, %dma_start3A_52] : memref<80x128xi32, #tpu.memory_space<vmem>> -> memref<40x128xi32, #tpu.memory_space<vmem>>
        %dma_start3A_54 = arith.constant 0 : i32
        %dma_start3A_55 = tpu.memref_slice %arg2[%add3A_25, %dma_start3A_54] : memref<2480x128xi32, #tpu.memory_space<hbm>> -> memref<40x128xi32, #tpu.memory_space<hbm>>
        tpu.enqueue_dma source(%dma_start3A_55 : memref<40x128xi32, #tpu.memory_space<hbm>>) target(%dma_start3A_53 : memref<40x128xi32, #tpu.memory_space<vmem>>) target_semaphore(%run_scoped3A : memref<!tpu.dma_semaphore, #tpu.memory_space<semaphore_mem>>)
        %dma_wait3A = arith.constant 40 : i32
        %dma_wait3A_56 = arith.constant 0 : i32
        %dma_wait3A_57 = tpu.memref_slice %arg5[%dma_wait3A, %dma_wait3A_56] : memref<80x128xi32, #tpu.memory_space<vmem>> -> memref<40x128xi32, #tpu.memory_space<vmem>>
        %dma_wait3A_58 = arith.constant 0 : i32
        %dma_wait3A_59 = tpu.memref_slice %arg2[%add3A_25, %dma_wait3A_58] : memref<2480x128xi32, #tpu.memory_space<hbm>> -> memref<40x128xi32, #tpu.memory_space<hbm>>
        %dma_wait3A_60 = arith.constant 40 : i32
        %dma_wait3A_61 = arith.constant 0 : i32
        %dma_wait3A_62 = tpu.memref_slice %arg5[%dma_wait3A_60, %dma_wait3A_61] : memref<80x128xi32, #tpu.memory_space<vmem>> -> memref<40x128xi32, #tpu.memory_space<vmem>>
        %dma_wait3A_63 = arith.constant 0 : i32
        %dma_wait3A_64 = tpu.memref_slice %arg2[%add3A_25, %dma_wait3A_63] : memref<2480x128xi32, #tpu.memory_space<hbm>> -> memref<40x128xi32, #tpu.memory_space<hbm>>
        tpu.wait_dma2 semaphore(%run_scoped3A : memref<!tpu.dma_semaphore, #tpu.memory_space<semaphore_mem>>) src(%dma_wait3A_64 : memref<40x128xi32, #tpu.memory_space<hbm>>) dst(%dma_wait3A_62 : memref<40x128xi32, #tpu.memory_space<vmem>>)
        tpu.yield
      }) : () -> ()
    } else {
    }
    %ge3A_31 = arith.constant 2480 : i32
    %ge3A_32 = arith.cmpi sge, %add3A_25, %ge3A_31 : i32
    %convert_element_type3A_33 = arith.extui %ge3A_32 : i1 to i32
    %cond3A_34 = arith.constant 0 : i32
    %cond3A_35 = arith.cmpi ne, %convert_element_type3A_33, %cond3A_34 : i32
    scf.if %cond3A_35 {
      %sub3A = arith.constant 2480 : i32
      %sub3A_47 = arith.subi %add3A_25, %sub3A : i32
      "tpu.region"() ({
        %run_scoped3A = tpu.sem_alloc : memref<!tpu.dma_semaphore, #tpu.memory_space<semaphore_mem>>
        %dma_start3A = arith.constant 40 : i32
        %dma_start3A_48 = arith.constant 0 : i32
        %dma_start3A_49 = tpu.memref_slice %arg5[%dma_start3A, %dma_start3A_48] : memref<80x128xi32, #tpu.memory_space<vmem>> -> memref<40x128xi32, #tpu.memory_space<vmem>>
        %dma_start3A_50 = arith.constant 0 : i32
        %dma_start3A_51 = tpu.memref_slice %arg3[%sub3A_47, %dma_start3A_50] : memref<80x128xi32, #tpu.memory_space<hbm>> -> memref<40x128xi32, #tpu.memory_space<hbm>>
        %dma_start3A_52 = arith.constant 40 : i32
        %dma_start3A_53 = arith.constant 0 : i32
        %dma_start3A_54 = tpu.memref_slice %arg5[%dma_start3A_52, %dma_start3A_53] : memref<80x128xi32, #tpu.memory_space<vmem>> -> memref<40x128xi32, #tpu.memory_space<vmem>>
        %dma_start3A_55 = arith.constant 0 : i32
        %dma_start3A_56 = tpu.memref_slice %arg3[%sub3A_47, %dma_start3A_55] : memref<80x128xi32, #tpu.memory_space<hbm>> -> memref<40x128xi32, #tpu.memory_space<hbm>>
        tpu.enqueue_dma source(%dma_start3A_56 : memref<40x128xi32, #tpu.memory_space<hbm>>) target(%dma_start3A_54 : memref<40x128xi32, #tpu.memory_space<vmem>>) target_semaphore(%run_scoped3A : memref<!tpu.dma_semaphore, #tpu.memory_space<semaphore_mem>>)
        %dma_wait3A = arith.constant 40 : i32
        %dma_wait3A_57 = arith.constant 0 : i32
        %dma_wait3A_58 = tpu.memref_slice %arg5[%dma_wait3A, %dma_wait3A_57] : memref<80x128xi32, #tpu.memory_space<vmem>> -> memref<40x128xi32, #tpu.memory_space<vmem>>
        %dma_wait3A_59 = arith.constant 0 : i32
        %dma_wait3A_60 = tpu.memref_slice %arg3[%sub3A_47, %dma_wait3A_59] : memref<80x128xi32, #tpu.memory_space<hbm>> -> memref<40x128xi32, #tpu.memory_space<hbm>>
        %dma_wait3A_61 = arith.constant 40 : i32
        %dma_wait3A_62 = arith.constant 0 : i32
        %dma_wait3A_63 = tpu.memref_slice %arg5[%dma_wait3A_61, %dma_wait3A_62] : memref<80x128xi32, #tpu.memory_space<vmem>> -> memref<40x128xi32, #tpu.memory_space<vmem>>
        %dma_wait3A_64 = arith.constant 0 : i32
        %dma_wait3A_65 = tpu.memref_slice %arg3[%sub3A_47, %dma_wait3A_64] : memref<80x128xi32, #tpu.memory_space<hbm>> -> memref<40x128xi32, #tpu.memory_space<hbm>>
        tpu.wait_dma2 semaphore(%run_scoped3A : memref<!tpu.dma_semaphore, #tpu.memory_space<semaphore_mem>>) src(%dma_wait3A_65 : memref<40x128xi32, #tpu.memory_space<hbm>>) dst(%dma_wait3A_63 : memref<40x128xi32, #tpu.memory_space<vmem>>)
        tpu.yield
      }) : () -> ()
    } else {
    }
    %barrier3A = arith.constant 0 : index
    tpu.barrier barrier_id(%barrier3A)
    %scan3A_36 = arith.constant 0 : i32
    %scan3A_37 = arith.constant 0 : i32
    %scan3A_38 = arith.constant 80 : i32
    %scan3A_39 = arith.addi %scan3A_37, %scan3A_38 : i32
    %scan3A_40 = arith.constant 1 : i32
    scf.for %scan3A_47 = %scan3A_37 to %scan3A_39 step %scan3A_40  : i32 {
      "tpu.region"() ({
        %run_scoped3A = tpu.sem_alloc : memref<!tpu.dma_semaphore, #tpu.memory_space<semaphore_mem>>
        %dma_start3A = arith.constant 0 : i32
        %dma_start3A_48 = tpu.memref_slice %arg5[%scan3A_47, %dma_start3A] : memref<80x128xi32, #tpu.memory_space<vmem>> -> memref<1x128xi32, #tpu.memory_space<vmem>>
        %dma_start3A_49 = tpu.memref_squeeze %dma_start3A_48 : memref<1x128xi32, #tpu.memory_space<vmem>> -> memref<128xi32, #tpu.memory_space<vmem>>
        %dma_start3A_50 = arith.constant 0 : i32
        %dma_start3A_51 = tpu.memref_slice %arg8[%dma_start3A_50] : memref<10240xf32, #tpu.memory_space<vmem_shared>> -> memref<10240xf32, #tpu.memory_space<vmem_shared>>
        tpu.enqueue_indirect_dma source(%arg6 : memref<128xf32, #tpu.memory_space<vmem>>) target(%dma_start3A_51 : memref<10240xf32, #tpu.memory_space<vmem_shared>>) offsets(%dma_start3A_49 : memref<128xi32, #tpu.memory_space<vmem>>) semaphore(%run_scoped3A : memref<!tpu.dma_semaphore, #tpu.memory_space<semaphore_mem>>) {add = true}
        %dma_wait3A = arith.constant 0 : i32
        %dma_wait3A_52 = tpu.memref_slice %arg5[%scan3A_47, %dma_wait3A] : memref<80x128xi32, #tpu.memory_space<vmem>> -> memref<1x128xi32, #tpu.memory_space<vmem>>
        %dma_wait3A_53 = tpu.memref_squeeze %dma_wait3A_52 : memref<1x128xi32, #tpu.memory_space<vmem>> -> memref<128xi32, #tpu.memory_space<vmem>>
        %dma_wait3A_54 = arith.constant 0 : i32
        %dma_wait3A_55 = tpu.memref_slice %arg8[%dma_wait3A_54] : memref<10240xf32, #tpu.memory_space<vmem_shared>> -> memref<10240xf32, #tpu.memory_space<vmem_shared>>
        tpu.wait_indirect_dma semaphore(%run_scoped3A : memref<!tpu.dma_semaphore, #tpu.memory_space<semaphore_mem>>) src(%arg6 : memref<128xf32, #tpu.memory_space<vmem>>) dst(%dma_wait3A_55 : memref<10240xf32, #tpu.memory_space<vmem_shared>>)
        tpu.yield
      }) : () -> ()
    }
    %scan3A_41 = arith.constant 80 : i32
    %barrier3A_42 = arith.constant 0 : index
    tpu.barrier barrier_id(%barrier3A_42)
    %mul3A_43 = arith.constant 640 : i32
    %mul3A_44 = arith.muli %arg1, %mul3A_43 : i32
    %mul3A_45 = arith.constant 640 : i32
    %mul3A_46 = arith.muli %arg1, %mul3A_45 : i32
    "tpu.region"() ({
      %run_scoped3A = tpu.sem_alloc : memref<!tpu.dma_semaphore, #tpu.memory_space<semaphore_mem>>
      %dma_start3A = tpu.memref_slice %arg4[%arg0, %mul3A_46] : memref<2x10240xf32, #tpu.memory_space<hbm>> -> memref<1x640xf32, #tpu.memory_space<hbm>>
      %dma_start3A_47 = tpu.memref_squeeze %dma_start3A : memref<1x640xf32, #tpu.memory_space<hbm>> -> memref<640xf32, #tpu.memory_space<hbm>>
      %dma_start3A_48 = tpu.memref_slice %arg8[%mul3A_44] : memref<10240xf32, #tpu.memory_space<vmem_shared>> -> memref<640xf32, #tpu.memory_space<vmem_shared>>
      tpu.enqueue_dma source(%dma_start3A_48 : memref<640xf32, #tpu.memory_space<vmem_shared>>) target(%dma_start3A_47 : memref<640xf32, #tpu.memory_space<hbm>>) target_semaphore(%run_scoped3A : memref<!tpu.dma_semaphore, #tpu.memory_space<semaphore_mem>>)
      %dma_wait3A = tpu.memref_slice %arg4[%arg0, %mul3A_46] : memref<2x10240xf32, #tpu.memory_space<hbm>> -> memref<1x640xf32, #tpu.memory_space<hbm>>
      %dma_wait3A_49 = tpu.memref_squeeze %dma_wait3A : memref<1x640xf32, #tpu.memory_space<hbm>> -> memref<640xf32, #tpu.memory_space<hbm>>
      %dma_wait3A_50 = tpu.memref_slice %arg8[%mul3A_44] : memref<10240xf32, #tpu.memory_space<vmem_shared>> -> memref<640xf32, #tpu.memory_space<vmem_shared>>
      tpu.wait_dma2 semaphore(%run_scoped3A : memref<!tpu.dma_semaphore, #tpu.memory_space<semaphore_mem>>) src(%dma_wait3A_50 : memref<640xf32, #tpu.memory_space<vmem_shared>>) dst(%dma_wait3A_49 : memref<640xf32, #tpu.memory_space<hbm>>)
      tpu.yield
    }) : () -> ()
    return
  }
}

#map = affine_map<(d0, d1) -> (0, 0)>
#map1 = affine_map<(d0, d1) -> (0, 0, 0)>
module attributes {stable_mosaic.version = 14 : i64} {
  func.func @_sc_agg_body(%arg0: i32, %arg1: i32, %arg2: memref<10240x128xf32, #tpu.memory_space<hbm>>, %arg3: memref<2480x128xi32, #tpu.memory_space<hbm>>, %arg4: memref<2480x128xi32, #tpu.memory_space<hbm>>, %arg5: memref<80x128xi32, #tpu.memory_space<hbm>>, %arg6: memref<80x128xi32, #tpu.memory_space<hbm>>, %arg7: memref<2x10240x128xf32, #tpu.memory_space<hbm>>, %arg8: memref<40x128xi32, #tpu.memory_space<vmem>>, %arg9: memref<40x128xi32, #tpu.memory_space<vmem>>, %arg10: memref<2x128x128xf32, #tpu.memory_space<vmem>>, %arg11: memref<10240x128xf32, #tpu.memory_space<vmem_shared>>, %arg12: memref<!tpu.dma_semaphore, #tpu.memory_space<semaphore_mem>>, %arg13: memref<!tpu.dma_semaphore, #tpu.memory_space<semaphore_mem>>) attributes {dimension_semantics = [#tpu.dimension_semantics<core_parallel>, #tpu.dimension_semantics<subcore_parallel>], iteration_bounds = array<i64: 2, 16>, scalar_prefetch = 0 : i64, scratch_operands = 6 : i64, tpu.core_type = #tpu.core_type<sc_vector_subcore>, window_params = [{transform_indices = #map}, {transform_indices = #map}, {transform_indices = #map}, {transform_indices = #map}, {transform_indices = #map}, {transform_indices = #map1}]} {
    %mul3A = arith.constant 16 : i32
    %mul3A_0 = arith.muli %arg0, %mul3A : i32
    %add3A = arith.addi %mul3A_0, %arg1 : i32
    %mul3A_1 = arith.constant 640 : i32
    %mul3A_2 = arith.muli %arg1, %mul3A_1 : i32
    %eq3A = arith.constant 0 : i32
    %eq3A_3 = arith.cmpi eq, %arg0, %eq3A : i32
    %convert_element_type3A = arith.extui %eq3A_3 : i1 to i32
    %cond3A = arith.constant 0 : i32
    %cond3A_4 = arith.cmpi ne, %convert_element_type3A, %cond3A : i32
    scf.if %cond3A_4 {
      "tpu.region"() ({
        %run_scoped3A = tpu.sem_alloc : memref<!tpu.dma_semaphore, #tpu.memory_space<semaphore_mem>>
        %dma_start3A = arith.constant 0 : i32
        %dma_start3A_16 = tpu.memref_slice %arg11[%mul3A_2, %dma_start3A] : memref<10240x128xf32, #tpu.memory_space<vmem_shared>> -> memref<640x128xf32, #tpu.memory_space<vmem_shared>>
        %dma_start3A_17 = arith.constant 0 : i32
        %dma_start3A_18 = tpu.memref_slice %arg2[%mul3A_2, %dma_start3A_17] : memref<10240x128xf32, #tpu.memory_space<hbm>> -> memref<640x128xf32, #tpu.memory_space<hbm>>
        tpu.enqueue_dma source(%dma_start3A_18 : memref<640x128xf32, #tpu.memory_space<hbm>>) target(%dma_start3A_16 : memref<640x128xf32, #tpu.memory_space<vmem_shared>>) target_semaphore(%run_scoped3A : memref<!tpu.dma_semaphore, #tpu.memory_space<semaphore_mem>>)
        %dma_wait3A = arith.constant 0 : i32
        %dma_wait3A_19 = tpu.memref_slice %arg11[%mul3A_2, %dma_wait3A] : memref<10240x128xf32, #tpu.memory_space<vmem_shared>> -> memref<640x128xf32, #tpu.memory_space<vmem_shared>>
        %dma_wait3A_20 = arith.constant 0 : i32
        %dma_wait3A_21 = tpu.memref_slice %arg2[%mul3A_2, %dma_wait3A_20] : memref<10240x128xf32, #tpu.memory_space<hbm>> -> memref<640x128xf32, #tpu.memory_space<hbm>>
        tpu.wait_dma2 semaphore(%run_scoped3A : memref<!tpu.dma_semaphore, #tpu.memory_space<semaphore_mem>>) src(%dma_wait3A_21 : memref<640x128xf32, #tpu.memory_space<hbm>>) dst(%dma_wait3A_19 : memref<640x128xf32, #tpu.memory_space<vmem_shared>>)
        tpu.yield
      }) : () -> ()
    } else {
    }
    %eq3A_5 = arith.constant 1 : i32
    %eq3A_6 = arith.cmpi eq, %arg0, %eq3A_5 : i32
    %convert_element_type3A_7 = arith.extui %eq3A_6 : i1 to i32
    %cond3A_8 = arith.constant 0 : i32
    %cond3A_9 = arith.cmpi ne, %convert_element_type3A_7, %cond3A_8 : i32
    scf.if %cond3A_9 {
      %scan3A_16 = arith.constant 0 : i32
      %scan3A_17 = arith.constant 0 : i32
      %scan3A_18 = arith.constant 1024 : i32
      %scan3A_19 = arith.addi %scan3A_17, %scan3A_18 : i32
      %scan3A_20 = arith.constant 1 : i32
      scf.for %scan3A_28 = %scan3A_17 to %scan3A_19 step %scan3A_20  : i32 {
        %broadcast_in_dim3A = arith.constant 0.000000e+00 : f32
        %broadcast_in_dim3A_29 = vector.broadcast %broadcast_in_dim3A : f32 to vector<16xf32>
        %jit3A = arith.constant 8 : i32
        %div3A = arith.divsi %scan3A_28, %jit3A : i32
        %sign3A = arith.constant 0 : i32
        %sign3A_30 = arith.cmpi sgt, %scan3A_28, %sign3A : i32
        %sign3A_31 = arith.extui %sign3A_30 : i1 to i32
        %sign3A_32 = arith.constant 0 : i32
        %sign3A_33 = arith.cmpi slt, %scan3A_28, %sign3A_32 : i32
        %sign3A_34 = arith.extui %sign3A_33 : i1 to i32
        %sign3A_35 = arith.subi %sign3A_31, %sign3A_34 : i32
        %sign3A_36 = arith.constant 0 : i32
        %sign3A_37 = arith.cmpi sgt, %jit3A, %sign3A_36 : i32
        %sign3A_38 = arith.extui %sign3A_37 : i1 to i32
        %sign3A_39 = arith.constant 0 : i32
        %sign3A_40 = arith.cmpi slt, %jit3A, %sign3A_39 : i32
        %sign3A_41 = arith.extui %sign3A_40 : i1 to i32
        %sign3A_42 = arith.subi %sign3A_38, %sign3A_41 : i32
        %ne3A = arith.cmpi ne, %sign3A_35, %sign3A_42 : i32
        %rem3A = arith.remsi %scan3A_28, %jit3A : i32
        %ne3A_43 = arith.constant 0 : i32
        %ne3A_44 = arith.cmpi ne, %rem3A, %ne3A_43 : i32
        %and3A = arith.andi %ne3A, %ne3A_44 : i1
        %sub3A = arith.constant 1 : i32
        %sub3A_45 = arith.subi %div3A, %sub3A : i32
        %select_n3A = arith.select %and3A, %sub3A_45, %div3A : i32
        %jit3A_46 = arith.constant 8 : i32
        %eq3A_47 = arith.constant 0 : i32
        %eq3A_48 = arith.cmpi eq, %jit3A_46, %eq3A_47 : i32
        %jit3A_49 = arith.constant 1 : i32
        %select_n3A_50 = arith.select %eq3A_48, %jit3A_49, %jit3A_46 : i32
        %rem3A_51 = arith.remsi %scan3A_28, %select_n3A_50 : i32
        %ne3A_52 = arith.constant 0 : i32
        %ne3A_53 = arith.cmpi ne, %rem3A_51, %ne3A_52 : i32
        %lt3A = arith.constant 0 : i32
        %lt3A_54 = arith.cmpi slt, %rem3A_51, %lt3A : i32
        %lt3A_55 = arith.constant 0 : i32
        %lt3A_56 = arith.cmpi slt, %select_n3A_50, %lt3A_55 : i32
        %ne3A_57 = arith.xori %lt3A_54, %lt3A_56 : i1
        %and3A_58 = arith.andi %ne3A_57, %ne3A_53 : i1
        %add3A_59 = arith.addi %rem3A_51, %select_n3A_50 : i32
        %select_n3A_60 = arith.select %and3A_58, %add3A_59, %rem3A_51 : i32
        %mul3A_61 = arith.constant 16 : i32
        %mul3A_62 = arith.muli %select_n3A_60, %mul3A_61 : i32
        %swap3A = arith.constant 0 : i32
        %swap3A_63 = arith.index_cast %swap3A : i32 to index
        %swap3A_64 = arith.index_cast %select_n3A : i32 to index
        %swap3A_65 = arith.index_cast %mul3A_62 : i32 to index
        %swap3A_66 = tpu.vector_load %arg10[%swap3A_63, %swap3A_64, %swap3A_65] {strides = array<i32>} : memref<2x128x128xf32, #tpu.memory_space<vmem>>, vector<1x1x16xf32>,
        %swap3A_67 = vector.shape_cast %swap3A_66 : vector<1x1x16xf32> to vector<16xf32>
        %swap3A_68 = vector.shape_cast %broadcast_in_dim3A_29 : vector<16xf32> to vector<1x1x16xf32>
        tpu.vector_store %arg10[%swap3A_63, %swap3A_64, %swap3A_65], %swap3A_68 {strides = array<i32>} : memref<2x128x128xf32, #tpu.memory_space<vmem>>, vector<1x1x16xf32>,
      }
      %scan3A_21 = arith.constant 1024 : i32
      %scan3A_22 = arith.constant 0 : i32
      %scan3A_23 = arith.constant 0 : i32
      %scan3A_24 = arith.constant 5 : i32
      %scan3A_25 = arith.addi %scan3A_23, %scan3A_24 : i32
      %scan3A_26 = arith.constant 1 : i32
      scf.for %scan3A_28 = %scan3A_23 to %scan3A_25 step %scan3A_26  : i32 {
        %mul3A_29 = arith.constant 128 : i32
        %mul3A_30 = arith.muli %scan3A_28, %mul3A_29 : i32
        %add3A_31 = arith.addi %mul3A_2, %mul3A_30 : i32
        %run_scoped3A = arith.constant 0 : i32
        "tpu.region"() ({
          %run_scoped3A_32 = tpu.sem_alloc : memref<!tpu.dma_semaphore, #tpu.memory_space<semaphore_mem>>
          %dma_start3A = arith.constant 0 : i32
          %dma_start3A_33 = arith.constant 0 : i32
          %dma_start3A_34 = tpu.memref_slice %arg10[%run_scoped3A, %dma_start3A, %dma_start3A_33] : memref<2x128x128xf32, #tpu.memory_space<vmem>> -> memref<1x128x128xf32, #tpu.memory_space<vmem>>
          %dma_start3A_35 = tpu.memref_squeeze %dma_start3A_34 : memref<1x128x128xf32, #tpu.memory_space<vmem>> -> memref<128x128xf32, #tpu.memory_space<vmem>>
          %dma_start3A_36 = arith.constant 0 : i32
          %dma_start3A_37 = tpu.memref_slice %arg11[%add3A_31, %dma_start3A_36] : memref<10240x128xf32, #tpu.memory_space<vmem_shared>> -> memref<128x128xf32, #tpu.memory_space<vmem_shared>>
          %dma_start3A_38 = arith.constant 0 : i32
          %dma_start3A_39 = tpu.memref_slice %arg11[%add3A_31, %dma_start3A_38] : memref<10240x128xf32, #tpu.memory_space<vmem_shared>> -> memref<128x128xf32, #tpu.memory_space<vmem_shared>>
          %dma_start3A_40 = arith.constant 0 : i32
          %dma_start3A_41 = arith.constant 0 : i32
          %dma_start3A_42 = tpu.memref_slice %arg10[%run_scoped3A, %dma_start3A_40, %dma_start3A_41] : memref<2x128x128xf32, #tpu.memory_space<vmem>> -> memref<1x128x128xf32, #tpu.memory_space<vmem>>
          %dma_start3A_43 = tpu.memref_squeeze %dma_start3A_42 : memref<1x128x128xf32, #tpu.memory_space<vmem>> -> memref<128x128xf32, #tpu.memory_space<vmem>>
          tpu.enqueue_dma source(%dma_start3A_43 : memref<128x128xf32, #tpu.memory_space<vmem>>) target(%dma_start3A_39 : memref<128x128xf32, #tpu.memory_space<vmem_shared>>) target_semaphore(%run_scoped3A_32 : memref<!tpu.dma_semaphore, #tpu.memory_space<semaphore_mem>>)
          %dma_wait3A = arith.constant 0 : i32
          %dma_wait3A_44 = arith.constant 0 : i32
          %dma_wait3A_45 = tpu.memref_slice %arg10[%run_scoped3A, %dma_wait3A, %dma_wait3A_44] : memref<2x128x128xf32, #tpu.memory_space<vmem>> -> memref<1x128x128xf32, #tpu.memory_space<vmem>>
          %dma_wait3A_46 = tpu.memref_squeeze %dma_wait3A_45 : memref<1x128x128xf32, #tpu.memory_space<vmem>> -> memref<128x128xf32, #tpu.memory_space<vmem>>
          %dma_wait3A_47 = arith.constant 0 : i32
          %dma_wait3A_48 = tpu.memref_slice %arg11[%add3A_31, %dma_wait3A_47] : memref<10240x128xf32, #tpu.memory_space<vmem_shared>> -> memref<128x128xf32, #tpu.memory_space<vmem_shared>>
          %dma_wait3A_49 = arith.constant 0 : i32
          %dma_wait3A_50 = tpu.memref_slice %arg11[%add3A_31, %dma_wait3A_49] : memref<10240x128xf32, #tpu.memory_space<vmem_shared>> -> memref<128x128xf32, #tpu.memory_space<vmem_shared>>
          %dma_wait3A_51 = arith.constant 0 : i32
          %dma_wait3A_52 = arith.constant 0 : i32
          %dma_wait3A_53 = tpu.memref_slice %arg10[%run_scoped3A, %dma_wait3A_51, %dma_wait3A_52] : memref<2x128x128xf32, #tpu.memory_space<vmem>> -> memref<1x128x128xf32, #tpu.memory_space<vmem>>
          %dma_wait3A_54 = tpu.memref_squeeze %dma_wait3A_53 : memref<1x128x128xf32, #tpu.memory_space<vmem>> -> memref<128x128xf32, #tpu.memory_space<vmem>>
          tpu.wait_dma2 semaphore(%run_scoped3A_32 : memref<!tpu.dma_semaphore, #tpu.memory_space<semaphore_mem>>) src(%dma_wait3A_54 : memref<128x128xf32, #tpu.memory_space<vmem>>) dst(%dma_wait3A_50 : memref<128x128xf32, #tpu.memory_space<vmem_shared>>)
          tpu.yield
        }) : () -> ()
      }
      %scan3A_27 = arith.constant 5 : i32
    } else {
    }
    %barrier3A = arith.constant 0 : index
    tpu.barrier barrier_id(%barrier3A)
    %scan3A = arith.constant 0 : i32
    %scan3A_10 = arith.constant 0 : i32
    %scan3A_11 = arith.constant 2 : i32
    %scan3A_12 = arith.addi %scan3A_10, %scan3A_11 : i32
    %scan3A_13 = arith.constant 1 : i32
    scf.for %scan3A_16 = %scan3A_10 to %scan3A_12 step %scan3A_13  : i32 {
      %mul3A_17 = arith.constant 80 : i32
      %mul3A_18 = arith.muli %add3A, %mul3A_17 : i32
      %mul3A_19 = arith.constant 40 : i32
      %mul3A_20 = arith.muli %scan3A_16, %mul3A_19 : i32
      %add3A_21 = arith.addi %mul3A_18, %mul3A_20 : i32
      %lt3A = arith.constant 2480 : i32
      %lt3A_22 = arith.cmpi slt, %add3A_21, %lt3A : i32
      %convert_element_type3A_23 = arith.extui %lt3A_22 : i1 to i32
      %cond3A_24 = arith.constant 0 : i32
      %cond3A_25 = arith.cmpi ne, %convert_element_type3A_23, %cond3A_24 : i32
      scf.if %cond3A_25 {
        "tpu.region"() ({
          %run_scoped3A = tpu.sem_alloc : memref<!tpu.dma_semaphore, #tpu.memory_space<semaphore_mem>>
          %dma_start3A_69 = arith.constant 0 : i32
          %dma_start3A_70 = tpu.memref_slice %arg3[%add3A_21, %dma_start3A_69] : memref<2480x128xi32, #tpu.memory_space<hbm>> -> memref<40x128xi32, #tpu.memory_space<hbm>>
          %dma_start3A_71 = arith.constant 0 : i32
          %dma_start3A_72 = tpu.memref_slice %arg3[%add3A_21, %dma_start3A_71] : memref<2480x128xi32, #tpu.memory_space<hbm>> -> memref<40x128xi32, #tpu.memory_space<hbm>>
          tpu.enqueue_dma source(%dma_start3A_72 : memref<40x128xi32, #tpu.memory_space<hbm>>) target(%arg8 : memref<40x128xi32, #tpu.memory_space<vmem>>) target_semaphore(%run_scoped3A : memref<!tpu.dma_semaphore, #tpu.memory_space<semaphore_mem>>)
          %dma_wait3A = arith.constant 0 : i32
          %dma_wait3A_73 = tpu.memref_slice %arg3[%add3A_21, %dma_wait3A] : memref<2480x128xi32, #tpu.memory_space<hbm>> -> memref<40x128xi32, #tpu.memory_space<hbm>>
          %dma_wait3A_74 = arith.constant 0 : i32
          %dma_wait3A_75 = tpu.memref_slice %arg3[%add3A_21, %dma_wait3A_74] : memref<2480x128xi32, #tpu.memory_space<hbm>> -> memref<40x128xi32, #tpu.memory_space<hbm>>
          tpu.wait_dma2 semaphore(%run_scoped3A : memref<!tpu.dma_semaphore, #tpu.memory_space<semaphore_mem>>) src(%dma_wait3A_75 : memref<40x128xi32, #tpu.memory_space<hbm>>) dst(%arg8 : memref<40x128xi32, #tpu.memory_space<vmem>>)
          tpu.yield
        }) : () -> ()
      } else {
      }
      %ge3A = arith.constant 2480 : i32
      %ge3A_26 = arith.cmpi sge, %add3A_21, %ge3A : i32
      %convert_element_type3A_27 = arith.extui %ge3A_26 : i1 to i32
      %cond3A_28 = arith.constant 0 : i32
      %cond3A_29 = arith.cmpi ne, %convert_element_type3A_27, %cond3A_28 : i32
      scf.if %cond3A_29 {
        %sub3A = arith.constant 2480 : i32
        %sub3A_69 = arith.subi %add3A_21, %sub3A : i32
        "tpu.region"() ({
          %run_scoped3A = tpu.sem_alloc : memref<!tpu.dma_semaphore, #tpu.memory_space<semaphore_mem>>
          %dma_start3A_70 = arith.constant 0 : i32
          %dma_start3A_71 = tpu.memref_slice %arg5[%sub3A_69, %dma_start3A_70] : memref<80x128xi32, #tpu.memory_space<hbm>> -> memref<40x128xi32, #tpu.memory_space<hbm>>
          %dma_start3A_72 = arith.constant 0 : i32
          %dma_start3A_73 = tpu.memref_slice %arg5[%sub3A_69, %dma_start3A_72] : memref<80x128xi32, #tpu.memory_space<hbm>> -> memref<40x128xi32, #tpu.memory_space<hbm>>
          tpu.enqueue_dma source(%dma_start3A_73 : memref<40x128xi32, #tpu.memory_space<hbm>>) target(%arg8 : memref<40x128xi32, #tpu.memory_space<vmem>>) target_semaphore(%run_scoped3A : memref<!tpu.dma_semaphore, #tpu.memory_space<semaphore_mem>>)
          %dma_wait3A = arith.constant 0 : i32
          %dma_wait3A_74 = tpu.memref_slice %arg5[%sub3A_69, %dma_wait3A] : memref<80x128xi32, #tpu.memory_space<hbm>> -> memref<40x128xi32, #tpu.memory_space<hbm>>
          %dma_wait3A_75 = arith.constant 0 : i32
          %dma_wait3A_76 = tpu.memref_slice %arg5[%sub3A_69, %dma_wait3A_75] : memref<80x128xi32, #tpu.memory_space<hbm>> -> memref<40x128xi32, #tpu.memory_space<hbm>>
          tpu.wait_dma2 semaphore(%run_scoped3A : memref<!tpu.dma_semaphore, #tpu.memory_space<semaphore_mem>>) src(%dma_wait3A_76 : memref<40x128xi32, #tpu.memory_space<hbm>>) dst(%arg8 : memref<40x128xi32, #tpu.memory_space<vmem>>)
          tpu.yield
        }) : () -> ()
      } else {
      }
      %lt3A_30 = arith.constant 2480 : i32
      %lt3A_31 = arith.cmpi slt, %add3A_21, %lt3A_30 : i32
      %convert_element_type3A_32 = arith.extui %lt3A_31 : i1 to i32
      %cond3A_33 = arith.constant 0 : i32
      %cond3A_34 = arith.cmpi ne, %convert_element_type3A_32, %cond3A_33 : i32
      scf.if %cond3A_34 {
        "tpu.region"() ({
          %run_scoped3A = tpu.sem_alloc : memref<!tpu.dma_semaphore, #tpu.memory_space<semaphore_mem>>
          %dma_start3A_69 = arith.constant 0 : i32
          %dma_start3A_70 = tpu.memref_slice %arg4[%add3A_21, %dma_start3A_69] : memref<2480x128xi32, #tpu.memory_space<hbm>> -> memref<40x128xi32, #tpu.memory_space<hbm>>
          %dma_start3A_71 = arith.constant 0 : i32
          %dma_start3A_72 = tpu.memref_slice %arg4[%add3A_21, %dma_start3A_71] : memref<2480x128xi32, #tpu.memory_space<hbm>> -> memref<40x128xi32, #tpu.memory_space<hbm>>
          tpu.enqueue_dma source(%dma_start3A_72 : memref<40x128xi32, #tpu.memory_space<hbm>>) target(%arg9 : memref<40x128xi32, #tpu.memory_space<vmem>>) target_semaphore(%run_scoped3A : memref<!tpu.dma_semaphore, #tpu.memory_space<semaphore_mem>>)
          %dma_wait3A = arith.constant 0 : i32
          %dma_wait3A_73 = tpu.memref_slice %arg4[%add3A_21, %dma_wait3A] : memref<2480x128xi32, #tpu.memory_space<hbm>> -> memref<40x128xi32, #tpu.memory_space<hbm>>
          %dma_wait3A_74 = arith.constant 0 : i32
          %dma_wait3A_75 = tpu.memref_slice %arg4[%add3A_21, %dma_wait3A_74] : memref<2480x128xi32, #tpu.memory_space<hbm>> -> memref<40x128xi32, #tpu.memory_space<hbm>>
          tpu.wait_dma2 semaphore(%run_scoped3A : memref<!tpu.dma_semaphore, #tpu.memory_space<semaphore_mem>>) src(%dma_wait3A_75 : memref<40x128xi32, #tpu.memory_space<hbm>>) dst(%arg9 : memref<40x128xi32, #tpu.memory_space<vmem>>)
          tpu.yield
        }) : () -> ()
      } else {
      }
      %ge3A_35 = arith.constant 2480 : i32
      %ge3A_36 = arith.cmpi sge, %add3A_21, %ge3A_35 : i32
      %convert_element_type3A_37 = arith.extui %ge3A_36 : i1 to i32
      %cond3A_38 = arith.constant 0 : i32
      %cond3A_39 = arith.cmpi ne, %convert_element_type3A_37, %cond3A_38 : i32
      scf.if %cond3A_39 {
        %sub3A = arith.constant 2480 : i32
        %sub3A_69 = arith.subi %add3A_21, %sub3A : i32
        "tpu.region"() ({
          %run_scoped3A = tpu.sem_alloc : memref<!tpu.dma_semaphore, #tpu.memory_space<semaphore_mem>>
          %dma_start3A_70 = arith.constant 0 : i32
          %dma_start3A_71 = tpu.memref_slice %arg6[%sub3A_69, %dma_start3A_70] : memref<80x128xi32, #tpu.memory_space<hbm>> -> memref<40x128xi32, #tpu.memory_space<hbm>>
          %dma_start3A_72 = arith.constant 0 : i32
          %dma_start3A_73 = tpu.memref_slice %arg6[%sub3A_69, %dma_start3A_72] : memref<80x128xi32, #tpu.memory_space<hbm>> -> memref<40x128xi32, #tpu.memory_space<hbm>>
          tpu.enqueue_dma source(%dma_start3A_73 : memref<40x128xi32, #tpu.memory_space<hbm>>) target(%arg9 : memref<40x128xi32, #tpu.memory_space<vmem>>) target_semaphore(%run_scoped3A : memref<!tpu.dma_semaphore, #tpu.memory_space<semaphore_mem>>)
          %dma_wait3A = arith.constant 0 : i32
          %dma_wait3A_74 = tpu.memref_slice %arg6[%sub3A_69, %dma_wait3A] : memref<80x128xi32, #tpu.memory_space<hbm>> -> memref<40x128xi32, #tpu.memory_space<hbm>>
          %dma_wait3A_75 = arith.constant 0 : i32
          %dma_wait3A_76 = tpu.memref_slice %arg6[%sub3A_69, %dma_wait3A_75] : memref<80x128xi32, #tpu.memory_space<hbm>> -> memref<40x128xi32, #tpu.memory_space<hbm>>
          tpu.wait_dma2 semaphore(%run_scoped3A : memref<!tpu.dma_semaphore, #tpu.memory_space<semaphore_mem>>) src(%dma_wait3A_76 : memref<40x128xi32, #tpu.memory_space<hbm>>) dst(%arg9 : memref<40x128xi32, #tpu.memory_space<vmem>>)
          tpu.yield
        }) : () -> ()
      } else {
      }
      %dma_start3A = arith.constant 0 : i32
      %dma_start3A_40 = arith.constant 0 : i32
      %dma_start3A_41 = arith.constant 0 : i32
      %dma_start3A_42 = arith.constant 0 : i32
      %dma_start3A_43 = tpu.memref_slice %arg10[%dma_start3A_40, %dma_start3A_41, %dma_start3A_42] : memref<2x128x128xf32, #tpu.memory_space<vmem>> -> memref<1x128x128xf32, #tpu.memory_space<vmem>>
      %dma_start3A_44 = tpu.memref_squeeze %dma_start3A_43 : memref<1x128x128xf32, #tpu.memory_space<vmem>> -> memref<128x128xf32, #tpu.memory_space<vmem>>
      %dma_start3A_45 = arith.constant 0 : i32
      %dma_start3A_46 = tpu.memref_slice %arg8[%dma_start3A, %dma_start3A_45] : memref<40x128xi32, #tpu.memory_space<vmem>> -> memref<1x128xi32, #tpu.memory_space<vmem>>
      %dma_start3A_47 = tpu.memref_squeeze %dma_start3A_46 : memref<1x128xi32, #tpu.memory_space<vmem>> -> memref<128xi32, #tpu.memory_space<vmem>>
      %dma_start3A_48 = arith.constant 0 : i32
      %dma_start3A_49 = arith.constant 0 : i32
      %dma_start3A_50 = tpu.memref_slice %arg2[%dma_start3A_48, %dma_start3A_49] : memref<10240x128xf32, #tpu.memory_space<hbm>> -> memref<10240x128xf32, #tpu.memory_space<hbm>>
      tpu.enqueue_indirect_dma source(%dma_start3A_50 : memref<10240x128xf32, #tpu.memory_space<hbm>>) target(%dma_start3A_44 : memref<128x128xf32, #tpu.memory_space<vmem>>) offsets(%dma_start3A_47 : memref<128xi32, #tpu.memory_space<vmem>>) semaphore(%arg12 : memref<!tpu.dma_semaphore, #tpu.memory_space<semaphore_mem>>)
      %dma_start3A_51 = arith.constant 1 : i32
      %dma_start3A_52 = arith.constant 1 : i32
      %dma_start3A_53 = arith.constant 0 : i32
      %dma_start3A_54 = arith.constant 0 : i32
      %dma_start3A_55 = tpu.memref_slice %arg10[%dma_start3A_52, %dma_start3A_53, %dma_start3A_54] : memref<2x128x128xf32, #tpu.memory_space<vmem>> -> memref<1x128x128xf32, #tpu.memory_space<vmem>>
      %dma_start3A_56 = tpu.memref_squeeze %dma_start3A_55 : memref<1x128x128xf32, #tpu.memory_space<vmem>> -> memref<128x128xf32, #tpu.memory_space<vmem>>
      %dma_start3A_57 = arith.constant 0 : i32
      %dma_start3A_58 = tpu.memref_slice %arg8[%dma_start3A_51, %dma_start3A_57] : memref<40x128xi32, #tpu.memory_space<vmem>> -> memref<1x128xi32, #tpu.memory_space<vmem>>
      %dma_start3A_59 = tpu.memref_squeeze %dma_start3A_58 : memref<1x128xi32, #tpu.memory_space<vmem>> -> memref<128xi32, #tpu.memory_space<vmem>>
      %dma_start3A_60 = arith.constant 0 : i32
      %dma_start3A_61 = arith.constant 0 : i32
      %dma_start3A_62 = tpu.memref_slice %arg2[%dma_start3A_60, %dma_start3A_61] : memref<10240x128xf32, #tpu.memory_space<hbm>> -> memref<10240x128xf32, #tpu.memory_space<hbm>>
      tpu.enqueue_indirect_dma source(%dma_start3A_62 : memref<10240x128xf32, #tpu.memory_space<hbm>>) target(%dma_start3A_56 : memref<128x128xf32, #tpu.memory_space<vmem>>) offsets(%dma_start3A_59 : memref<128xi32, #tpu.memory_space<vmem>>) semaphore(%arg12 : memref<!tpu.dma_semaphore, #tpu.memory_space<semaphore_mem>>)
      %scan3A_63 = arith.constant 0 : i32
      %scan3A_64 = arith.constant 0 : i32
      %scan3A_65 = arith.constant 20 : i32
      %scan3A_66 = arith.addi %scan3A_64, %scan3A_65 : i32
      %scan3A_67 = arith.constant 1 : i32
      scf.for %scan3A_69 = %scan3A_64 to %scan3A_66 step %scan3A_67  : i32 {
        %mul3A_70 = arith.constant 2 : i32
        %mul3A_71 = arith.muli %scan3A_69, %mul3A_70 : i32
        %dma_wait3A = arith.constant 0 : i32
        %dma_wait3A_72 = arith.constant 0 : i32
        %dma_wait3A_73 = arith.constant 0 : i32
        %dma_wait3A_74 = tpu.memref_slice %arg10[%dma_wait3A, %dma_wait3A_72, %dma_wait3A_73] : memref<2x128x128xf32, #tpu.memory_space<vmem>> -> memref<1x128x128xf32, #tpu.memory_space<vmem>>
        %dma_wait3A_75 = tpu.memref_squeeze %dma_wait3A_74 : memref<1x128x128xf32, #tpu.memory_space<vmem>> -> memref<128x128xf32, #tpu.memory_space<vmem>>
        %dma_wait3A_76 = arith.constant 0 : i32
        %dma_wait3A_77 = tpu.memref_slice %arg8[%mul3A_71, %dma_wait3A_76] : memref<40x128xi32, #tpu.memory_space<vmem>> -> memref<1x128xi32, #tpu.memory_space<vmem>>
        %dma_wait3A_78 = tpu.memref_squeeze %dma_wait3A_77 : memref<1x128xi32, #tpu.memory_space<vmem>> -> memref<128xi32, #tpu.memory_space<vmem>>
        %dma_wait3A_79 = arith.constant 0 : i32
        %dma_wait3A_80 = arith.constant 0 : i32
        %dma_wait3A_81 = tpu.memref_slice %arg2[%dma_wait3A_79, %dma_wait3A_80] : memref<10240x128xf32, #tpu.memory_space<hbm>> -> memref<10240x128xf32, #tpu.memory_space<hbm>>
        tpu.wait_indirect_dma semaphore(%arg12 : memref<!tpu.dma_semaphore, #tpu.memory_space<semaphore_mem>>) src(%dma_wait3A_81 : memref<10240x128xf32, #tpu.memory_space<hbm>>) dst(%dma_wait3A_75 : memref<128x128xf32, #tpu.memory_space<vmem>>)
        %dma_start3A_82 = arith.constant 0 : i32
        %dma_start3A_83 = arith.constant 0 : i32
        %dma_start3A_84 = arith.constant 0 : i32
        %dma_start3A_85 = tpu.memref_slice %arg10[%dma_start3A_82, %dma_start3A_83, %dma_start3A_84] : memref<2x128x128xf32, #tpu.memory_space<vmem>> -> memref<1x128x128xf32, #tpu.memory_space<vmem>>
        %dma_start3A_86 = tpu.memref_squeeze %dma_start3A_85 : memref<1x128x128xf32, #tpu.memory_space<vmem>> -> memref<128x128xf32, #tpu.memory_space<vmem>>
        %dma_start3A_87 = arith.constant 0 : i32
        %dma_start3A_88 = tpu.memref_slice %arg9[%mul3A_71, %dma_start3A_87] : memref<40x128xi32, #tpu.memory_space<vmem>> -> memref<1x128xi32, #tpu.memory_space<vmem>>
        %dma_start3A_89 = tpu.memref_squeeze %dma_start3A_88 : memref<1x128xi32, #tpu.memory_space<vmem>> -> memref<128xi32, #tpu.memory_space<vmem>>
        %dma_start3A_90 = arith.constant 0 : i32
        %dma_start3A_91 = arith.constant 0 : i32
        %dma_start3A_92 = tpu.memref_slice %arg11[%dma_start3A_90, %dma_start3A_91] : memref<10240x128xf32, #tpu.memory_space<vmem_shared>> -> memref<10240x128xf32, #tpu.memory_space<vmem_shared>>
        tpu.enqueue_indirect_dma source(%dma_start3A_86 : memref<128x128xf32, #tpu.memory_space<vmem>>) target(%dma_start3A_92 : memref<10240x128xf32, #tpu.memory_space<vmem_shared>>) offsets(%dma_start3A_89 : memref<128xi32, #tpu.memory_space<vmem>>) semaphore(%arg13 : memref<!tpu.dma_semaphore, #tpu.memory_space<semaphore_mem>>) {add = true}
        %add3A_93 = arith.constant 1 : i32
        %add3A_94 = arith.addi %mul3A_71, %add3A_93 : i32
        %dma_wait3A_95 = arith.constant 1 : i32
        %dma_wait3A_96 = arith.constant 0 : i32
        %dma_wait3A_97 = arith.constant 0 : i32
        %dma_wait3A_98 = tpu.memref_slice %arg10[%dma_wait3A_95, %dma_wait3A_96, %dma_wait3A_97] : memref<2x128x128xf32, #tpu.memory_space<vmem>> -> memref<1x128x128xf32, #tpu.memory_space<vmem>>
        %dma_wait3A_99 = tpu.memref_squeeze %dma_wait3A_98 : memref<1x128x128xf32, #tpu.memory_space<vmem>> -> memref<128x128xf32, #tpu.memory_space<vmem>>
        %dma_wait3A_100 = arith.constant 0 : i32
        %dma_wait3A_101 = tpu.memref_slice %arg8[%add3A_94, %dma_wait3A_100] : memref<40x128xi32, #tpu.memory_space<vmem>> -> memref<1x128xi32, #tpu.memory_space<vmem>>
        %dma_wait3A_102 = tpu.memref_squeeze %dma_wait3A_101 : memref<1x128xi32, #tpu.memory_space<vmem>> -> memref<128xi32, #tpu.memory_space<vmem>>
        %dma_wait3A_103 = arith.constant 0 : i32
        %dma_wait3A_104 = arith.constant 0 : i32
        %dma_wait3A_105 = tpu.memref_slice %arg2[%dma_wait3A_103, %dma_wait3A_104] : memref<10240x128xf32, #tpu.memory_space<hbm>> -> memref<10240x128xf32, #tpu.memory_space<hbm>>
        tpu.wait_indirect_dma semaphore(%arg12 : memref<!tpu.dma_semaphore, #tpu.memory_space<semaphore_mem>>) src(%dma_wait3A_105 : memref<10240x128xf32, #tpu.memory_space<hbm>>) dst(%dma_wait3A_99 : memref<128x128xf32, #tpu.memory_space<vmem>>)
        %add3A_106 = arith.constant 1 : i32
        %add3A_107 = arith.addi %mul3A_71, %add3A_106 : i32
        %dma_start3A_108 = arith.constant 1 : i32
        %dma_start3A_109 = arith.constant 0 : i32
        %dma_start3A_110 = arith.constant 0 : i32
        %dma_start3A_111 = tpu.memref_slice %arg10[%dma_start3A_108, %dma_start3A_109, %dma_start3A_110] : memref<2x128x128xf32, #tpu.memory_space<vmem>> -> memref<1x128x128xf32, #tpu.memory_space<vmem>>
        %dma_start3A_112 = tpu.memref_squeeze %dma_start3A_111 : memref<1x128x128xf32, #tpu.memory_space<vmem>> -> memref<128x128xf32, #tpu.memory_space<vmem>>
        %dma_start3A_113 = arith.constant 0 : i32
        %dma_start3A_114 = tpu.memref_slice %arg9[%add3A_107, %dma_start3A_113] : memref<40x128xi32, #tpu.memory_space<vmem>> -> memref<1x128xi32, #tpu.memory_space<vmem>>
        %dma_start3A_115 = tpu.memref_squeeze %dma_start3A_114 : memref<1x128xi32, #tpu.memory_space<vmem>> -> memref<128xi32, #tpu.memory_space<vmem>>
        %dma_start3A_116 = arith.constant 0 : i32
        %dma_start3A_117 = arith.constant 0 : i32
        %dma_start3A_118 = tpu.memref_slice %arg11[%dma_start3A_116, %dma_start3A_117] : memref<10240x128xf32, #tpu.memory_space<vmem_shared>> -> memref<10240x128xf32, #tpu.memory_space<vmem_shared>>
        tpu.enqueue_indirect_dma source(%dma_start3A_112 : memref<128x128xf32, #tpu.memory_space<vmem>>) target(%dma_start3A_118 : memref<10240x128xf32, #tpu.memory_space<vmem_shared>>) offsets(%dma_start3A_115 : memref<128xi32, #tpu.memory_space<vmem>>) semaphore(%arg13 : memref<!tpu.dma_semaphore, #tpu.memory_space<semaphore_mem>>) {add = true}
        %dma_wait3A_119 = arith.constant 0 : i32
        %dma_wait3A_120 = arith.constant 0 : i32
        %dma_wait3A_121 = arith.constant 0 : i32
        %dma_wait3A_122 = tpu.memref_slice %arg10[%dma_wait3A_119, %dma_wait3A_120, %dma_wait3A_121] : memref<2x128x128xf32, #tpu.memory_space<vmem>> -> memref<1x128x128xf32, #tpu.memory_space<vmem>>
        %dma_wait3A_123 = tpu.memref_squeeze %dma_wait3A_122 : memref<1x128x128xf32, #tpu.memory_space<vmem>> -> memref<128x128xf32, #tpu.memory_space<vmem>>
        %dma_wait3A_124 = arith.constant 0 : i32
        %dma_wait3A_125 = tpu.memref_slice %arg9[%mul3A_71, %dma_wait3A_124] : memref<40x128xi32, #tpu.memory_space<vmem>> -> memref<1x128xi32, #tpu.memory_space<vmem>>
        %dma_wait3A_126 = tpu.memref_squeeze %dma_wait3A_125 : memref<1x128xi32, #tpu.memory_space<vmem>> -> memref<128xi32, #tpu.memory_space<vmem>>
        %dma_wait3A_127 = arith.constant 0 : i32
        %dma_wait3A_128 = arith.constant 0 : i32
        %dma_wait3A_129 = tpu.memref_slice %arg11[%dma_wait3A_127, %dma_wait3A_128] : memref<10240x128xf32, #tpu.memory_space<vmem_shared>> -> memref<10240x128xf32, #tpu.memory_space<vmem_shared>>
        tpu.wait_indirect_dma semaphore(%arg13 : memref<!tpu.dma_semaphore, #tpu.memory_space<semaphore_mem>>) src(%dma_wait3A_123 : memref<128x128xf32, #tpu.memory_space<vmem>>) dst(%dma_wait3A_129 : memref<10240x128xf32, #tpu.memory_space<vmem_shared>>)
        %add3A_130 = arith.constant 2 : i32
        %add3A_131 = arith.addi %mul3A_71, %add3A_130 : i32
        %lt3A_132 = arith.constant 40 : i32
        %lt3A_133 = arith.cmpi slt, %add3A_131, %lt3A_132 : i32
        %convert_element_type3A_134 = arith.extui %lt3A_133 : i1 to i32
        %cond3A_135 = arith.constant 0 : i32
        %cond3A_136 = arith.cmpi ne, %convert_element_type3A_134, %cond3A_135 : i32
        scf.if %cond3A_136 {
          %add3A_157 = arith.constant 2 : i32
          %add3A_158 = arith.addi %mul3A_71, %add3A_157 : i32
          %dma_start3A_159 = arith.constant 0 : i32
          %dma_start3A_160 = arith.constant 0 : i32
          %dma_start3A_161 = arith.constant 0 : i32
          %dma_start3A_162 = tpu.memref_slice %arg10[%dma_start3A_159, %dma_start3A_160, %dma_start3A_161] : memref<2x128x128xf32, #tpu.memory_space<vmem>> -> memref<1x128x128xf32, #tpu.memory_space<vmem>>
          %dma_start3A_163 = tpu.memref_squeeze %dma_start3A_162 : memref<1x128x128xf32, #tpu.memory_space<vmem>> -> memref<128x128xf32, #tpu.memory_space<vmem>>
          %dma_start3A_164 = arith.constant 0 : i32
          %dma_start3A_165 = tpu.memref_slice %arg8[%add3A_158, %dma_start3A_164] : memref<40x128xi32, #tpu.memory_space<vmem>> -> memref<1x128xi32, #tpu.memory_space<vmem>>
          %dma_start3A_166 = tpu.memref_squeeze %dma_start3A_165 : memref<1x128xi32, #tpu.memory_space<vmem>> -> memref<128xi32, #tpu.memory_space<vmem>>
          %dma_start3A_167 = arith.constant 0 : i32
          %dma_start3A_168 = arith.constant 0 : i32
          %dma_start3A_169 = tpu.memref_slice %arg2[%dma_start3A_167, %dma_start3A_168] : memref<10240x128xf32, #tpu.memory_space<hbm>> -> memref<10240x128xf32, #tpu.memory_space<hbm>>
          tpu.enqueue_indirect_dma source(%dma_start3A_169 : memref<10240x128xf32, #tpu.memory_space<hbm>>) target(%dma_start3A_163 : memref<128x128xf32, #tpu.memory_space<vmem>>) offsets(%dma_start3A_166 : memref<128xi32, #tpu.memory_space<vmem>>) semaphore(%arg12 : memref<!tpu.dma_semaphore, #tpu.memory_space<semaphore_mem>>)
        } else {
        }
        %add3A_137 = arith.constant 1 : i32
        %add3A_138 = arith.addi %mul3A_71, %add3A_137 : i32
        %dma_wait3A_139 = arith.constant 1 : i32
        %dma_wait3A_140 = arith.constant 0 : i32
        %dma_wait3A_141 = arith.constant 0 : i32
        %dma_wait3A_142 = tpu.memref_slice %arg10[%dma_wait3A_139, %dma_wait3A_140, %dma_wait3A_141] : memref<2x128x128xf32, #tpu.memory_space<vmem>> -> memref<1x128x128xf32, #tpu.memory_space<vmem>>
        %dma_wait3A_143 = tpu.memref_squeeze %dma_wait3A_142 : memref<1x128x128xf32, #tpu.memory_space<vmem>> -> memref<128x128xf32, #tpu.memory_space<vmem>>
        %dma_wait3A_144 = arith.constant 0 : i32
        %dma_wait3A_145 = tpu.memref_slice %arg9[%add3A_138, %dma_wait3A_144] : memref<40x128xi32, #tpu.memory_space<vmem>> -> memref<1x128xi32, #tpu.memory_space<vmem>>
        %dma_wait3A_146 = tpu.memref_squeeze %dma_wait3A_145 : memref<1x128xi32, #tpu.memory_space<vmem>> -> memref<128xi32, #tpu.memory_space<vmem>>
        %dma_wait3A_147 = arith.constant 0 : i32
        %dma_wait3A_148 = arith.constant 0 : i32
        %dma_wait3A_149 = tpu.memref_slice %arg11[%dma_wait3A_147, %dma_wait3A_148] : memref<10240x128xf32, #tpu.memory_space<vmem_shared>> -> memref<10240x128xf32, #tpu.memory_space<vmem_shared>>
        tpu.wait_indirect_dma semaphore(%arg13 : memref<!tpu.dma_semaphore, #tpu.memory_space<semaphore_mem>>) src(%dma_wait3A_143 : memref<128x128xf32, #tpu.memory_space<vmem>>) dst(%dma_wait3A_149 : memref<10240x128xf32, #tpu.memory_space<vmem_shared>>)
        %add3A_150 = arith.constant 3 : i32
        %add3A_151 = arith.addi %mul3A_71, %add3A_150 : i32
        %lt3A_152 = arith.constant 40 : i32
        %lt3A_153 = arith.cmpi slt, %add3A_151, %lt3A_152 : i32
        %convert_element_type3A_154 = arith.extui %lt3A_153 : i1 to i32
        %cond3A_155 = arith.constant 0 : i32
        %cond3A_156 = arith.cmpi ne, %convert_element_type3A_154, %cond3A_155 : i32
        scf.if %cond3A_156 {
          %add3A_157 = arith.constant 3 : i32
          %add3A_158 = arith.addi %mul3A_71, %add3A_157 : i32
          %dma_start3A_159 = arith.constant 1 : i32
          %dma_start3A_160 = arith.constant 0 : i32
          %dma_start3A_161 = arith.constant 0 : i32
          %dma_start3A_162 = tpu.memref_slice %arg10[%dma_start3A_159, %dma_start3A_160, %dma_start3A_161] : memref<2x128x128xf32, #tpu.memory_space<vmem>> -> memref<1x128x128xf32, #tpu.memory_space<vmem>>
          %dma_start3A_163 = tpu.memref_squeeze %dma_start3A_162 : memref<1x128x128xf32, #tpu.memory_space<vmem>> -> memref<128x128xf32, #tpu.memory_space<vmem>>
          %dma_start3A_164 = arith.constant 0 : i32
          %dma_start3A_165 = tpu.memref_slice %arg8[%add3A_158, %dma_start3A_164] : memref<40x128xi32, #tpu.memory_space<vmem>> -> memref<1x128xi32, #tpu.memory_space<vmem>>
          %dma_start3A_166 = tpu.memref_squeeze %dma_start3A_165 : memref<1x128xi32, #tpu.memory_space<vmem>> -> memref<128xi32, #tpu.memory_space<vmem>>
          %dma_start3A_167 = arith.constant 0 : i32
          %dma_start3A_168 = arith.constant 0 : i32
          %dma_start3A_169 = tpu.memref_slice %arg2[%dma_start3A_167, %dma_start3A_168] : memref<10240x128xf32, #tpu.memory_space<hbm>> -> memref<10240x128xf32, #tpu.memory_space<hbm>>
          tpu.enqueue_indirect_dma source(%dma_start3A_169 : memref<10240x128xf32, #tpu.memory_space<hbm>>) target(%dma_start3A_163 : memref<128x128xf32, #tpu.memory_space<vmem>>) offsets(%dma_start3A_166 : memref<128xi32, #tpu.memory_space<vmem>>) semaphore(%arg12 : memref<!tpu.dma_semaphore, #tpu.memory_space<semaphore_mem>>)
        } else {
        }
      }
      %scan3A_68 = arith.constant 20 : i32
    }
    %scan3A_14 = arith.constant 2 : i32
    %barrier3A_15 = arith.constant 0 : index
    tpu.barrier barrier_id(%barrier3A_15)
    "tpu.region"() ({
      %run_scoped3A = tpu.sem_alloc : memref<!tpu.dma_semaphore, #tpu.memory_space<semaphore_mem>>
      %dma_start3A = arith.constant 0 : i32
      %dma_start3A_16 = tpu.memref_slice %arg7[%arg0, %mul3A_2, %dma_start3A] : memref<2x10240x128xf32, #tpu.memory_space<hbm>> -> memref<1x640x128xf32, #tpu.memory_space<hbm>>
      %dma_start3A_17 = tpu.memref_squeeze %dma_start3A_16 : memref<1x640x128xf32, #tpu.memory_space<hbm>> -> memref<640x128xf32, #tpu.memory_space<hbm>>
      %dma_start3A_18 = arith.constant 0 : i32
      %dma_start3A_19 = tpu.memref_slice %arg11[%mul3A_2, %dma_start3A_18] : memref<10240x128xf32, #tpu.memory_space<vmem_shared>> -> memref<640x128xf32, #tpu.memory_space<vmem_shared>>
      tpu.enqueue_dma source(%dma_start3A_19 : memref<640x128xf32, #tpu.memory_space<vmem_shared>>) target(%dma_start3A_17 : memref<640x128xf32, #tpu.memory_space<hbm>>) target_semaphore(%run_scoped3A : memref<!tpu.dma_semaphore, #tpu.memory_space<semaphore_mem>>)
      %dma_wait3A = arith.constant 0 : i32
      %dma_wait3A_20 = tpu.memref_slice %arg7[%arg0, %mul3A_2, %dma_wait3A] : memref<2x10240x128xf32, #tpu.memory_space<hbm>> -> memref<1x640x128xf32, #tpu.memory_space<hbm>>
      %dma_wait3A_21 = tpu.memref_squeeze %dma_wait3A_20 : memref<1x640x128xf32, #tpu.memory_space<hbm>> -> memref<640x128xf32, #tpu.memory_space<hbm>>
      %dma_wait3A_22 = arith.constant 0 : i32
      %dma_wait3A_23 = tpu.memref_slice %arg11[%mul3A_2, %dma_wait3A_22] : memref<10240x128xf32, #tpu.memory_space<vmem_shared>> -> memref<640x128xf32, #tpu.memory_space<vmem_shared>>
      tpu.wait_dma2 semaphore(%run_scoped3A : memref<!tpu.dma_semaphore, #tpu.memory_space<semaphore_mem>>) src(%dma_wait3A_23 : memref<640x128xf32, #tpu.memory_space<vmem_shared>>) dst(%dma_wait3A_21 : memref<640x128xf32, #tpu.memory_space<hbm>>)
      tpu.yield
    }) : () -> ()
    return
  }
}

module attributes {stable_mosaic.version = 14 : i64} {
  func.func @body(%arg0: i32, %arg1: memref<1024x128xf32, #tpu.memory_space<vmem>>, %arg2: memref<128x128xf32, #tpu.memory_space<vmem>>, %arg3: memref<1024x128xbf16, #tpu.memory_space<vmem>>, %arg4: memref<1024x128xf32, #tpu.memory_space<vmem>>) attributes {dimension_semantics = [#tpu.dimension_semantics<arbitrary>], iteration_bounds = array<i64: 10>, scalar_prefetch = 0 : i64, scratch_operands = 0 : i64, tpu.core_type = #tpu.core_type<tc>, window_params = [{transform_indices = @transform_0, window_bounds = array<i64: 1024, 128>}, {pipeline_mode = #tpu.pipeline_mode<synchronous>, transform_indices = @transform_1, window_bounds = array<i64: 128, 128>}, {transform_indices = @transform_2, window_bounds = array<i64: 1024, 128>}, {transform_indices = @transform_3, window_bounds = array<i64: 1024, 128>}]} {
    %get3A = arith.constant 0 : index
    %get3A_0 = arith.constant 0 : index
    %get3A_1 = vector.load %arg3[%get3A, %get3A_0] : memref<1024x128xbf16, #tpu.memory_space<vmem>>, vector<1024x128xbf16>
    %convert_element_type3A = arith.extf %get3A_1 : vector<1024x128xbf16> to vector<1024x128xf32>
    %rsqrt3A = math.rsqrt %convert_element_type3A : vector<1024x128xf32>
    %get3A_2 = arith.constant 0 : index
    %get3A_3 = arith.constant 0 : index
    %get3A_4 = vector.load %arg1[%get3A_2, %get3A_3] : memref<1024x128xf32, #tpu.memory_space<vmem>>, vector<1024x128xf32>
    %get3A_5 = arith.constant 0 : index
    %get3A_6 = arith.constant 0 : index
    %get3A_7 = vector.load %arg2[%get3A_5, %get3A_6] : memref<128x128xf32, #tpu.memory_space<vmem>>, vector<128x128xf32>
    %dot_general3A = arith.constant dense<0.000000e+00> : vector<1024x128xf32>
    %dot_general3A_8 = tpu.matmul %get3A_4, %get3A_7, %dot_general3A {dimension_numbers = #tpu.dot_dimension_numbers<[1], [0], [0], [1], [0, 0, 1, 1], [], []>, transpose_lhs_hint = false} : vector<1024x128xf32>, vector<128x128xf32>, vector<1024x128xf32> -> vector<1024x128xf32>
    %mul3A = arith.mulf %dot_general3A_8, %rsqrt3A : vector<1024x128xf32>
    %mul3A_9 = arith.constant 1024 : i32
    %mul3A_10 = arith.muli %arg0, %mul3A_9 : i32
    %iota3A = tpu.iota {dimensions = array<i32: 0>} : vector<1024x128xi32>
    %add3A = vector.broadcast %mul3A_10 : i32 to vector<1024x128xi32>
    %add3A_11 = arith.addi %add3A, %iota3A : vector<1024x128xi32>
    %lt3A = arith.constant 10000 : i32
    %lt3A_12 = vector.broadcast %lt3A : i32 to vector<1024x128xi32>
    %lt3A_13 = arith.cmpi slt, %add3A_11, %lt3A_12 : vector<1024x128xi32>
    %jit3A = arith.constant 0.000000e+00 : f32
    %broadcast_in_dim3A = vector.broadcast %jit3A : f32 to vector<1024x128xf32>
    %select_n3A = arith.select %lt3A_13, %mul3A, %broadcast_in_dim3A : vector<1024x128xi1>, vector<1024x128xf32>
    %swap3A = arith.constant 0 : index
    %swap3A_14 = arith.constant 0 : index
    %swap3A_15 = vector.load %arg4[%swap3A, %swap3A_14] : memref<1024x128xf32, #tpu.memory_space<vmem>>, vector<1024x128xf32>
    tpu.vector_store %arg4[%swap3A, %swap3A_14], %select_n3A {strides = array<i32>} : memref<1024x128xf32, #tpu.memory_space<vmem>>, vector<1024x128xf32>,
    return
  }
  func.func @transform_0(%arg0: i32) -> (i32, i32) {
    %c0_i32 = arith.constant 0 : i32
    %c0_i32_0 = arith.constant 0 : i32
    return %arg0, %c0_i32 : i32, i32
  }
  func.func @transform_1(%arg0: i32) -> (i32, i32) {
    %c0_i32 = arith.constant 0 : i32
    %c0_i32_0 = arith.constant 0 : i32
    %c0_i32_1 = arith.constant 0 : i32
    return %c0_i32, %c0_i32_0 : i32, i32
  }
  func.func @transform_2(%arg0: i32) -> (i32, i32) {
    %c0_i32 = arith.constant 0 : i32
    %c0_i32_0 = arith.constant 0 : i32
    return %arg0, %c0_i32 : i32, i32
  }
  func.func @transform_3(%arg0: i32) -> (i32, i32) {
    %c0_i32 = arith.constant 0 : i32
    %c0_i32_0 = arith.constant 0 : i32
    return %arg0, %c0_i32 : i32, i32
  }
}

module attributes {stable_mosaic.version = 14 : i64} {
  func.func @body(%arg0: i32, %arg1: memref<2x1024x128xf32, #tpu.memory_space<vmem>>, %arg2: memref<1024x128xbf16, #tpu.memory_space<vmem>>, %arg3: memref<1x128xf32, #tpu.memory_space<vmem>>, %arg4: memref<1x128xf32, #tpu.memory_space<vmem>>, %arg5: memref<1x128xf32, #tpu.memory_space<vmem>>, %arg6: memref<128x128xf32, #tpu.memory_space<vmem>>, %arg7: memref<1024x128xf32, #tpu.memory_space<vmem>>) attributes {dimension_semantics = [#tpu.dimension_semantics<arbitrary>], iteration_bounds = array<i64: 10>, scalar_prefetch = 0 : i64, scratch_operands = 0 : i64, tpu.core_type = #tpu.core_type<tc>, window_params = [{transform_indices = @transform_0, window_bounds = array<i64: 2, 1024, 128>}, {transform_indices = @transform_1, window_bounds = array<i64: 1024, 128>}, {pipeline_mode = #tpu.pipeline_mode<synchronous>, transform_indices = @transform_2, window_bounds = array<i64: 1, 128>}, {pipeline_mode = #tpu.pipeline_mode<synchronous>, transform_indices = @transform_3, window_bounds = array<i64: 1, 128>}, {pipeline_mode = #tpu.pipeline_mode<synchronous>, transform_indices = @transform_4, window_bounds = array<i64: 1, 128>}, {pipeline_mode = #tpu.pipeline_mode<synchronous>, transform_indices = @transform_5, window_bounds = array<i64: 128, 128>}, {transform_indices = @transform_6, window_bounds = array<i64: 1024, 128>}]} {
    %get3A = arith.constant 0 : index
    %get3A_0 = arith.constant 0 : index
    %get3A_1 = vector.load %arg2[%get3A, %get3A_0] : memref<1024x128xbf16, #tpu.memory_space<vmem>>, vector<1024x128xbf16>
    %convert_element_type3A = arith.extf %get3A_1 : vector<1024x128xbf16> to vector<1024x128xf32>
    %rsqrt3A = math.rsqrt %convert_element_type3A : vector<1024x128xf32>
    %get3A_2 = arith.constant 0 : index
    %get3A_3 = arith.constant 0 : index
    %get3A_4 = arith.constant 0 : index
    %get3A_5 = vector.load %arg1[%get3A_2, %get3A_3, %get3A_4] : memref<2x1024x128xf32, #tpu.memory_space<vmem>>, vector<1x1024x128xf32>
    %get3A_6 = vector.shape_cast %get3A_5 : vector<1x1024x128xf32> to vector<1024x128xf32>
    %get3A_7 = arith.constant 1 : index
    %get3A_8 = arith.constant 0 : index
    %get3A_9 = arith.constant 0 : index
    %get3A_10 = vector.load %arg1[%get3A_7, %get3A_8, %get3A_9] : memref<2x1024x128xf32, #tpu.memory_space<vmem>>, vector<1x1024x128xf32>
    %get3A_11 = vector.shape_cast %get3A_10 : vector<1x1024x128xf32> to vector<1024x128xf32>
    %add3A = arith.addf %get3A_6, %get3A_11 : vector<1024x128xf32>
    %mul3A = arith.mulf %rsqrt3A, %add3A : vector<1024x128xf32>
    %get3A_12 = arith.constant 0 : index
    %get3A_13 = arith.constant 0 : index
    %get3A_14 = vector.load %arg3[%get3A_12, %get3A_13] : memref<1x128xf32, #tpu.memory_space<vmem>>, vector<1x128xf32>
    %add3A_15 = vector.broadcast %get3A_14 : vector<1x128xf32> to vector<1024x128xf32>
    %add3A_16 = arith.addf %mul3A, %add3A_15 : vector<1024x128xf32>
    %reduce_sum3A = arith.constant dense<0.000000e+00> : vector<1024xf32>
    %reduce_sum3A_17 = vector.multi_reduction <add>, %add3A_16, %reduce_sum3A [1] : vector<1024x128xf32> to vector<1024xf32>
    %broadcast_in_dim3A = vector.shape_cast %reduce_sum3A_17 : vector<1024xf32> to vector<1024x1xf32>
    %div3A = arith.constant 1.280000e+02 : f32
    %div3A_18 = vector.broadcast %div3A : f32 to vector<1024x1xf32>
    %div3A_19 = arith.divf %broadcast_in_dim3A, %div3A_18 : vector<1024x1xf32>
    %sub3A = vector.broadcast %div3A_19 : vector<1024x1xf32> to vector<1024x128xf32>
    %sub3A_20 = arith.subf %add3A_16, %sub3A : vector<1024x128xf32>
    %integer_pow3A = arith.mulf %sub3A_20, %sub3A_20 : vector<1024x128xf32>
    %reduce_sum3A_21 = arith.constant dense<0.000000e+00> : vector<1024xf32>
    %reduce_sum3A_22 = vector.multi_reduction <add>, %integer_pow3A, %reduce_sum3A_21 [1] : vector<1024x128xf32> to vector<1024xf32>
    %broadcast_in_dim3A_23 = vector.shape_cast %reduce_sum3A_22 : vector<1024xf32> to vector<1024x1xf32>
    %div3A_24 = arith.constant 1.280000e+02 : f32
    %div3A_25 = vector.broadcast %div3A_24 : f32 to vector<1024x1xf32>
    %div3A_26 = arith.divf %broadcast_in_dim3A_23, %div3A_25 : vector<1024x1xf32>
    %sub3A_27 = vector.broadcast %div3A_19 : vector<1024x1xf32> to vector<1024x128xf32>
    %sub3A_28 = arith.subf %add3A_16, %sub3A_27 : vector<1024x128xf32>
    %add3A_29 = arith.constant 9.99999974E-6 : f32
    %add3A_30 = vector.broadcast %add3A_29 : f32 to vector<1024x1xf32>
    %add3A_31 = arith.addf %div3A_26, %add3A_30 : vector<1024x1xf32>
    %rsqrt3A_32 = math.rsqrt %add3A_31 : vector<1024x1xf32>
    %mul3A_33 = vector.broadcast %rsqrt3A_32 : vector<1024x1xf32> to vector<1024x128xf32>
    %mul3A_34 = arith.mulf %sub3A_28, %mul3A_33 : vector<1024x128xf32>
    %get3A_35 = arith.constant 0 : index
    %get3A_36 = arith.constant 0 : index
    %get3A_37 = vector.load %arg4[%get3A_35, %get3A_36] : memref<1x128xf32, #tpu.memory_space<vmem>>, vector<1x128xf32>
    %mul3A_38 = vector.broadcast %get3A_37 : vector<1x128xf32> to vector<1024x128xf32>
    %mul3A_39 = arith.mulf %mul3A_34, %mul3A_38 : vector<1024x128xf32>
    %get3A_40 = arith.constant 0 : index
    %get3A_41 = arith.constant 0 : index
    %get3A_42 = vector.load %arg5[%get3A_40, %get3A_41] : memref<1x128xf32, #tpu.memory_space<vmem>>, vector<1x128xf32>
    %add3A_43 = vector.broadcast %get3A_42 : vector<1x128xf32> to vector<1024x128xf32>
    %add3A_44 = arith.addf %mul3A_39, %add3A_43 : vector<1024x128xf32>
    %max3A = arith.constant 0.000000e+00 : f32
    %max3A_45 = vector.broadcast %max3A : f32 to vector<1024x128xf32>
    %max3A_46 = arith.maximumf %add3A_44, %max3A_45 : vector<1024x128xf32>
    %get3A_47 = arith.constant 0 : index
    %get3A_48 = arith.constant 0 : index
    %get3A_49 = vector.load %arg6[%get3A_47, %get3A_48] : memref<128x128xf32, #tpu.memory_space<vmem>>, vector<128x128xf32>
    %dot_general3A = arith.constant dense<0.000000e+00> : vector<1024x128xf32>
    %dot_general3A_50 = tpu.matmul %max3A_46, %get3A_49, %dot_general3A {dimension_numbers = #tpu.dot_dimension_numbers<[1], [0], [0], [1], [0, 0, 1, 1], [], []>, transpose_lhs_hint = false} : vector<1024x128xf32>, vector<128x128xf32>, vector<1024x128xf32> -> vector<1024x128xf32>
    %mul3A_51 = arith.mulf %dot_general3A_50, %rsqrt3A : vector<1024x128xf32>
    %mul3A_52 = arith.constant 1024 : i32
    %mul3A_53 = arith.muli %arg0, %mul3A_52 : i32
    %iota3A = tpu.iota {dimensions = array<i32: 0>} : vector<1024x128xi32>
    %add3A_54 = vector.broadcast %mul3A_53 : i32 to vector<1024x128xi32>
    %add3A_55 = arith.addi %add3A_54, %iota3A : vector<1024x128xi32>
    %lt3A = arith.constant 10000 : i32
    %lt3A_56 = vector.broadcast %lt3A : i32 to vector<1024x128xi32>
    %lt3A_57 = arith.cmpi slt, %add3A_55, %lt3A_56 : vector<1024x128xi32>
    %jit3A = arith.constant 0.000000e+00 : f32
    %broadcast_in_dim3A_58 = vector.broadcast %jit3A : f32 to vector<1024x128xf32>
    %select_n3A = arith.select %lt3A_57, %mul3A_51, %broadcast_in_dim3A_58 : vector<1024x128xi1>, vector<1024x128xf32>
    %swap3A = arith.constant 0 : index
    %swap3A_59 = arith.constant 0 : index
    %swap3A_60 = vector.load %arg7[%swap3A, %swap3A_59] : memref<1024x128xf32, #tpu.memory_space<vmem>>, vector<1024x128xf32>
    tpu.vector_store %arg7[%swap3A, %swap3A_59], %select_n3A {strides = array<i32>} : memref<1024x128xf32, #tpu.memory_space<vmem>>, vector<1024x128xf32>,
    return
  }
  func.func @transform_0(%arg0: i32) -> (i32, i32, i32) {
    %c0_i32 = arith.constant 0 : i32
    %c0_i32_0 = arith.constant 0 : i32
    %c0_i32_1 = arith.constant 0 : i32
    return %c0_i32, %arg0, %c0_i32_0 : i32, i32, i32
  }
  func.func @transform_1(%arg0: i32) -> (i32, i32) {
    %c0_i32 = arith.constant 0 : i32
    %c0_i32_0 = arith.constant 0 : i32
    return %arg0, %c0_i32 : i32, i32
  }
  func.func @transform_2(%arg0: i32) -> (i32, i32) {
    %c0_i32 = arith.constant 0 : i32
    %c0_i32_0 = arith.constant 0 : i32
    %c0_i32_1 = arith.constant 0 : i32
    return %c0_i32, %c0_i32_0 : i32, i32
  }
  func.func @transform_3(%arg0: i32) -> (i32, i32) {
    %c0_i32 = arith.constant 0 : i32
    %c0_i32_0 = arith.constant 0 : i32
    %c0_i32_1 = arith.constant 0 : i32
    return %c0_i32, %c0_i32_0 : i32, i32
  }
  func.func @transform_4(%arg0: i32) -> (i32, i32) {
    %c0_i32 = arith.constant 0 : i32
    %c0_i32_0 = arith.constant 0 : i32
    %c0_i32_1 = arith.constant 0 : i32
    return %c0_i32, %c0_i32_0 : i32, i32
  }
  func.func @transform_5(%arg0: i32) -> (i32, i32) {
    %c0_i32 = arith.constant 0 : i32
    %c0_i32_0 = arith.constant 0 : i32
    %c0_i32_1 = arith.constant 0 : i32
    return %c0_i32, %c0_i32_0 : i32, i32
  }
  func.func @transform_6(%arg0: i32) -> (i32, i32) {
    %c0_i32 = arith.constant 0 : i32
    %c0_i32_0 = arith.constant 0 : i32
    return %arg0, %c0_i32 : i32, i32
  }
}

module attributes {stable_mosaic.version = 14 : i64} {
  func.func @body(%arg0: i32, %arg1: memref<2x1024x128xf32, #tpu.memory_space<vmem>>, %arg2: memref<1024x128xbf16, #tpu.memory_space<vmem>>, %arg3: memref<1x128xf32, #tpu.memory_space<vmem>>, %arg4: memref<1x128xf32, #tpu.memory_space<vmem>>, %arg5: memref<1x128xf32, #tpu.memory_space<vmem>>, %arg6: memref<1024x128xi8, #tpu.memory_space<vmem>>, %arg7: memref<128x128xf32, #tpu.memory_space<vmem>>, %arg8: memref<1x128xf32, #tpu.memory_space<vmem>>, %arg9: memref<128x128xf32, #tpu.memory_space<vmem>>, %arg10: memref<1x128xf32, #tpu.memory_space<vmem>>, %arg11: memref<64x128xf32, #tpu.memory_space<vmem>>, %arg12: memref<64x256xf32, #tpu.memory_space<vmem>>) attributes {dimension_semantics = [#tpu.dimension_semantics<arbitrary>], iteration_bounds = array<i64: 10>, scalar_prefetch = 0 : i64, scratch_operands = 1 : i64, tpu.core_type = #tpu.core_type<tc>, window_params = [{transform_indices = @transform_0, window_bounds = array<i64: 2, 1024, 128>}, {transform_indices = @transform_1, window_bounds = array<i64: 1024, 128>}, {pipeline_mode = #tpu.pipeline_mode<synchronous>, transform_indices = @transform_2, window_bounds = array<i64: 1, 128>}, {pipeline_mode = #tpu.pipeline_mode<synchronous>, transform_indices = @transform_3, window_bounds = array<i64: 1, 128>}, {pipeline_mode = #tpu.pipeline_mode<synchronous>, transform_indices = @transform_4, window_bounds = array<i64: 1, 128>}, {transform_indices = @transform_5, window_bounds = array<i64: 1024, 128>}, {pipeline_mode = #tpu.pipeline_mode<synchronous>, transform_indices = @transform_6, window_bounds = array<i64: 128, 128>}, {pipeline_mode = #tpu.pipeline_mode<synchronous>, transform_indices = @transform_7, window_bounds = array<i64: 1, 128>}, {pipeline_mode = #tpu.pipeline_mode<synchronous>, transform_indices = @transform_8, window_bounds = array<i64: 128, 128>}, {pipeline_mode = #tpu.pipeline_mode<synchronous>, transform_indices = @transform_9, window_bounds = array<i64: 1, 128>}, {pipeline_mode = #tpu.pipeline_mode<synchronous>, transform_indices = @transform_10, window_bounds = array<i64: 64, 128>}]} {
    %eq3A = arith.constant 0 : i32
    %eq3A_0 = arith.cmpi eq, %arg0, %eq3A : i32
    %convert_element_type3A = arith.extui %eq3A_0 : i1 to i32
    %cond3A = arith.constant 0 : i32
    %cond3A_1 = arith.cmpi ne, %convert_element_type3A, %cond3A : i32
    scf.if %cond3A_1 {
      %broadcast_in_dim3A_83 = arith.constant 0.000000e+00 : f32
      %broadcast_in_dim3A_84 = vector.broadcast %broadcast_in_dim3A_83 : f32 to vector<64x256xf32>
      %swap3A_85 = arith.constant 0 : index
      %swap3A_86 = arith.constant 0 : index
      %swap3A_87 = vector.load %arg12[%swap3A_85, %swap3A_86] : memref<64x256xf32, #tpu.memory_space<vmem>>, vector<64x256xf32>
      tpu.vector_store %arg12[%swap3A_85, %swap3A_86], %broadcast_in_dim3A_84 {strides = array<i32>} : memref<64x256xf32, #tpu.memory_space<vmem>>, vector<64x256xf32>,
    } else {
    }
    %get3A = arith.constant 0 : index
    %get3A_2 = arith.constant 0 : index
    %get3A_3 = vector.load %arg2[%get3A, %get3A_2] : memref<1024x128xbf16, #tpu.memory_space<vmem>>, vector<1024x128xbf16>
    %convert_element_type3A_4 = arith.extf %get3A_3 : vector<1024x128xbf16> to vector<1024x128xf32>
    %rsqrt3A = math.rsqrt %convert_element_type3A_4 : vector<1024x128xf32>
    %get3A_5 = arith.constant 0 : index
    %get3A_6 = arith.constant 0 : index
    %get3A_7 = arith.constant 0 : index
    %get3A_8 = vector.load %arg1[%get3A_5, %get3A_6, %get3A_7] : memref<2x1024x128xf32, #tpu.memory_space<vmem>>, vector<1x1024x128xf32>
    %get3A_9 = vector.shape_cast %get3A_8 : vector<1x1024x128xf32> to vector<1024x128xf32>
    %get3A_10 = arith.constant 1 : index
    %get3A_11 = arith.constant 0 : index
    %get3A_12 = arith.constant 0 : index
    %get3A_13 = vector.load %arg1[%get3A_10, %get3A_11, %get3A_12] : memref<2x1024x128xf32, #tpu.memory_space<vmem>>, vector<1x1024x128xf32>
    %get3A_14 = vector.shape_cast %get3A_13 : vector<1x1024x128xf32> to vector<1024x128xf32>
    %add3A = arith.addf %get3A_9, %get3A_14 : vector<1024x128xf32>
    %mul3A = arith.mulf %rsqrt3A, %add3A : vector<1024x128xf32>
    %get3A_15 = arith.constant 0 : index
    %get3A_16 = arith.constant 0 : index
    %get3A_17 = vector.load %arg3[%get3A_15, %get3A_16] : memref<1x128xf32, #tpu.memory_space<vmem>>, vector<1x128xf32>
    %add3A_18 = vector.broadcast %get3A_17 : vector<1x128xf32> to vector<1024x128xf32>
    %add3A_19 = arith.addf %mul3A, %add3A_18 : vector<1024x128xf32>
    %reduce_sum3A = arith.constant dense<0.000000e+00> : vector<1024xf32>
    %reduce_sum3A_20 = vector.multi_reduction <add>, %add3A_19, %reduce_sum3A [1] : vector<1024x128xf32> to vector<1024xf32>
    %broadcast_in_dim3A = vector.shape_cast %reduce_sum3A_20 : vector<1024xf32> to vector<1024x1xf32>
    %div3A = arith.constant 1.280000e+02 : f32
    %div3A_21 = vector.broadcast %div3A : f32 to vector<1024x1xf32>
    %div3A_22 = arith.divf %broadcast_in_dim3A, %div3A_21 : vector<1024x1xf32>
    %sub3A = vector.broadcast %div3A_22 : vector<1024x1xf32> to vector<1024x128xf32>
    %sub3A_23 = arith.subf %add3A_19, %sub3A : vector<1024x128xf32>
    %integer_pow3A = arith.mulf %sub3A_23, %sub3A_23 : vector<1024x128xf32>
    %reduce_sum3A_24 = arith.constant dense<0.000000e+00> : vector<1024xf32>
    %reduce_sum3A_25 = vector.multi_reduction <add>, %integer_pow3A, %reduce_sum3A_24 [1] : vector<1024x128xf32> to vector<1024xf32>
    %broadcast_in_dim3A_26 = vector.shape_cast %reduce_sum3A_25 : vector<1024xf32> to vector<1024x1xf32>
    %div3A_27 = arith.constant 1.280000e+02 : f32
    %div3A_28 = vector.broadcast %div3A_27 : f32 to vector<1024x1xf32>
    %div3A_29 = arith.divf %broadcast_in_dim3A_26, %div3A_28 : vector<1024x1xf32>
    %sub3A_30 = vector.broadcast %div3A_22 : vector<1024x1xf32> to vector<1024x128xf32>
    %sub3A_31 = arith.subf %add3A_19, %sub3A_30 : vector<1024x128xf32>
    %add3A_32 = arith.constant 9.99999974E-6 : f32
    %add3A_33 = vector.broadcast %add3A_32 : f32 to vector<1024x1xf32>
    %add3A_34 = arith.addf %div3A_29, %add3A_33 : vector<1024x1xf32>
    %rsqrt3A_35 = math.rsqrt %add3A_34 : vector<1024x1xf32>
    %mul3A_36 = vector.broadcast %rsqrt3A_35 : vector<1024x1xf32> to vector<1024x128xf32>
    %mul3A_37 = arith.mulf %sub3A_31, %mul3A_36 : vector<1024x128xf32>
    %get3A_38 = arith.constant 0 : index
    %get3A_39 = arith.constant 0 : index
    %get3A_40 = vector.load %arg4[%get3A_38, %get3A_39] : memref<1x128xf32, #tpu.memory_space<vmem>>, vector<1x128xf32>
    %mul3A_41 = vector.broadcast %get3A_40 : vector<1x128xf32> to vector<1024x128xf32>
    %mul3A_42 = arith.mulf %mul3A_37, %mul3A_41 : vector<1024x128xf32>
    %get3A_43 = arith.constant 0 : index
    %get3A_44 = arith.constant 0 : index
    %get3A_45 = vector.load %arg5[%get3A_43, %get3A_44] : memref<1x128xf32, #tpu.memory_space<vmem>>, vector<1x128xf32>
    %add3A_46 = vector.broadcast %get3A_45 : vector<1x128xf32> to vector<1024x128xf32>
    %add3A_47 = arith.addf %mul3A_42, %add3A_46 : vector<1024x128xf32>
    %max3A = arith.constant 0.000000e+00 : f32
    %max3A_48 = vector.broadcast %max3A : f32 to vector<1024x128xf32>
    %max3A_49 = arith.maximumf %add3A_47, %max3A_48 : vector<1024x128xf32>
    %mul3A_50 = arith.constant 1024 : i32
    %mul3A_51 = arith.muli %arg0, %mul3A_50 : i32
    %iota3A = tpu.iota {dimensions = array<i32: 0>} : vector<1024x64xi32>
    %add3A_52 = vector.broadcast %mul3A_51 : i32 to vector<1024x64xi32>
    %add3A_53 = arith.addi %add3A_52, %iota3A : vector<1024x64xi32>
    %get3A_54 = arith.constant 0 : index
    %get3A_55 = arith.constant 0 : index
    %get3A_56 = vector.load %arg6[%get3A_54, %get3A_55] : memref<1024x128xi8, #tpu.memory_space<vmem>>, vector<1024x128xi8>
    %slice3A = vector.extract_strided_slice %get3A_56 {offsets = [0, 0], sizes = [1024, 64], strides = [1, 1]} : vector<1024x128xi8> to vector<1024x64xi8>
    %convert_element_type3A_57 = arith.extsi %slice3A : vector<1024x64xi8> to vector<1024x64xi32>
    %iota3A_58 = tpu.iota {dimensions = array<i32: 1>} : vector<1024x64xi32>
    %eq3A_59 = arith.cmpi eq, %convert_element_type3A_57, %iota3A_58 : vector<1024x64xi32>
    %lt3A = arith.constant 10000 : i32
    %lt3A_60 = vector.broadcast %lt3A : i32 to vector<1024x64xi32>
    %lt3A_61 = arith.cmpi slt, %add3A_53, %lt3A_60 : vector<1024x64xi32>
    %and3A = arith.andi %eq3A_59, %lt3A_61 : vector<1024x64xi1>
    %convert_element_type3A_62 = arith.extui %and3A : vector<1024x64xi1> to vector<1024x64xi32>
    %convert_element_type3A_63 = arith.sitofp %convert_element_type3A_62 : vector<1024x64xi32> to vector<1024x64xf32>
    %iota3A_64 = tpu.iota {dimensions = array<i32: 1>} : vector<1024x128xi32>
    %eq3A_65 = arith.constant 0 : i32
    %eq3A_66 = vector.broadcast %eq3A_65 : i32 to vector<1024x128xi32>
    %eq3A_67 = arith.cmpi eq, %iota3A_64, %eq3A_66 : vector<1024x128xi32>
    %jit3A = arith.constant 1.000000e+00 : f32
    %jit3A_68 = arith.constant 0.000000e+00 : f32
    %broadcast_in_dim3A_69 = vector.broadcast %jit3A : f32 to vector<1024x128xf32>
    %broadcast_in_dim3A_70 = vector.broadcast %jit3A_68 : f32 to vector<1024x128xf32>
    %select_n3A = arith.select %eq3A_67, %broadcast_in_dim3A_69, %broadcast_in_dim3A_70 : vector<1024x128xi1>, vector<1024x128xf32>
    %concatenate3A = tpu.concatenate %max3A_49, %select_n3A in 1 : vector<1024x128xf32>, vector<1024x128xf32> -> vector<1024x256xf32>
    %dot_general3A = arith.constant dense<0.000000e+00> : vector<64x256xf32>
    %dot_general3A_71 = tpu.matmul %convert_element_type3A_63, %concatenate3A, %dot_general3A {dimension_numbers = #tpu.dot_dimension_numbers<[0], [0], [1], [1], [0, 1, 1, 1], [], []>, precision = #tpu.contract_precision<fp32>, transpose_lhs_hint = false} : vector<1024x64xf32>, vector<1024x256xf32>, vector<64x256xf32> -> vector<64x256xf32>
    %get3A_72 = arith.constant 0 : index
    %get3A_73 = arith.constant 0 : index
    %get3A_74 = vector.load %arg12[%get3A_72, %get3A_73] : memref<64x256xf32, #tpu.memory_space<vmem>>, vector<64x256xf32>
    %add3A_75 = arith.addf %get3A_74, %dot_general3A_71 : vector<64x256xf32>
    %swap3A = arith.constant 0 : index
    %swap3A_76 = arith.constant 0 : index
    %swap3A_77 = vector.load %arg12[%swap3A, %swap3A_76] : memref<64x256xf32, #tpu.memory_space<vmem>>, vector<64x256xf32>
    tpu.vector_store %arg12[%swap3A, %swap3A_76], %add3A_75 {strides = array<i32>} : memref<64x256xf32, #tpu.memory_space<vmem>>, vector<64x256xf32>,
    %eq3A_78 = arith.constant 9 : i32
    %eq3A_79 = arith.cmpi eq, %arg0, %eq3A_78 : i32
    %convert_element_type3A_80 = arith.extui %eq3A_79 : i1 to i32
    %cond3A_81 = arith.constant 0 : i32
    %cond3A_82 = arith.cmpi ne, %convert_element_type3A_80, %cond3A_81 : i32
    scf.if %cond3A_82 {
      %get3A_83 = arith.constant 0 : index
      %get3A_84 = arith.constant 128 : index
      %get3A_85 = vector.load %arg12[%get3A_83, %get3A_84] : memref<64x256xf32, #tpu.memory_space<vmem>>, vector<64x1xf32>
      %get3A_86 = arith.constant 0 : index
      %get3A_87 = arith.constant 0 : index
      %get3A_88 = vector.load %arg12[%get3A_86, %get3A_87] : memref<64x256xf32, #tpu.memory_space<vmem>>, vector<64x128xf32>
      %max3A_89 = arith.constant 1.000000e+00 : f32
      %max3A_90 = vector.broadcast %max3A_89 : f32 to vector<64x1xf32>
      %max3A_91 = arith.maximumf %get3A_85, %max3A_90 : vector<64x1xf32>
      %div3A_92 = vector.broadcast %max3A_91 : vector<64x1xf32> to vector<64x128xf32>
      %div3A_93 = arith.divf %get3A_88, %div3A_92 : vector<64x128xf32>
      %get3A_94 = arith.constant 0 : index
      %get3A_95 = arith.constant 0 : index
      %get3A_96 = vector.load %arg7[%get3A_94, %get3A_95] : memref<128x128xf32, #tpu.memory_space<vmem>>, vector<128x128xf32>
      %dot_general3A_97 = arith.constant dense<0.000000e+00> : vector<64x128xf32>
      %dot_general3A_98 = tpu.matmul %div3A_93, %get3A_96, %dot_general3A_97 {dimension_numbers = #tpu.dot_dimension_numbers<[1], [0], [0], [1], [0, 0, 1, 1], [], []>, transpose_lhs_hint = false} : vector<64x128xf32>, vector<128x128xf32>, vector<64x128xf32> -> vector<64x128xf32>
      %get3A_99 = arith.constant 0 : index
      %get3A_100 = arith.constant 0 : index
      %get3A_101 = vector.load %arg8[%get3A_99, %get3A_100] : memref<1x128xf32, #tpu.memory_space<vmem>>, vector<1x128xf32>
      %add3A_102 = vector.broadcast %get3A_101 : vector<1x128xf32> to vector<64x128xf32>
      %add3A_103 = arith.addf %dot_general3A_98, %add3A_102 : vector<64x128xf32>
      %max3A_104 = arith.constant 0.000000e+00 : f32
      %max3A_105 = vector.broadcast %max3A_104 : f32 to vector<64x128xf32>
      %max3A_106 = arith.maximumf %add3A_103, %max3A_105 : vector<64x128xf32>
      %get3A_107 = arith.constant 0 : index
      %get3A_108 = arith.constant 0 : index
      %get3A_109 = vector.load %arg9[%get3A_107, %get3A_108] : memref<128x128xf32, #tpu.memory_space<vmem>>, vector<128x128xf32>
      %dot_general3A_110 = arith.constant dense<0.000000e+00> : vector<64x128xf32>
      %dot_general3A_111 = tpu.matmul %max3A_106, %get3A_109, %dot_general3A_110 {dimension_numbers = #tpu.dot_dimension_numbers<[1], [0], [0], [1], [0, 0, 1, 1], [], []>, transpose_lhs_hint = false} : vector<64x128xf32>, vector<128x128xf32>, vector<64x128xf32> -> vector<64x128xf32>
      %get3A_112 = arith.constant 0 : index
      %get3A_113 = arith.constant 0 : index
      %get3A_114 = vector.load %arg10[%get3A_112, %get3A_113] : memref<1x128xf32, #tpu.memory_space<vmem>>, vector<1x128xf32>
      %add3A_115 = vector.broadcast %get3A_114 : vector<1x128xf32> to vector<64x128xf32>
      %add3A_116 = arith.addf %dot_general3A_111, %add3A_115 : vector<64x128xf32>
      %swap3A_117 = arith.constant 0 : index
      %swap3A_118 = arith.constant 0 : index
      %swap3A_119 = vector.load %arg11[%swap3A_117, %swap3A_118] : memref<64x128xf32, #tpu.memory_space<vmem>>, vector<64x128xf32>
      tpu.vector_store %arg11[%swap3A_117, %swap3A_118], %add3A_116 {strides = array<i32>} : memref<64x128xf32, #tpu.memory_space<vmem>>, vector<64x128xf32>,
    } else {
    }
    return
  }
  func.func @transform_0(%arg0: i32) -> (i32, i32, i32) {
    %c0_i32 = arith.constant 0 : i32
    %c0_i32_0 = arith.constant 0 : i32
    %c0_i32_1 = arith.constant 0 : i32
    return %c0_i32, %arg0, %c0_i32_0 : i32, i32, i32
  }
  func.func @transform_1(%arg0: i32) -> (i32, i32) {
    %c0_i32 = arith.constant 0 : i32
    %c0_i32_0 = arith.constant 0 : i32
    return %arg0, %c0_i32 : i32, i32
  }
  func.func @transform_2(%arg0: i32) -> (i32, i32) {
    %c0_i32 = arith.constant 0 : i32
    %c0_i32_0 = arith.constant 0 : i32
    %c0_i32_1 = arith.constant 0 : i32
    return %c0_i32, %c0_i32_0 : i32, i32
  }
  func.func @transform_3(%arg0: i32) -> (i32, i32) {
    %c0_i32 = arith.constant 0 : i32
    %c0_i32_0 = arith.constant 0 : i32
    %c0_i32_1 = arith.constant 0 : i32
    return %c0_i32, %c0_i32_0 : i32, i32
  }
  func.func @transform_4(%arg0: i32) -> (i32, i32) {
    %c0_i32 = arith.constant 0 : i32
    %c0_i32_0 = arith.constant 0 : i32
    %c0_i32_1 = arith.constant 0 : i32
    return %c0_i32, %c0_i32_0 : i32, i32
  }
  func.func @transform_5(%arg0: i32) -> (i32, i32) {
    %c0_i32 = arith.constant 0 : i32
    %c0_i32_0 = arith.constant 0 : i32
    return %arg0, %c0_i32 : i32, i32
  }
  func.func @transform_6(%arg0: i32) -> (i32, i32) {
    %c0_i32 = arith.constant 0 : i32
    %c0_i32_0 = arith.constant 0 : i32
    %c0_i32_1 = arith.constant 0 : i32
    return %c0_i32, %c0_i32_0 : i32, i32
  }
  func.func @transform_7(%arg0: i32) -> (i32, i32) {
    %c0_i32 = arith.constant 0 : i32
    %c0_i32_0 = arith.constant 0 : i32
    %c0_i32_1 = arith.constant 0 : i32
    return %c0_i32, %c0_i32_0 : i32, i32
  }
  func.func @transform_8(%arg0: i32) -> (i32, i32) {
    %c0_i32 = arith.constant 0 : i32
    %c0_i32_0 = arith.constant 0 : i32
    %c0_i32_1 = arith.constant 0 : i32
    return %c0_i32, %c0_i32_0 : i32, i32
  }
  func.func @transform_9(%arg0: i32) -> (i32, i32) {
    %c0_i32 = arith.constant 0 : i32
    %c0_i32_0 = arith.constant 0 : i32
    %c0_i32_1 = arith.constant 0 : i32
    return %c0_i32, %c0_i32_0 : i32, i32
  }
  func.func @transform_10(%arg0: i32) -> (i32, i32) {
    %c0_i32 = arith.constant 0 : i32
    %c0_i32_0 = arith.constant 0 : i32
    %c0_i32_1 = arith.constant 0 : i32
    return %c0_i32, %c0_i32_0 : i32, i32
  }
}

</mosaic_0001>

<sc_bundles>
// kernel: kernel.11.cloned.1.call-start
scs
__scs_entry_jumppad:
0x0: {  	(pc) =	sbr.rel $0x88, $3  }
0x1: {  	(tag) =	ssettag $0x0;
	lr =	simm.s32 $0x1  }
0x2: {  	[smem:$0x3F92] =	sst lr;
	_ =	strace $0xD0000000  }
0x3: {  	_ = 	snop  }
0x4: {  	_ = 	snop  }
0x5: {  	_ = 	snop  }
0x6: {  	_ = 	snop  }
0x7: {  	_ = 	snop  }
__scs_overlays_trampoline_lowered:
0x8: {  	[smem:$0x3FA1] =	sst s0  }
0x9: {  	[smem:$0x3FA2] =	sst s1  }
0xa: {  	[smem:$0x3FA3] =	sst s2  }
0xb: {  	[smem:$0x3FA4] =	sst s3  }
0xc: {  	[smem:$0x3FA5] =	sst s4  }
0xd: {  	[smem:$0x3FA6] =	sst s5  }
0xe: {  	[smem:$0x3FA7] =	sst s6  }
0xf: {  	[smem:$0x3FA8] =	sst s7  }
0x10: {  	[smem:$0x3FA9] =	sst s8  }
0x11: {  	[smem:$0x3FAA] =	sst s9;
	s0 =	simm.s32 @!p0 $0x0  }
0x12: {  	s1 =	sld [smem:$0x3F90];
	s0 =	simm.s32 @p0 $0x1  }
0x13: {  	[smem:$0x3FAB] =	sst s0;
	s0 =	simm.s32 @!p1 $0x0  }
0x14: {  	s2 =	sld [smem:$0x3F8F];
	s0 =	simm.s32 @p1 $0x1  }
0x15: {  	[smem:$0x3FAC] =	sst s0;
	s0 =	simm.s32 @!p2 $0x0  }
0x16: {  	s3 =	sld [smem:$0x3FDB];
	s0 =	simm.s32 @p2 $0x1  }
0x17: {  	s4 =	simm.s32 $0x1BF5;
	[smem:$0x3FAE] =	sst s0  }
0x18: {  	s0 =	sld [smem:$0x3F91];
	_ =	swait.ge [sflag:s4], $0x0  }
0x19: {  	s7 =	sld [smem:$0x3F92]  }
0x1a: {  	s8 =	sadd.s32 $0xFFFFE003, lr  }
0x1b: {  	s9 =	sadd.s32 $0xFFFFFEF7, lr;
	s5 =	simm.s32 $0xFFFFFFFF;
	p2 =	slt.u32 s8, $0xFFFFF086  }
0x1c: {  	p1 =	slt.u32 s9, $0xF7A;
	s5 =	simm.s32 @!p2 $0x0  }
0x1d: {  	s5 =	simm.s32 @p1 $0x1;
	p0 =	seq.s32 s7, s2  }
0x1e: {  	s7 =	smul.u32 @!p0 $0xF7A, s2;
	p2 =	seq.s32 @!p0 s5, $0x0  }
0x1f: {  	s9 =	smul.u32 $0xF7A, s1;
	s8 =	simm.s32 @!p0 $0x1BF5;
	p2 =	por !p2, p0  }
0x20: {  	[sflag:s8] =	ssyncset.s32 @!p0 $0xFFFFF086;
	s6 =	sadd.s32 @!p0 s3, s7;
	s7 =	simm.s32 @!p0 $0x108  }
0x21: {  	s3 =	sadd.s32 s3, s9;
	s6 =	sadd.s32 @!p0 $0x88, s6;
	s7 =	simm.s32 @p2 $0x1082  }
0x22: {  	[simem:s7], [sflag:s8] =	dma.local @!p0 [hbm:s6], $0xF7A  }
0x23: {  	s9 =	sor.u32 $0xD0000000, s2;
	s6 =	simm.s32 $0x108;
	_ =	swait.ge @!p0 [sflag:s8], $0x0  }
0x24: {  	s3 =	sadd.s32 $0x88, s3;
	s6 =	simm.s32 @!p1 $0x1082;
	[sflag:s4] =	ssyncset.s32 $0xFFFFF086  }
0x25: {  	[simem:s6], [sflag:s4] =	dma.local [hbm:s3], $0xF7A  }
0x26: {  	[smem:$0x3F92] =	sst s1;
	(tag) =	ssettag s2;
	_ =	strace s9  }
0x27: {  	s1 =	sld [smem:$0x3FA2]  }
0x28: {  	s2 =	sld [smem:$0x3FA3]  }
0x29: {  	s4 =	sld [smem:$0x3FA5]  }
0x2a: {  	p0 =	seq.s32 s5, $0x0;
	s5 =	sld [smem:$0x3FA6]  }
0x2b: {  	s6 =	sld [smem:$0x3FA7]  }
0x2c: {  	s7 =	sld [smem:$0x3FA8]  }
0x2d: {  	s3 =	simm.s32 $0x108;
	s8 =	sld [smem:$0x3FA9]  }
0x2e: {  	s3 =	simm.s32 @!p0 $0x1082;
	s9 =	sld [smem:$0x3FAA]  }
0x2f: {  	lr =	sadd.s32 s0, s3;
	s0 =	sld [smem:$0x3FA1]  }
0x30: {  	s3 =	sld [smem:$0x3FA4]  }
0x31: {  	[smem:$0x3FAD] =	sst s10  }
0x32: {  	s10 =	sld [smem:$0x3FAB];
	_ =	sdelay $0x3  }
0x33: {  	p0 =	seq.s32 s10, $0x1;
	s10 =	sld [smem:$0x3FAD];
	_ =	sdelay $0x3  }
0x34: {  	[smem:$0x3FAD] =	sst s10  }
0x35: {  	s10 =	sld [smem:$0x3FAC];
	_ =	sdelay $0x3  }
0x36: {  	p1 =	seq.s32 s10, $0x1;
	s10 =	sld [smem:$0x3FAD];
	_ =	sdelay $0x3  }
0x37: {  	[smem:$0x3FAD] =	sst s10  }
0x38: {  	s10 =	sld [smem:$0x3FAE]  }
0x39: {  	_ = 	snop;
	(pc) =	sbr.ind lr, $3  }
0x3a: {  	_ = 	snop  }
0x3b: {  	_ = 	snop  }
0x3c: {  	p2 =	seq.s32 s10, $0x1;
	s10 =	sld [smem:$0x3FAD]  }
0x3d: {  	_ =	shalt  }
0x3e: {  	_ =	shalt  }
0x3f: {  	_ =	shalt  }
0x40: {  	_ =	shalt  }
0x41: {  	_ =	shalt  }
0x42: {  	_ =	shalt  }
0x43: {  	_ =	shalt  }
0x44: {  	_ =	shalt  }
0x45: {  	_ =	shalt  }
0x46: {  	_ =	shalt  }
0x47: {  	_ =	shalt  }
0x48: {  	_ =	shalt  }
0x49: {  	_ =	shalt  }
0x4a: {  	_ =	shalt  }
0x4b: {  	_ =	shalt  }
0x4c: {  	_ =	shalt  }
0x4d: {  	_ =	shalt  }
0x4e: {  	_ =	shalt  }
0x4f: {  	_ =	shalt  }
0x50: {  	_ =	shalt  }
0x51: {  	_ =	shalt  }
0x52: {  	_ =	shalt  }
0x53: {  	_ =	shalt  }
0x54: {  	_ =	shalt  }
0x55: {  	_ =	shalt  }
0x56: {  	_ =	shalt  }
0x57: {  	_ =	shalt  }
0x58: {  	_ =	shalt  }
0x59: {  	_ =	shalt  }
0x5a: {  	_ =	shalt  }
0x5b: {  	_ =	shalt  }
0x5c: {  	_ =	shalt  }
0x5d: {  	_ =	shalt  }
0x5e: {  	_ =	shalt  }
0x5f: {  	_ =	shalt  }
0x60: {  	_ =	shalt  }
0x61: {  	_ =	shalt  }
0x62: {  	_ =	shalt  }
0x63: {  	_ =	shalt  }
0x64: {  	_ =	shalt  }
0x65: {  	_ =	shalt  }
0x66: {  	_ =	shalt  }
0x67: {  	_ =	shalt  }
0x68: {  	_ =	shalt  }
0x69: {  	_ =	shalt  }
0x6a: {  	_ =	shalt  }
0x6b: {  	_ =	shalt  }
0x6c: {  	_ =	shalt  }
0x6d: {  	_ =	shalt  }
0x6e: {  	_ =	shalt  }
0x6f: {  	_ =	shalt  }
0x70: {  	_ =	shalt  }
0x71: {  	_ =	shalt  }
0x72: {  	_ =	shalt  }
0x73: {  	_ =	shalt  }
0x74: {  	_ =	shalt  }
0x75: {  	_ =	shalt  }
0x76: {  	_ =	shalt  }
0x77: {  	_ =	shalt  }
0x78: {  	_ =	shalt  }
0x79: {  	_ =	shalt  }
0x7a: {  	_ =	shalt  }
0x7b: {  	_ =	shalt  }
0x7c: {  	_ =	shalt  }
0x7d: {  	_ =	shalt  }
0x7e: {  	_ =	shalt  }
0x7f: {  	_ =	shalt  }
0x80: {  	_ =	shalt  }
0x81: {  	_ =	shalt  }
0x82: {  	_ =	shalt  }
0x83: {  	_ =	shalt  }
0x84: {  	_ =	shalt  }
0x85: {  	_ =	shalt  }
0x86: {  	_ =	shalt  }
0x87: {  	_ =	shalt  }
.Lfunc_end0:
.L_simem_size_0:
called_computation.1_lowered:
.L_overlay_start_0:
0x88: {  	s2 =	sld [smem:$0x3FD9]  }
0x89: {  	s3 =	sld [smem:$0x3FFE];
	_ =	sdelay $0x1  }
0x8a: {  	s1 =	srdreg.scid  }
0x8b: {  	s0 =	sand.u32 $0x1, s1  }
0x8c: {  	s16 =	sshll.u32 s0, $0xA;
	s2 =	sadd.s32 s3, s2  }
0x8d: {  	s2 =	sadd.s32 s2, s16  }
0x8e: {  	[smem:$0x3FB9] =	sst s2  }
0x8f: {  	_ = 	snop  }
0x90: {  	(tm) =	ssettm $0x1  }
0x91: {  	s17 =	sld [smem:$0x3FFB];
	_ =	sdelay $0x3  }
0x92: {  	_ =	strace s17  }
0x93: {  	s2 =	sld [smem:$0x3FFC];
	_ =	sdelay $0x3  }
0x94: {  	_ =	strace s2  }
0x95: {  	s2 =	sld [smem:$0x3FFD];
	_ =	sdelay $0x3  }
0x96: {  	_ =	strace s2  }
0x97: {  	_ =	strace $0x8FFFFFFF  }
0x98: {  	s18 =	sld [smem:$0x3FDB];
	_ =	sdelay $0x1  }
0x99: {  	s19 =	simm.s32 $_scs_section_size  }
0x9a: {  	s4 =	simm.s32 $_size__tile_overlayer_lowered;
	s5 =	simm.s32 $_tile_overlayer_lowered  }
0x9b: {  	s22 =	simm.s32 $0x1BFF;
	s21 =	sshll.u32 s5, $0x1;
	s2 =	sadd.s32 s19, s18  }
0x9c: {  	s6 =	simm.s32 $0x0;
	s20 =	sshll.u32 s4, $0x1;
	s4 =	sadd.s32 s21, s2  }
0x9d: {  	[timem:s6], [sflag:s22] =	dma.local [hbm:s4], s20  }
0x9e: {  	_ =	swait.ge [sflag:s22], s20  }
0x9f: {  	s3 =	ssub.s32 $0x0, s20;
	[sflag:s22] =	ssyncset.done $0x0  }
0xa0: {  	[sflag:s22] =	ssyncadd.s32 s3;
	_ =	sdelay $0x1  }
0xa1: {  	s23 =	simm.s32 $0x1B8B  }
0xa2: {  	_ =	swait.ge [sflag:s23], $0x1  }
0xa3: {  	[sflag:s23] =	ssyncset.done $0x0  }
0xa4: {  	s25 =	simm.s32 $0x1B8E;
	s24 =	sld [smem:$0x3FFE];
	[sflag:s23] =	ssyncadd.s32 $0xFFFFFFFF  }
0xa5: {  	s26 =	simm.s32 $execute0_lowered;
	[smem:$0x3FD2] =	sst s25  }
0xa6: {  	s4 =	sshll.u32 s26, $0x1;
	_ =	strace $0x80000049;
	[dreg:$0x1] =	wrdreg $0xFFFFFFFF  }
0xa7: {  	s28 =	simm.s32 $_size_execute0_lowered;
	s2 =	sadd.s32 s2, s4;
	[dreg:$0x0] =	wrdreg $0x0  }
0xa8: {  	s4 =	sshll.u32 s28, $0x1;
	[dreg:$0x2] =	wrdreg s2  }
0xa9: {  	[dreg:$0x3] =	wrdreg s4  }
0xaa: {  	[dreg:$0x4] =	wrdreg $0xC0  }
0xab: {  	_ =	task [dreg:s6], $0x5FFFF  }
0xac: {  	[dreg:$0x1] =	wrdreg $0xFFFFFFFF  }
0xad: {  	[dreg:$0x0] =	wrdreg $0x60  }
0xae: {  	[dreg:$0x2] =	wrdreg s24  }
0xaf: {  	[dreg:$0x3] =	wrdreg $0xA8000  }
0xb0: {  	[dreg:$0x4] =	wrdreg $0x9  }
0xb1: {  	_ =	task.clear_ibuf [dreg:s6], $0x5FFFF;
	_ =	strace $0x90000049  }
0xb2: {  	s29 =	simm.s32 $0x9;
	_ =	strace $0x8000004B  }
0xb3: {  	_ =	swait.ge [sflag:s29], $0x1  }
0xb4: {  	[sflag:s29] =	ssyncadd.s32 $0xFFFFFFFF  }
0xb5: {  	_ =	strace $0x9000004B  }
0xb6: {  	_ =	sfence  }
0xb7: {  	s30 =	sld [smem:$0x0];
	_ =	sdelay $0x2  }
0xb8: {  	s31 =	sshll.u32 s1, $0xD;
	s1 =	sshrl.u32 s1, $0x2  }
0xb9: {  	s3 =	sand.u32 $0x4000, s31;
	s1 =	sadd.s32 s1, s30  }
0xba: {  	s0 =	sor.u32 s3, s0;
	s1 =	sshll.u32 s1, $0x11  }
0xbb: {  	s0 =	sor.u32 s1, s0  }
0xbc: {  	s0 =	sadd.s32 $0x8F2B, s0  }
0xbd: {  	[sflag:s0] =	ssyncadd.remote.s32 $0x1  }
0xbe: {  	_ =	sfence.sel $0xFFFF  }
0xbf: {  	[dreg:$0x0] =	wrdreg $0xFFFFFFFF;
	(pc) =	sbr.abs _section_cstart, $3  }
0xc0: {  	[dreg:$0x1] =	wrdreg $0xFFFFFFFF  }
0xc1: {  	_ =	task.clear_ibuf [dreg:s6], $0x2FFFF;
	_ =	strace $0x9FFFFFFF  }
0xc2: {  	(tm) =	ssettm $0x7FFFFFFF  }
0xc3: {  	_ =	shalt  }
tec
execute0_lowered:
.L_overlay_start_1:
0x0: {  	(tag) =	ssettag $0x1  }
0x1: {  	s0 =	rddreg [dreg:$0x0]  }
0x2: {  	s1 =	rddreg [dreg:$0x1];
	s2 =	srdreg.scid  }
0x3: {  	s3 =	simm.s32 $0x0;
	s19 =	simm.s32 $0x2800;
	s20 =	simm.s32 $0x3  }
0x4: {  	s22 =	simm.s32 $0x80;
	s23 =	simm.s32 $0x6800;
	s28 =	simm.s32 $0x2780  }
0x5: {  	s29 =	simm.s32 $0x0;
	s6 =	sand.u32 $0x1, s2;
	s2 =	stileid.u32  }
0x6: {  	[smem:$0x7FF] =	sst s3;
	s4 =	sadd.s32 $0x16800, s0;
	s16 =	sadd.s32 $0x2400, s0  }
0x7: {  	s17 =	sadd.s32 $0xC000, s0;
	s5 =	sadd.s32 $0x15C00, s0;
	s7 =	smul.u32 $0x140000, s6  }
0x8: {  	s21 =	sadd.s32 $0x16200, s0;
	s8 =	smul.u32 $0x14000, s2;
	_ =	strace $0x8000004A  }
0x9: {  	s24 =	ssub.s32 $0x2, s6;
	s10 =	smul.u32 $0x50000, s2;
	s26 =	sshll.u32 s6, $0x4  }
0xa: {  	s30 =	smul.u32 $0x2800, s2;
	p0 =	seq.s32 s6, $0x1;
	s25 =	sshrl.u32 s24, $0x1  }
0xb: {  	s7 =	sadd.s32 s8, s7;
	s11 =	ssub.s32 s24, s25;
	s24 =	sor.u32 s2, s26  }
0xc: {  	s31 =	sshrl.u32 s10, $0x2;
	s26 =	simm.s32 $0x2700;
	s7 =	sshrl.u32 s7, $0x3  }
0xd: {  	s6 =	sadd.s32 s31, s1;
	s18 =	smul.u32 $0x500, s24;
	p1 =	seq.s32 s24, $0x1F  }
0xe: {  	p2 =	sne.s32 s24, $0x1F;
	s24 =	simm.s32 $0x1;
	s9 =	sadd.s32 s7, s0  }
0xf: {  	s7 =	sadd.s32 s4, s30;
	s10 =	sadd.s32 $0x4000, s6;
	s12 =	sadd.s32 $0xC000, s6  }
0x10: {  	s13 =	sadd.s32 $0x10000, s6;
	s8 =	sadd.s32 $0x3E800, s9;
	s9 =	smax.u32 s11, $0x1  }
0x11: {  	s14 =	sadd.s32 s16, s18;
	s15 =	sadd.s32 s17, s18;
	s18 =	sadd.s32 $0x280, s18  }
0x12: {  	s11 =	sadd.s32 $0x8000, s6;
	s16 =	sadd.s32 s16, s18;
	s25 =	sadd.s32 s17, s18  }
0x13: {  	s17 =	sadd.s32 $0x15E80, s0;
	s18 =	sadd.s32 $0x16480, s0;
	s15 =	smov.u32 @p1 s21  }
0x14: {  	v0 =	vimm.f32 $0.0e+00;
	s21 =	simm.s32 $0x1400;
	s18 =	smov.u32 @p2 s25;
	s25 =	simm.s32 $0x2  }
.LBB2_1:
.Ltmp0:
0x15: {  	(pc) =	sbr.rel @!p0 .LBB2_2-.Ltmp0, $1  }
0x16: {  	_ =	sdelay $0x3  }
0x17: {  	s3 =	simm.s32 $0x0  }
0x18: {  	s0 =	sand.u32 $0xFE00, s3  }
0x19: {  	s31 =	sand.u32 $0x70, s3;
	s0 =	sshrl.u32 s0, $0x2  }
0x1a: {  	s30 =	simm.s32 $0x40;
	s0 =	sor.u32 s31, s0;
	s31 =	simm.s32 $0x0  }
.LBB2_4:
0x1b: {  	p3 =	seq.s32 s30, $0xFFC0  }
0x1c: {  	[tilespmem:s0+$0x2800] =	vst v0;
	s31 =	sadd.s32 $0x10, s31;
	s0 =	smov.u32 s30;
	s30 =	sadd.s32 $0x40, s30  }
.Ltmp1:
0x1d: {  	(pc) =	sbr.rel @!p3 .LBB2_4-.Ltmp1, $4  }
0x1e: {  	_ = 	snop  }
0x1f: {  	s0 =	sand.u32 $0xFE00, s0  }
0x20: {  	s3 =	sand.u32 $0x70, s31;
	s0 =	sshrl.u32 s0, $0x2  }
0x21: {  	s0 =	sor.u32 s3, s0  }
0x22: {  	[tilespmem:s0+$0x2800] =	vst v0  }
0x23: {  	[spmem:s6] =	stream.linear.scatter [tilespmem:s19], [sflag:$0x3], $0x4000, $0x38;
	[tilespmem:$0x1E800] =	vst v63  }
0x24: {  	_ =	swait.ge [sflag:s20], $0x4000  }
0x25: {  	[sflag:s20] =	ssyncset.done $0x0  }
0x26: {  	[sflag:s20] =	ssyncadd.s32 $0xFFFFC000  }
0x27: {  	[spmem:s10] =	stream.linear.scatter [tilespmem:s19], [sflag:$0x3], $0x4000, $0x38;
	[tilespmem:$0x1E800] =	vst v63  }
0x28: {  	_ =	swait.ge [sflag:s20], $0x4000  }
0x29: {  	[sflag:s20] =	ssyncset.done $0x0  }
0x2a: {  	[sflag:s20] =	ssyncadd.s32 $0xFFFFC000  }
0x2b: {  	[spmem:s11] =	stream.linear.scatter [tilespmem:s19], [sflag:$0x3], $0x4000, $0x38;
	[tilespmem:$0x1E800] =	vst v63  }
0x2c: {  	_ =	swait.ge [sflag:s20], $0x4000  }
0x2d: {  	[sflag:s20] =	ssyncset.done $0x0  }
0x2e: {  	[sflag:s20] =	ssyncadd.s32 $0xFFFFC000  }
0x2f: {  	[spmem:s12] =	stream.linear.scatter [tilespmem:s19], [sflag:$0x3], $0x4000, $0x38;
	[tilespmem:$0x1E800] =	vst v63  }
0x30: {  	_ =	swait.ge [sflag:s20], $0x4000  }
0x31: {  	[sflag:s20] =	ssyncset.done $0x0  }
.Ltmp2:
0x32: {  	[sflag:s20] =	ssyncadd.s32 $0xFFFFC000;
	(pc) =	sbr.rel .LBB2_6-.Ltmp2, $4  }
0x33: {  	[spmem:s13] =	stream.linear.scatter [tilespmem:s19], [sflag:$0x3], $0x4000, $0x38;
	[tilespmem:$0x1E800] =	vst v63  }
0x34: {  	_ =	swait.ge [sflag:s20], $0x4000  }
0x35: {  	[sflag:s20] =	ssyncset.done $0x0  }
0x36: {  	[sflag:s20] =	ssyncadd.s32 $0xFFFFC000  }
.LBB2_2:
0x37: {  	s0 =	sshll.u32 s2, $0x6  }
0x38: {  	s30 =	sshrl.u32 s6, $0x3;
	s0 =	sor.u32 $0x1C03, s0  }
0x39: {  	[spmem:s30], [sflag:s0] =	dma.local [hbm:s7], $0x2800  }
0x3a: {  	_ =	swait.ge [sflag:s20], $0x2800  }
0x3b: {  	[sflag:s20] =	ssyncset.done $0x0  }
0x3c: {  	[sflag:s20] =	ssyncadd.s32 $0xFFFFD800  }
.LBB2_6:
0x3d: {  	[bflag:$0x0] =	sbarrier.arrive $0xFFFF;
	s0 =	simm.s32 @p1 $0x0  }
0x3e: {  	[tilespmem:s0], [sflag:$0x3] =	stream.linear.gather @p1 [hbm4b:s5+s0], $0x1400, $0x38;
	[tilespmem:$0x1E800] =	vst v63  }
0x3f: {  	s0 =	simm.s32 @p1 $0x3  }
0x40: {  	_ =	swait.ge @p1 [sflag:s0], $0x1400  }
0x41: {  	[sflag:s0] =	ssyncset.done @p1 $0x0  }
0x42: {  	[sflag:s0] =	ssyncadd.s32 @p1 $0xFFFFEC00;
	s0 =	simm.s32 @!p1 $0x0  }
0x43: {  	[tilespmem:s0], [sflag:$0x3] =	stream.linear.gather @!p1 [hbm4b:s14+s0], $0x1400, $0x38;
	[tilespmem:$0x1E800] =	vst v63  }
0x44: {  	s0 =	simm.s32 @!p1 $0x3  }
0x45: {  	_ =	swait.ge @!p1 [sflag:s0], $0x1400  }
0x46: {  	[sflag:s0] =	ssyncset.done @!p1 $0x0  }
0x47: {  	s3 =	simm.s32 $0x0;
	[sflag:s0] =	ssyncadd.s32 @!p1 $0xFFFFEC00  }
0x48: {  	[tilespmem:s21], [sflag:$0x3] =	stream.linear.gather [hbm4b:s15+s3], $0x1400, $0x38;
	[tilespmem:$0x1E800] =	vst v63  }
0x49: {  	_ =	swait.ge [sflag:s20], $0x1400  }
0x4a: {  	[sflag:s20] =	ssyncset.done $0x0  }
0x4b: {  	[sflag:s20] =	ssyncadd.s32 $0xFFFFEC00  }
0x4c: {  	[tilespmem:s19], [sflag:$0x1] =	stream.indirect.gather [hbm4b:s4+s22], $0x80, s3, s22, $0xb8;
	[tilespmem:$0x1E800] =	vst v63  }
0x4d: {  	_ = 	snop  }
0x4e: {  	[tilespmem:s23], [sflag:$0x1] =	stream.indirect.gather [hbm4b:s4+s22], $0x80, s22, s22, $0xb8;
	[tilespmem:$0x1E800] =	vst v63  }
0x4f: {  	_ =	swait.ge [sflag:s24], $0x4000  }
0x50: {  	[sflag:s24] =	ssyncset.done $0x0  }
0x51: {  	s31 =	simm.s32 $0x1400;
	[sflag:s24] =	ssyncadd.s32 $0xFFFFC000  }
0x52: {  	[spmem:s1] =	stream.indirect.scatter.add.f32 [tilespmem:s19], [sflag:$0x2], $0x80, s31, s22, $0xb8;
	[tilespmem:$0x1E800] =	vst v63  }
0x53: {  	_ =	swait.ge [sflag:s24], $0x4000  }
0x54: {  	[sflag:s24] =	ssyncset.done $0x0  }
0x55: {  	s3 =	simm.s32 $0x1480;
	[sflag:s24] =	ssyncadd.s32 $0xFFFFC000  }
0x56: {  	[spmem:s1] =	stream.indirect.scatter.add.f32 [tilespmem:s23], [sflag:$0x2], $0x80, s3, s22, $0xb8;
	[tilespmem:$0x1E800] =	vst v63  }
0x57: {  	_ =	swait.ge [sflag:s25], $0x4000  }
0x58: {  	[sflag:s25] =	ssyncset.done $0x0  }
0x59: {  	s31 =	simm.s32 $0x100;
	[sflag:s25] =	ssyncadd.s32 $0xFFFFC000  }
0x5a: {  	[tilespmem:s19], [sflag:$0x1] =	stream.indirect.gather [hbm4b:s4+s22], $0x80, s31, s22, $0xb8;
	[tilespmem:$0x1E800] =	vst v63  }
0x5b: {  	_ =	swait.ge [sflag:s25], $0x4000  }
0x5c: {  	[sflag:s25] =	ssyncset.done $0x0  }
0x5d: {  	s30 =	simm.s32 $0x400;
	s0 =	simm.s32 $0x180;
	[sflag:s25] =	ssyncadd.s32 $0xFFFFC000  }
.LBB2_7:
0x5e: {  	[tilespmem:s23], [sflag:$0x1] =	stream.indirect.gather [hbm4b:s4+s22], $0x80, s0, s22, $0xb8;
	[tilespmem:$0x1E800] =	vst v63  }
0x5f: {  	s0 =	smov.u32 s30  }
0x60: {  	p3 =	sne.s32 s30, $0x4800;
	s30 =	sadd.s32 $0x400, s30;
	_ =	swait.ge [sflag:s24], $0x4000  }
0x61: {  	s0 =	sshra.s32 s0, $0x2;
	[sflag:s24] =	ssyncset.done $0x0  }
0x62: {  	s3 =	sadd.s32 $0x1400, s0;
	[sflag:s24] =	ssyncadd.s32 $0xFFFFC000  }
0x63: {  	[spmem:s1] =	stream.indirect.scatter.add.f32 [tilespmem:s19], [sflag:$0x2], $0x80, s3, s22, $0xb8;
	[tilespmem:$0x1E800] =	vst v63  }
0x64: {  	_ =	swait.ge [sflag:s24], $0x4000  }
0x65: {  	[sflag:s24] =	ssyncset.done $0x0  }
0x66: {  	s3 =	sadd.s32 $0x1480, s0;
	[sflag:s24] =	ssyncadd.s32 $0xFFFFC000  }
0x67: {  	[spmem:s1] =	stream.indirect.scatter.add.f32 [tilespmem:s23], [sflag:$0x2], $0x80, s3, s22, $0xb8;
	[tilespmem:$0x1E800] =	vst v63  }
0x68: {  	_ =	swait.ge [sflag:s25], $0x4000  }
0x69: {  	[sflag:s25] =	ssyncset.done $0x0  }
.Ltmp3:
0x6a: {  	s3 =	sadd.s32 $0x100, s0;
	[sflag:s25] =	ssyncadd.s32 $0xFFFFC000;
	(pc) =	sbr.rel @p3 .LBB2_7-.Ltmp3, $4  }
0x6b: {  	[tilespmem:s19], [sflag:$0x1] =	stream.indirect.gather [hbm4b:s4+s22], $0x80, s3, s22, $0xb8;
	[tilespmem:$0x1E800] =	vst v63  }
0x6c: {  	_ =	swait.ge [sflag:s25], $0x4000  }
0x6d: {  	[sflag:s25] =	ssyncset.done $0x0  }
0x6e: {  	s0 =	sadd.s32 $0x180, s0;
	[sflag:s25] =	ssyncadd.s32 $0xFFFFC000  }
0x6f: {  	[tilespmem:s23], [sflag:$0x1] =	stream.indirect.gather [hbm4b:s4+s22], $0x80, s0, s22, $0xb8;
	[tilespmem:$0x1E800] =	vst v63  }
0x70: {  	_ =	swait.ge [sflag:s24], $0x4000  }
0x71: {  	[sflag:s24] =	ssyncset.done $0x0  }
0x72: {  	[sflag:s24] =	ssyncadd.s32 $0xFFFFC000  }
0x73: {  	[spmem:s1] =	stream.indirect.scatter.add.f32 [tilespmem:s19], [sflag:$0x2], $0x80, s26, s22, $0xb8;
	[tilespmem:$0x1E800] =	vst v63  }
0x74: {  	_ =	swait.ge [sflag:s24], $0x4000  }
0x75: {  	[sflag:s24] =	ssyncset.done $0x0  }
0x76: {  	[sflag:s24] =	ssyncadd.s32 $0xFFFFC000  }
0x77: {  	[spmem:s1] =	stream.indirect.scatter.add.f32 [tilespmem:s23], [sflag:$0x2], $0x80, s28, s22, $0xb8;
	[tilespmem:$0x1E800] =	vst v63  }
0x78: {  	_ =	swait.ge [sflag:s25], $0x4000  }
0x79: {  	[sflag:s25] =	ssyncset.done $0x0  }
0x7a: {  	[sflag:s25] =	ssyncadd.s32 $0xFFFFC000  }
0x7b: {  	_ =	swait.ge [sflag:s25], $0x4000  }
0x7c: {  	[sflag:s25] =	ssyncset.done $0x0  }
0x7d: {  	s0 =	simm.s32 @p2 $0x0;
	[sflag:s25] =	ssyncadd.s32 $0xFFFFC000  }
0x7e: {  	[tilespmem:s0], [sflag:$0x3] =	stream.linear.gather @p2 [hbm4b:s16+s0], $0x1400, $0x38;
	[tilespmem:$0x1E800] =	vst v63  }
0x7f: {  	s0 =	simm.s32 @p2 $0x3  }
0x80: {  	_ =	swait.ge @p2 [sflag:s0], $0x1400  }
0x81: {  	[sflag:s0] =	ssyncset.done @p2 $0x0  }
0x82: {  	[sflag:s0] =	ssyncadd.s32 @p2 $0xFFFFEC00;
	s0 =	simm.s32 @!p2 $0x0  }
0x83: {  	[tilespmem:s0], [sflag:$0x3] =	stream.linear.gather @!p2 [hbm4b:s17+s0], $0x1400, $0x38;
	[tilespmem:$0x1E800] =	vst v63  }
0x84: {  	s0 =	simm.s32 @!p2 $0x3  }
0x85: {  	_ =	swait.ge @!p2 [sflag:s0], $0x1400  }
0x86: {  	[sflag:s0] =	ssyncset.done @!p2 $0x0  }
0x87: {  	s3 =	simm.s32 $0x0;
	[sflag:s0] =	ssyncadd.s32 @!p2 $0xFFFFEC00  }
0x88: {  	[tilespmem:s21], [sflag:$0x3] =	stream.linear.gather [hbm4b:s18+s3], $0x1400, $0x38;
	[tilespmem:$0x1E800] =	vst v63  }
0x89: {  	_ =	swait.ge [sflag:s20], $0x1400  }
0x8a: {  	[sflag:s20] =	ssyncset.done $0x0  }
0x8b: {  	[sflag:s20] =	ssyncadd.s32 $0xFFFFEC00  }
0x8c: {  	[tilespmem:s19], [sflag:$0x1] =	stream.indirect.gather [hbm4b:s4+s22], $0x80, s3, s22, $0xb8;
	[tilespmem:$0x1E800] =	vst v63  }
0x8d: {  	_ = 	snop  }
0x8e: {  	[tilespmem:s23], [sflag:$0x1] =	stream.indirect.gather [hbm4b:s4+s22], $0x80, s22, s22, $0xb8;
	[tilespmem:$0x1E800] =	vst v63  }
0x8f: {  	_ =	swait.ge [sflag:s24], $0x4000  }
0x90: {  	[sflag:s24] =	ssyncset.done $0x0  }
0x91: {  	s31 =	simm.s32 $0x1400;
	[sflag:s24] =	ssyncadd.s32 $0xFFFFC000  }
0x92: {  	[spmem:s1] =	stream.indirect.scatter.add.f32 [tilespmem:s19], [sflag:$0x2], $0x80, s31, s22, $0xb8;
	[tilespmem:$0x1E800] =	vst v63  }
0x93: {  	_ =	swait.ge [sflag:s24], $0x4000  }
0x94: {  	[sflag:s24] =	ssyncset.done $0x0  }
0x95: {  	s3 =	simm.s32 $0x1480;
	[sflag:s24] =	ssyncadd.s32 $0xFFFFC000  }
0x96: {  	[spmem:s1] =	stream.indirect.scatter.add.f32 [tilespmem:s23], [sflag:$0x2], $0x80, s3, s22, $0xb8;
	[tilespmem:$0x1E800] =	vst v63  }
0x97: {  	_ =	swait.ge [sflag:s25], $0x4000  }
0x98: {  	[sflag:s25] =	ssyncset.done $0x0  }
0x99: {  	s31 =	simm.s32 $0x100;
	[sflag:s25] =	ssyncadd.s32 $0xFFFFC000  }
0x9a: {  	[tilespmem:s19], [sflag:$0x1] =	stream.indirect.gather [hbm4b:s4+s22], $0x80, s31, s22, $0xb8;
	[tilespmem:$0x1E800] =	vst v63  }
0x9b: {  	_ =	swait.ge [sflag:s25], $0x4000  }
0x9c: {  	[sflag:s25] =	ssyncset.done $0x0  }
0x9d: {  	s30 =	simm.s32 $0x400;
	s0 =	simm.s32 $0x180;
	[sflag:s25] =	ssyncadd.s32 $0xFFFFC000  }
.LBB2_9:
0x9e: {  	[tilespmem:s23], [sflag:$0x1] =	stream.indirect.gather [hbm4b:s4+s22], $0x80, s0, s22, $0xb8;
	[tilespmem:$0x1E800] =	vst v63  }
0x9f: {  	s0 =	smov.u32 s30  }
0xa0: {  	p3 =	sne.s32 s30, $0x4800;
	s30 =	sadd.s32 $0x400, s30;
	_ =	swait.ge [sflag:s24], $0x4000  }
0xa1: {  	s0 =	sshra.s32 s0, $0x2;
	[sflag:s24] =	ssyncset.done $0x0  }
0xa2: {  	s3 =	sadd.s32 $0x1400, s0;
	[sflag:s24] =	ssyncadd.s32 $0xFFFFC000  }
0xa3: {  	[spmem:s1] =	stream.indirect.scatter.add.f32 [tilespmem:s19], [sflag:$0x2], $0x80, s3, s22, $0xb8;
	[tilespmem:$0x1E800] =	vst v63  }
0xa4: {  	_ =	swait.ge [sflag:s24], $0x4000  }
0xa5: {  	[sflag:s24] =	ssyncset.done $0x0  }
0xa6: {  	s3 =	sadd.s32 $0x1480, s0;
	[sflag:s24] =	ssyncadd.s32 $0xFFFFC000  }
0xa7: {  	[spmem:s1] =	stream.indirect.scatter.add.f32 [tilespmem:s23], [sflag:$0x2], $0x80, s3, s22, $0xb8;
	[tilespmem:$0x1E800] =	vst v63  }
0xa8: {  	_ =	swait.ge [sflag:s25], $0x4000  }
0xa9: {  	[sflag:s25] =	ssyncset.done $0x0  }
.Ltmp4:
0xaa: {  	s3 =	sadd.s32 $0x100, s0;
	[sflag:s25] =	ssyncadd.s32 $0xFFFFC000;
	(pc) =	sbr.rel @p3 .LBB2_9-.Ltmp4, $4  }
0xab: {  	[tilespmem:s19], [sflag:$0x1] =	stream.indirect.gather [hbm4b:s4+s22], $0x80, s3, s22, $0xb8;
	[tilespmem:$0x1E800] =	vst v63  }
0xac: {  	_ =	swait.ge [sflag:s25], $0x4000  }
0xad: {  	[sflag:s25] =	ssyncset.done $0x0  }
0xae: {  	s0 =	sadd.s32 $0x180, s0;
	[sflag:s25] =	ssyncadd.s32 $0xFFFFC000  }
0xaf: {  	[tilespmem:s23], [sflag:$0x1] =	stream.indirect.gather [hbm4b:s4+s22], $0x80, s0, s22, $0xb8;
	[tilespmem:$0x1E800] =	vst v63  }
0xb0: {  	_ =	swait.ge [sflag:s24], $0x4000  }
0xb1: {  	[sflag:s24] =	ssyncset.done $0x0  }
0xb2: {  	[sflag:s24] =	ssyncadd.s32 $0xFFFFC000  }
0xb3: {  	[spmem:s1] =	stream.indirect.scatter.add.f32 [tilespmem:s19], [sflag:$0x2], $0x80, s26, s22, $0xb8;
	[tilespmem:$0x1E800] =	vst v63  }
0xb4: {  	_ =	swait.ge [sflag:s24], $0x4000  }
0xb5: {  	[sflag:s24] =	ssyncset.done $0x0  }
0xb6: {  	[sflag:s24] =	ssyncadd.s32 $0xFFFFC000  }
0xb7: {  	[spmem:s1] =	stream.indirect.scatter.add.f32 [tilespmem:s23], [sflag:$0x2], $0x80, s28, s22, $0xb8;
	[tilespmem:$0x1E800] =	vst v63  }
0xb8: {  	_ =	swait.ge [sflag:s25], $0x4000  }
0xb9: {  	[sflag:s25] =	ssyncset.done $0x0  }
0xba: {  	[sflag:s25] =	ssyncadd.s32 $0xFFFFC000  }
0xbb: {  	_ =	swait.ge [sflag:s25], $0x4000  }
0xbc: {  	s31 =	sshll.u32 s2, $0x6;
	s29 =	sadd.s32 $0x1, s29;
	[sflag:s25] =	ssyncset.done $0x0  }
0xbd: {  	s3 =	sshrl.u32 s6, $0x3;
	p3 =	sne.s32 s29, s9;
	[sflag:s25] =	ssyncadd.s32 $0xFFFFC000  }
.Ltmp5:
0xbe: {  	s0 =	sor.u32 $0x1C03, s31;
	[bflag:$0x0] =	sbarrier.arrive $0xFFFF;
	(pc) =	sbr.rel @p3 .LBB2_1-.Ltmp5, $4  }
0xbf: {  	[hbm:s8], [sflag:s0] =	dma.local [spmem:s3], $0x2800  }
0xc0: {  	_ =	swait.ge [sflag:s20], $0x2800  }
0xc1: {  	[sflag:s20] =	ssyncset.done $0x0  }
0xc2: {  	[sflag:s20] =	ssyncadd.s32 $0xFFFFD800  }
0xc3: {  	_ =	sfence.sel $0x180000  }
0xc4: {  	[bflag:$0x0] =	sbarrier.arrive $0xFFFF  }
0xc5: {  	_ =	strace $0x9000004A  }
0xc6: {  	[bflag:$0x2] =	sbarrier.arrive $0xFFFF  }
0xc7: {  	p0 =	sne.s32 s2, $0x0;
	s0 =	rddreg [dreg:$0x2]  }
0xc8: {  	s0 =	sadd.s32 @!p0 $0x100000, s0  }
0xc9: {  	[sflag:s0] =	ssyncadd.tile.s32 @!p0 $0x1;
	_ =	shalt  }
.Lfunc_end2:
_tile_overlayer_lowered:
.L_overlay_start_2:
0xca: {  	(tag) =	ssettag $0x2  }
0xcb: {  	s0 =	rddreg [dreg:$0x0];
	s2 =	stileid.u32  }
0xcc: {  	s1 =	rddreg [dreg:$0x1];
	p0 =	sne.s32 s2, $0x0  }
0xcd: {  	s3 =	rddreg [dreg:$0x2];
	[bflag:$0x3] =	sbarrier.arrive $0xFFFF;
	s2 =	simm.s32 @!p0 $0x1C03  }
0xce: {  	[timem:s3], [sflag:s2] =	dma.local @!p0 [hbm:s0], s1  }
0xcf: {  	s0 =	simm.s32 @!p0 $0x3  }
0xd0: {  	_ =	swait.ge @!p0 [sflag:s0], s1  }
0xd1: {  	s1 =	ssub.s32 @!p0 $0x0, s1;
	[sflag:s0] =	ssyncset.done @!p0 $0x0  }
0xd2: {  	[sflag:s0] =	ssyncadd.s32 @!p0 s1  }
0xd3: {  	[bflag:$0x3] =	sbarrier.arrive $0xFFFF  }
0xd4: {  	_ =	shalt  }

// kernel: kernel.14.cloned.1.call-start
scs
__scs_entry_jumppad:
0x0: {  	(pc) =	sbr.rel $0x88, $3  }
0x1: {  	(tag) =	ssettag $0x0;
	lr =	simm.s32 $0x1  }
0x2: {  	[smem:$0x3F92] =	sst lr;
	_ =	strace $0xD0000000  }
0x3: {  	_ = 	snop  }
0x4: {  	_ = 	snop  }
0x5: {  	_ = 	snop  }
0x6: {  	_ = 	snop  }
0x7: {  	_ = 	snop  }
__scs_overlays_trampoline_lowered:
0x8: {  	[smem:$0x3FA1] =	sst s0  }
0x9: {  	[smem:$0x3FA2] =	sst s1  }
0xa: {  	[smem:$0x3FA3] =	sst s2  }
0xb: {  	[smem:$0x3FA4] =	sst s3  }
0xc: {  	[smem:$0x3FA5] =	sst s4  }
0xd: {  	[smem:$0x3FA6] =	sst s5  }
0xe: {  	[smem:$0x3FA7] =	sst s6  }
0xf: {  	[smem:$0x3FA8] =	sst s7  }
0x10: {  	[smem:$0x3FA9] =	sst s8  }
0x11: {  	[smem:$0x3FAA] =	sst s9;
	s0 =	simm.s32 @!p0 $0x0  }
0x12: {  	s1 =	sld [smem:$0x3F90];
	s0 =	simm.s32 @p0 $0x1  }
0x13: {  	[smem:$0x3FAB] =	sst s0;
	s0 =	simm.s32 @!p1 $0x0  }
0x14: {  	s2 =	sld [smem:$0x3F8F];
	s0 =	simm.s32 @p1 $0x1  }
0x15: {  	[smem:$0x3FAC] =	sst s0;
	s0 =	simm.s32 @!p2 $0x0  }
0x16: {  	s3 =	sld [smem:$0x3FDB];
	s0 =	simm.s32 @p2 $0x1  }
0x17: {  	s4 =	simm.s32 $0x1BF5;
	[smem:$0x3FAE] =	sst s0  }
0x18: {  	s0 =	sld [smem:$0x3F91];
	_ =	swait.ge [sflag:s4], $0x0  }
0x19: {  	s7 =	sld [smem:$0x3F92]  }
0x1a: {  	s8 =	sadd.s32 $0xFFFFE003, lr  }
0x1b: {  	s9 =	sadd.s32 $0xFFFFFEF7, lr;
	s5 =	simm.s32 $0xFFFFFFFF;
	p2 =	slt.u32 s8, $0xFFFFF086  }
0x1c: {  	p1 =	slt.u32 s9, $0xF7A;
	s5 =	simm.s32 @!p2 $0x0  }
0x1d: {  	s5 =	simm.s32 @p1 $0x1;
	p0 =	seq.s32 s7, s2  }
0x1e: {  	s7 =	smul.u32 @!p0 $0xF7A, s2;
	p2 =	seq.s32 @!p0 s5, $0x0  }
0x1f: {  	s9 =	smul.u32 $0xF7A, s1;
	s8 =	simm.s32 @!p0 $0x1BF5;
	p2 =	por !p2, p0  }
0x20: {  	[sflag:s8] =	ssyncset.s32 @!p0 $0xFFFFF086;
	s6 =	sadd.s32 @!p0 s3, s7;
	s7 =	simm.s32 @!p0 $0x108  }
0x21: {  	s3 =	sadd.s32 s3, s9;
	s6 =	sadd.s32 @!p0 $0x88, s6;
	s7 =	simm.s32 @p2 $0x1082  }
0x22: {  	[simem:s7], [sflag:s8] =	dma.local @!p0 [hbm:s6], $0xF7A  }
0x23: {  	s9 =	sor.u32 $0xD0000000, s2;
	s6 =	simm.s32 $0x108;
	_ =	swait.ge @!p0 [sflag:s8], $0x0  }
0x24: {  	s3 =	sadd.s32 $0x88, s3;
	s6 =	simm.s32 @!p1 $0x1082;
	[sflag:s4] =	ssyncset.s32 $0xFFFFF086  }
0x25: {  	[simem:s6], [sflag:s4] =	dma.local [hbm:s3], $0xF7A  }
0x26: {  	[smem:$0x3F92] =	sst s1;
	(tag) =	ssettag s2;
	_ =	strace s9  }
0x27: {  	s1 =	sld [smem:$0x3FA2]  }
0x28: {  	s2 =	sld [smem:$0x3FA3]  }
0x29: {  	s4 =	sld [smem:$0x3FA5]  }
0x2a: {  	p0 =	seq.s32 s5, $0x0;
	s5 =	sld [smem:$0x3FA6]  }
0x2b: {  	s6 =	sld [smem:$0x3FA7]  }
0x2c: {  	s7 =	sld [smem:$0x3FA8]  }
0x2d: {  	s3 =	simm.s32 $0x108;
	s8 =	sld [smem:$0x3FA9]  }
0x2e: {  	s3 =	simm.s32 @!p0 $0x1082;
	s9 =	sld [smem:$0x3FAA]  }
0x2f: {  	lr =	sadd.s32 s0, s3;
	s0 =	sld [smem:$0x3FA1]  }
0x30: {  	s3 =	sld [smem:$0x3FA4]  }
0x31: {  	[smem:$0x3FAD] =	sst s10  }
0x32: {  	s10 =	sld [smem:$0x3FAB];
	_ =	sdelay $0x3  }
0x33: {  	p0 =	seq.s32 s10, $0x1;
	s10 =	sld [smem:$0x3FAD];
	_ =	sdelay $0x3  }
0x34: {  	[smem:$0x3FAD] =	sst s10  }
0x35: {  	s10 =	sld [smem:$0x3FAC];
	_ =	sdelay $0x3  }
0x36: {  	p1 =	seq.s32 s10, $0x1;
	s10 =	sld [smem:$0x3FAD];
	_ =	sdelay $0x3  }
0x37: {  	[smem:$0x3FAD] =	sst s10  }
0x38: {  	s10 =	sld [smem:$0x3FAE]  }
0x39: {  	_ = 	snop;
	(pc) =	sbr.ind lr, $3  }
0x3a: {  	_ = 	snop  }
0x3b: {  	_ = 	snop  }
0x3c: {  	p2 =	seq.s32 s10, $0x1;
	s10 =	sld [smem:$0x3FAD]  }
0x3d: {  	_ =	shalt  }
0x3e: {  	_ =	shalt  }
0x3f: {  	_ =	shalt  }
0x40: {  	_ =	shalt  }
0x41: {  	_ =	shalt  }
0x42: {  	_ =	shalt  }
0x43: {  	_ =	shalt  }
0x44: {  	_ =	shalt  }
0x45: {  	_ =	shalt  }
0x46: {  	_ =	shalt  }
0x47: {  	_ =	shalt  }
0x48: {  	_ =	shalt  }
0x49: {  	_ =	shalt  }
0x4a: {  	_ =	shalt  }
0x4b: {  	_ =	shalt  }
0x4c: {  	_ =	shalt  }
0x4d: {  	_ =	shalt  }
0x4e: {  	_ =	shalt  }
0x4f: {  	_ =	shalt  }
0x50: {  	_ =	shalt  }
0x51: {  	_ =	shalt  }
0x52: {  	_ =	shalt  }
0x53: {  	_ =	shalt  }
0x54: {  	_ =	shalt  }
0x55: {  	_ =	shalt  }
0x56: {  	_ =	shalt  }
0x57: {  	_ =	shalt  }
0x58: {  	_ =	shalt  }
0x59: {  	_ =	shalt  }
0x5a: {  	_ =	shalt  }
0x5b: {  	_ =	shalt  }
0x5c: {  	_ =	shalt  }
0x5d: {  	_ =	shalt  }
0x5e: {  	_ =	shalt  }
0x5f: {  	_ =	shalt  }
0x60: {  	_ =	shalt  }
0x61: {  	_ =	shalt  }
0x62: {  	_ =	shalt  }
0x63: {  	_ =	shalt  }
0x64: {  	_ =	shalt  }
0x65: {  	_ =	shalt  }
0x66: {  	_ =	shalt  }
0x67: {  	_ =	shalt  }
0x68: {  	_ =	shalt  }
0x69: {  	_ =	shalt  }
0x6a: {  	_ =	shalt  }
0x6b: {  	_ =	shalt  }
0x6c: {  	_ =	shalt  }
0x6d: {  	_ =	shalt  }
0x6e: {  	_ =	shalt  }
0x6f: {  	_ =	shalt  }
0x70: {  	_ =	shalt  }
0x71: {  	_ =	shalt  }
0x72: {  	_ =	shalt  }
0x73: {  	_ =	shalt  }
0x74: {  	_ =	shalt  }
0x75: {  	_ =	shalt  }
0x76: {  	_ =	shalt  }
0x77: {  	_ =	shalt  }
0x78: {  	_ =	shalt  }
0x79: {  	_ =	shalt  }
0x7a: {  	_ =	shalt  }
0x7b: {  	_ =	shalt  }
0x7c: {  	_ =	shalt  }
0x7d: {  	_ =	shalt  }
0x7e: {  	_ =	shalt  }
0x7f: {  	_ =	shalt  }
0x80: {  	_ =	shalt  }
0x81: {  	_ =	shalt  }
0x82: {  	_ =	shalt  }
0x83: {  	_ =	shalt  }
0x84: {  	_ =	shalt  }
0x85: {  	_ =	shalt  }
0x86: {  	_ =	shalt  }
0x87: {  	_ =	shalt  }
.Lfunc_end0:
.L_simem_size_0:
called_computation.2_lowered:
.L_overlay_start_0:
0x88: {  	s2 =	sld [smem:$0x3FD9]  }
0x89: {  	s3 =	sld [smem:$0x3FFE];
	_ =	sdelay $0x1  }
0x8a: {  	s1 =	srdreg.scid  }
0x8b: {  	s0 =	sand.u32 $0x1, s1  }
0x8c: {  	s16 =	sshll.u32 s0, $0xA;
	s2 =	sadd.s32 s3, s2  }
0x8d: {  	s2 =	sadd.s32 s2, s16  }
0x8e: {  	[smem:$0x3FB9] =	sst s2  }
0x8f: {  	_ = 	snop  }
0x90: {  	(tm) =	ssettm $0x1  }
0x91: {  	s17 =	sld [smem:$0x3FFB];
	_ =	sdelay $0x3  }
0x92: {  	_ =	strace s17  }
0x93: {  	s2 =	sld [smem:$0x3FFC];
	_ =	sdelay $0x3  }
0x94: {  	_ =	strace s2  }
0x95: {  	s2 =	sld [smem:$0x3FFD];
	_ =	sdelay $0x3  }
0x96: {  	_ =	strace s2  }
0x97: {  	_ =	strace $0x8FFFFFFF  }
0x98: {  	s18 =	sld [smem:$0x3FDB];
	_ =	sdelay $0x1  }
0x99: {  	s19 =	simm.s32 $_scs_section_size  }
0x9a: {  	s4 =	simm.s32 $_size__tile_overlayer_lowered;
	s5 =	simm.s32 $_tile_overlayer_lowered  }
0x9b: {  	s22 =	simm.s32 $0x1BFF;
	s21 =	sshll.u32 s5, $0x1;
	s2 =	sadd.s32 s19, s18  }
0x9c: {  	s6 =	simm.s32 $0x0;
	s20 =	sshll.u32 s4, $0x1;
	s4 =	sadd.s32 s21, s2  }
0x9d: {  	[timem:s6], [sflag:s22] =	dma.local [hbm:s4], s20  }
0x9e: {  	_ =	swait.ge [sflag:s22], s20  }
0x9f: {  	s3 =	ssub.s32 $0x0, s20;
	[sflag:s22] =	ssyncset.done $0x0  }
0xa0: {  	[sflag:s22] =	ssyncadd.s32 s3;
	_ =	sdelay $0x1  }
0xa1: {  	s23 =	simm.s32 $0x1B8B  }
0xa2: {  	_ =	swait.ge [sflag:s23], $0x1  }
0xa3: {  	[sflag:s23] =	ssyncset.done $0x0  }
0xa4: {  	s25 =	simm.s32 $0x1B8E;
	s24 =	sld [smem:$0x3FFE];
	[sflag:s23] =	ssyncadd.s32 $0xFFFFFFFF  }
0xa5: {  	s26 =	simm.s32 $execute0_lowered;
	[smem:$0x3FD2] =	sst s25  }
0xa6: {  	s4 =	sshll.u32 s26, $0x1;
	_ =	strace $0x8000004C;
	[dreg:$0x1] =	wrdreg $0xFFFFFFFF  }
0xa7: {  	s28 =	simm.s32 $_size_execute0_lowered;
	s2 =	sadd.s32 s2, s4;
	[dreg:$0x0] =	wrdreg $0x0  }
0xa8: {  	s4 =	sshll.u32 s28, $0x1;
	[dreg:$0x2] =	wrdreg s2  }
0xa9: {  	[dreg:$0x3] =	wrdreg s4  }
0xaa: {  	[dreg:$0x4] =	wrdreg $0xC0  }
0xab: {  	_ =	task [dreg:s6], $0x5FFFF  }
0xac: {  	[dreg:$0x1] =	wrdreg $0xFFFFFFFF  }
0xad: {  	[dreg:$0x0] =	wrdreg $0x60  }
0xae: {  	[dreg:$0x2] =	wrdreg s24  }
0xaf: {  	[dreg:$0x3] =	wrdreg $0xA8000  }
0xb0: {  	[dreg:$0x4] =	wrdreg $0x9  }
0xb1: {  	_ =	task.clear_ibuf [dreg:s6], $0x5FFFF;
	_ =	strace $0x9000004C  }
0xb2: {  	s29 =	simm.s32 $0x9;
	_ =	strace $0x8000004E  }
0xb3: {  	_ =	swait.ge [sflag:s29], $0x1  }
0xb4: {  	[sflag:s29] =	ssyncadd.s32 $0xFFFFFFFF  }
0xb5: {  	_ =	strace $0x9000004E  }
0xb6: {  	_ =	sfence  }
0xb7: {  	s30 =	sld [smem:$0x0];
	_ =	sdelay $0x2  }
0xb8: {  	s31 =	sshll.u32 s1, $0xD;
	s1 =	sshrl.u32 s1, $0x2  }
0xb9: {  	s3 =	sand.u32 $0x4000, s31;
	s1 =	sadd.s32 s1, s30  }
0xba: {  	s0 =	sor.u32 s3, s0;
	s1 =	sshll.u32 s1, $0x11  }
0xbb: {  	s0 =	sor.u32 s1, s0  }
0xbc: {  	s0 =	sadd.s32 $0x8F2B, s0  }
0xbd: {  	[sflag:s0] =	ssyncadd.remote.s32 $0x1  }
0xbe: {  	_ =	sfence.sel $0xFFFF  }
0xbf: {  	[dreg:$0x0] =	wrdreg $0xFFFFFFFF;
	(pc) =	sbr.abs _section_cstart, $3  }
0xc0: {  	[dreg:$0x1] =	wrdreg $0xFFFFFFFF  }
0xc1: {  	_ =	task.clear_ibuf [dreg:s6], $0x2FFFF;
	_ =	strace $0x9FFFFFFF  }
0xc2: {  	(tm) =	ssettm $0x7FFFFFFF  }
0xc3: {  	_ =	shalt  }
tec
execute0_lowered:
.L_overlay_start_1:
0x0: {  	(tag) =	ssettag $0x1  }
0x1: {  	s0 =	rddreg [dreg:$0x0]  }
0x2: {  	s1 =	rddreg [dreg:$0x1];
	s2 =	srdreg.scid  }
0x3: {  	s3 =	simm.s32 $0x0;
	s19 =	simm.s32 $0x2800;
	s20 =	simm.s32 $0x3  }
0x4: {  	s22 =	simm.s32 $0x80;
	s23 =	simm.s32 $0x6800;
	s28 =	simm.s32 $0x2780  }
0x5: {  	s29 =	simm.s32 $0x0;
	s6 =	sand.u32 $0x1, s2;
	s2 =	stileid.u32  }
0x6: {  	[smem:$0x7FF] =	sst s3;
	s4 =	sadd.s32 $0x16800, s0;
	s16 =	sadd.s32 $0x2400, s0  }
0x7: {  	s17 =	sadd.s32 $0xC000, s0;
	s5 =	sadd.s32 $0x15C00, s0;
	s7 =	smul.u32 $0x140000, s6  }
0x8: {  	s21 =	sadd.s32 $0x16200, s0;
	s8 =	smul.u32 $0x14000, s2;
	_ =	strace $0x8000004D  }
0x9: {  	s24 =	ssub.s32 $0x2, s6;
	s10 =	smul.u32 $0x50000, s2;
	s26 =	sshll.u32 s6, $0x4  }
0xa: {  	s30 =	smul.u32 $0x2800, s2;
	p0 =	seq.s32 s6, $0x1;
	s25 =	sshrl.u32 s24, $0x1  }
0xb: {  	s7 =	sadd.s32 s8, s7;
	s11 =	ssub.s32 s24, s25;
	s24 =	sor.u32 s2, s26  }
0xc: {  	s31 =	sshrl.u32 s10, $0x2;
	s26 =	simm.s32 $0x2700;
	s7 =	sshrl.u32 s7, $0x3  }
0xd: {  	s6 =	sadd.s32 s31, s1;
	s18 =	smul.u32 $0x500, s24;
	p1 =	seq.s32 s24, $0x1F  }
0xe: {  	p2 =	sne.s32 s24, $0x1F;
	s24 =	simm.s32 $0x1;
	s9 =	sadd.s32 s7, s0  }
0xf: {  	s7 =	sadd.s32 s4, s30;
	s10 =	sadd.s32 $0x4000, s6;
	s12 =	sadd.s32 $0xC000, s6  }
0x10: {  	s13 =	sadd.s32 $0x10000, s6;
	s8 =	sadd.s32 $0x3E800, s9;
	s9 =	smax.u32 s11, $0x1  }
0x11: {  	s14 =	sadd.s32 s16, s18;
	s15 =	sadd.s32 s17, s18;
	s18 =	sadd.s32 $0x280, s18  }
0x12: {  	s11 =	sadd.s32 $0x8000, s6;
	s16 =	sadd.s32 s16, s18;
	s25 =	sadd.s32 s17, s18  }
0x13: {  	s17 =	sadd.s32 $0x15E80, s0;
	s18 =	sadd.s32 $0x16480, s0;
	s15 =	smov.u32 @p1 s21  }
0x14: {  	v0 =	vimm.f32 $0.0e+00;
	s21 =	simm.s32 $0x1400;
	s18 =	smov.u32 @p2 s25;
	s25 =	simm.s32 $0x2  }
.LBB2_1:
.Ltmp0:
0x15: {  	(pc) =	sbr.rel @!p0 .LBB2_2-.Ltmp0, $1  }
0x16: {  	_ =	sdelay $0x3  }
0x17: {  	s3 =	simm.s32 $0x0  }
0x18: {  	s0 =	sand.u32 $0xFE00, s3  }
0x19: {  	s31 =	sand.u32 $0x70, s3;
	s0 =	sshrl.u32 s0, $0x2  }
0x1a: {  	s30 =	simm.s32 $0x40;
	s0 =	sor.u32 s31, s0;
	s31 =	simm.s32 $0x0  }
.LBB2_4:
0x1b: {  	p3 =	seq.s32 s30, $0xFFC0  }
0x1c: {  	[tilespmem:s0+$0x2800] =	vst v0;
	s31 =	sadd.s32 $0x10, s31;
	s0 =	smov.u32 s30;
	s30 =	sadd.s32 $0x40, s30  }
.Ltmp1:
0x1d: {  	(pc) =	sbr.rel @!p3 .LBB2_4-.Ltmp1, $4  }
0x1e: {  	_ = 	snop  }
0x1f: {  	s0 =	sand.u32 $0xFE00, s0  }
0x20: {  	s3 =	sand.u32 $0x70, s31;
	s0 =	sshrl.u32 s0, $0x2  }
0x21: {  	s0 =	sor.u32 s3, s0  }
0x22: {  	[tilespmem:s0+$0x2800] =	vst v0  }
0x23: {  	[spmem:s6] =	stream.linear.scatter [tilespmem:s19], [sflag:$0x3], $0x4000, $0x38;
	[tilespmem:$0x1E800] =	vst v63  }
0x24: {  	_ =	swait.ge [sflag:s20], $0x4000  }
0x25: {  	[sflag:s20] =	ssyncset.done $0x0  }
0x26: {  	[sflag:s20] =	ssyncadd.s32 $0xFFFFC000  }
0x27: {  	[spmem:s10] =	stream.linear.scatter [tilespmem:s19], [sflag:$0x3], $0x4000, $0x38;
	[tilespmem:$0x1E800] =	vst v63  }
0x28: {  	_ =	swait.ge [sflag:s20], $0x4000  }
0x29: {  	[sflag:s20] =	ssyncset.done $0x0  }
0x2a: {  	[sflag:s20] =	ssyncadd.s32 $0xFFFFC000  }
0x2b: {  	[spmem:s11] =	stream.linear.scatter [tilespmem:s19], [sflag:$0x3], $0x4000, $0x38;
	[tilespmem:$0x1E800] =	vst v63  }
0x2c: {  	_ =	swait.ge [sflag:s20], $0x4000  }
0x2d: {  	[sflag:s20] =	ssyncset.done $0x0  }
0x2e: {  	[sflag:s20] =	ssyncadd.s32 $0xFFFFC000  }
0x2f: {  	[spmem:s12] =	stream.linear.scatter [tilespmem:s19], [sflag:$0x3], $0x4000, $0x38;
	[tilespmem:$0x1E800] =	vst v63  }
0x30: {  	_ =	swait.ge [sflag:s20], $0x4000  }
0x31: {  	[sflag:s20] =	ssyncset.done $0x0  }
.Ltmp2:
0x32: {  	[sflag:s20] =	ssyncadd.s32 $0xFFFFC000;
	(pc) =	sbr.rel .LBB2_6-.Ltmp2, $4  }
0x33: {  	[spmem:s13] =	stream.linear.scatter [tilespmem:s19], [sflag:$0x3], $0x4000, $0x38;
	[tilespmem:$0x1E800] =	vst v63  }
0x34: {  	_ =	swait.ge [sflag:s20], $0x4000  }
0x35: {  	[sflag:s20] =	ssyncset.done $0x0  }
0x36: {  	[sflag:s20] =	ssyncadd.s32 $0xFFFFC000  }
.LBB2_2:
0x37: {  	s0 =	sshll.u32 s2, $0x6  }
0x38: {  	s30 =	sshrl.u32 s6, $0x3;
	s0 =	sor.u32 $0x1C03, s0  }
0x39: {  	[spmem:s30], [sflag:s0] =	dma.local [hbm:s7], $0x2800  }
0x3a: {  	_ =	swait.ge [sflag:s20], $0x2800  }
0x3b: {  	[sflag:s20] =	ssyncset.done $0x0  }
0x3c: {  	[sflag:s20] =	ssyncadd.s32 $0xFFFFD800  }
.LBB2_6:
0x3d: {  	[bflag:$0x0] =	sbarrier.arrive $0xFFFF;
	s0 =	simm.s32 @p1 $0x0  }
0x3e: {  	[tilespmem:s0], [sflag:$0x3] =	stream.linear.gather @p1 [hbm4b:s5+s0], $0x1400, $0x38;
	[tilespmem:$0x1E800] =	vst v63  }
0x3f: {  	s0 =	simm.s32 @p1 $0x3  }
0x40: {  	_ =	swait.ge @p1 [sflag:s0], $0x1400  }
0x41: {  	[sflag:s0] =	ssyncset.done @p1 $0x0  }
0x42: {  	[sflag:s0] =	ssyncadd.s32 @p1 $0xFFFFEC00;
	s0 =	simm.s32 @!p1 $0x0  }
0x43: {  	[tilespmem:s0], [sflag:$0x3] =	stream.linear.gather @!p1 [hbm4b:s14+s0], $0x1400, $0x38;
	[tilespmem:$0x1E800] =	vst v63  }
0x44: {  	s0 =	simm.s32 @!p1 $0x3  }
0x45: {  	_ =	swait.ge @!p1 [sflag:s0], $0x1400  }
0x46: {  	[sflag:s0] =	ssyncset.done @!p1 $0x0  }
0x47: {  	s3 =	simm.s32 $0x0;
	[sflag:s0] =	ssyncadd.s32 @!p1 $0xFFFFEC00  }
0x48: {  	[tilespmem:s21], [sflag:$0x3] =	stream.linear.gather [hbm4b:s15+s3], $0x1400, $0x38;
	[tilespmem:$0x1E800] =	vst v63  }
0x49: {  	_ =	swait.ge [sflag:s20], $0x1400  }
0x4a: {  	[sflag:s20] =	ssyncset.done $0x0  }
0x4b: {  	[sflag:s20] =	ssyncadd.s32 $0xFFFFEC00  }
0x4c: {  	[tilespmem:s19], [sflag:$0x1] =	stream.indirect.gather [hbm4b:s4+s22], $0x80, s3, s22, $0xb8;
	[tilespmem:$0x1E800] =	vst v63  }
0x4d: {  	_ = 	snop  }
0x4e: {  	[tilespmem:s23], [sflag:$0x1] =	stream.indirect.gather [hbm4b:s4+s22], $0x80, s22, s22, $0xb8;
	[tilespmem:$0x1E800] =	vst v63  }
0x4f: {  	_ =	swait.ge [sflag:s24], $0x4000  }
0x50: {  	[sflag:s24] =	ssyncset.done $0x0  }
0x51: {  	s31 =	simm.s32 $0x1400;
	[sflag:s24] =	ssyncadd.s32 $0xFFFFC000  }
0x52: {  	[spmem:s1] =	stream.indirect.scatter.add.f32 [tilespmem:s19], [sflag:$0x2], $0x80, s31, s22, $0xb8;
	[tilespmem:$0x1E800] =	vst v63  }
0x53: {  	_ =	swait.ge [sflag:s24], $0x4000  }
0x54: {  	[sflag:s24] =	ssyncset.done $0x0  }
0x55: {  	s3 =	simm.s32 $0x1480;
	[sflag:s24] =	ssyncadd.s32 $0xFFFFC000  }
0x56: {  	[spmem:s1] =	stream.indirect.scatter.add.f32 [tilespmem:s23], [sflag:$0x2], $0x80, s3, s22, $0xb8;
	[tilespmem:$0x1E800] =	vst v63  }
0x57: {  	_ =	swait.ge [sflag:s25], $0x4000  }
0x58: {  	[sflag:s25] =	ssyncset.done $0x0  }
0x59: {  	s31 =	simm.s32 $0x100;
	[sflag:s25] =	ssyncadd.s32 $0xFFFFC000  }
0x5a: {  	[tilespmem:s19], [sflag:$0x1] =	stream.indirect.gather [hbm4b:s4+s22], $0x80, s31, s22, $0xb8;
	[tilespmem:$0x1E800] =	vst v63  }
0x5b: {  	_ =	swait.ge [sflag:s25], $0x4000  }
0x5c: {  	[sflag:s25] =	ssyncset.done $0x0  }
0x5d: {  	s30 =	simm.s32 $0x400;
	s0 =	simm.s32 $0x180;
	[sflag:s25] =	ssyncadd.s32 $0xFFFFC000  }
.LBB2_7:
0x5e: {  	[tilespmem:s23], [sflag:$0x1] =	stream.indirect.gather [hbm4b:s4+s22], $0x80, s0, s22, $0xb8;
	[tilespmem:$0x1E800] =	vst v63  }
0x5f: {  	s0 =	smov.u32 s30  }
0x60: {  	p3 =	sne.s32 s30, $0x4800;
	s30 =	sadd.s32 $0x400, s30;
	_ =	swait.ge [sflag:s24], $0x4000  }
0x61: {  	s0 =	sshra.s32 s0, $0x2;
	[sflag:s24] =	ssyncset.done $0x0  }
0x62: {  	s3 =	sadd.s32 $0x1400, s0;
	[sflag:s24] =	ssyncadd.s32 $0xFFFFC000  }
0x63: {  	[spmem:s1] =	stream.indirect.scatter.add.f32 [tilespmem:s19], [sflag:$0x2], $0x80, s3, s22, $0xb8;
	[tilespmem:$0x1E800] =	vst v63  }
0x64: {  	_ =	swait.ge [sflag:s24], $0x4000  }
0x65: {  	[sflag:s24] =	ssyncset.done $0x0  }
0x66: {  	s3 =	sadd.s32 $0x1480, s0;
	[sflag:s24] =	ssyncadd.s32 $0xFFFFC000  }
0x67: {  	[spmem:s1] =	stream.indirect.scatter.add.f32 [tilespmem:s23], [sflag:$0x2], $0x80, s3, s22, $0xb8;
	[tilespmem:$0x1E800] =	vst v63  }
0x68: {  	_ =	swait.ge [sflag:s25], $0x4000  }
0x69: {  	[sflag:s25] =	ssyncset.done $0x0  }
.Ltmp3:
0x6a: {  	s3 =	sadd.s32 $0x100, s0;
	[sflag:s25] =	ssyncadd.s32 $0xFFFFC000;
	(pc) =	sbr.rel @p3 .LBB2_7-.Ltmp3, $4  }
0x6b: {  	[tilespmem:s19], [sflag:$0x1] =	stream.indirect.gather [hbm4b:s4+s22], $0x80, s3, s22, $0xb8;
	[tilespmem:$0x1E800] =	vst v63  }
0x6c: {  	_ =	swait.ge [sflag:s25], $0x4000  }
0x6d: {  	[sflag:s25] =	ssyncset.done $0x0  }
0x6e: {  	s0 =	sadd.s32 $0x180, s0;
	[sflag:s25] =	ssyncadd.s32 $0xFFFFC000  }
0x6f: {  	[tilespmem:s23], [sflag:$0x1] =	stream.indirect.gather [hbm4b:s4+s22], $0x80, s0, s22, $0xb8;
	[tilespmem:$0x1E800] =	vst v63  }
0x70: {  	_ =	swait.ge [sflag:s24], $0x4000  }
0x71: {  	[sflag:s24] =	ssyncset.done $0x0  }
0x72: {  	[sflag:s24] =	ssyncadd.s32 $0xFFFFC000  }
0x73: {  	[spmem:s1] =	stream.indirect.scatter.add.f32 [tilespmem:s19], [sflag:$0x2], $0x80, s26, s22, $0xb8;
	[tilespmem:$0x1E800] =	vst v63  }
0x74: {  	_ =	swait.ge [sflag:s24], $0x4000  }
0x75: {  	[sflag:s24] =	ssyncset.done $0x0  }
0x76: {  	[sflag:s24] =	ssyncadd.s32 $0xFFFFC000  }
0x77: {  	[spmem:s1] =	stream.indirect.scatter.add.f32 [tilespmem:s23], [sflag:$0x2], $0x80, s28, s22, $0xb8;
	[tilespmem:$0x1E800] =	vst v63  }
0x78: {  	_ =	swait.ge [sflag:s25], $0x4000  }
0x79: {  	[sflag:s25] =	ssyncset.done $0x0  }
0x7a: {  	[sflag:s25] =	ssyncadd.s32 $0xFFFFC000  }
0x7b: {  	_ =	swait.ge [sflag:s25], $0x4000  }
0x7c: {  	[sflag:s25] =	ssyncset.done $0x0  }
0x7d: {  	s0 =	simm.s32 @p2 $0x0;
	[sflag:s25] =	ssyncadd.s32 $0xFFFFC000  }
0x7e: {  	[tilespmem:s0], [sflag:$0x3] =	stream.linear.gather @p2 [hbm4b:s16+s0], $0x1400, $0x38;
	[tilespmem:$0x1E800] =	vst v63  }
0x7f: {  	s0 =	simm.s32 @p2 $0x3  }
0x80: {  	_ =	swait.ge @p2 [sflag:s0], $0x1400  }
0x81: {  	[sflag:s0] =	ssyncset.done @p2 $0x0  }
0x82: {  	[sflag:s0] =	ssyncadd.s32 @p2 $0xFFFFEC00;
	s0 =	simm.s32 @!p2 $0x0  }
0x83: {  	[tilespmem:s0], [sflag:$0x3] =	stream.linear.gather @!p2 [hbm4b:s17+s0], $0x1400, $0x38;
	[tilespmem:$0x1E800] =	vst v63  }
0x84: {  	s0 =	simm.s32 @!p2 $0x3  }
0x85: {  	_ =	swait.ge @!p2 [sflag:s0], $0x1400  }
0x86: {  	[sflag:s0] =	ssyncset.done @!p2 $0x0  }
0x87: {  	s3 =	simm.s32 $0x0;
	[sflag:s0] =	ssyncadd.s32 @!p2 $0xFFFFEC00  }
0x88: {  	[tilespmem:s21], [sflag:$0x3] =	stream.linear.gather [hbm4b:s18+s3], $0x1400, $0x38;
	[tilespmem:$0x1E800] =	vst v63  }
0x89: {  	_ =	swait.ge [sflag:s20], $0x1400  }
0x8a: {  	[sflag:s20] =	ssyncset.done $0x0  }
0x8b: {  	[sflag:s20] =	ssyncadd.s32 $0xFFFFEC00  }
0x8c: {  	[tilespmem:s19], [sflag:$0x1] =	stream.indirect.gather [hbm4b:s4+s22], $0x80, s3, s22, $0xb8;
	[tilespmem:$0x1E800] =	vst v63  }
0x8d: {  	_ = 	snop  }
0x8e: {  	[tilespmem:s23], [sflag:$0x1] =	stream.indirect.gather [hbm4b:s4+s22], $0x80, s22, s22, $0xb8;
	[tilespmem:$0x1E800] =	vst v63  }
0x8f: {  	_ =	swait.ge [sflag:s24], $0x4000  }
0x90: {  	[sflag:s24] =	ssyncset.done $0x0  }
0x91: {  	s31 =	simm.s32 $0x1400;
	[sflag:s24] =	ssyncadd.s32 $0xFFFFC000  }
0x92: {  	[spmem:s1] =	stream.indirect.scatter.add.f32 [tilespmem:s19], [sflag:$0x2], $0x80, s31, s22, $0xb8;
	[tilespmem:$0x1E800] =	vst v63  }
0x93: {  	_ =	swait.ge [sflag:s24], $0x4000  }
0x94: {  	[sflag:s24] =	ssyncset.done $0x0  }
0x95: {  	s3 =	simm.s32 $0x1480;
	[sflag:s24] =	ssyncadd.s32 $0xFFFFC000  }
0x96: {  	[spmem:s1] =	stream.indirect.scatter.add.f32 [tilespmem:s23], [sflag:$0x2], $0x80, s3, s22, $0xb8;
	[tilespmem:$0x1E800] =	vst v63  }
0x97: {  	_ =	swait.ge [sflag:s25], $0x4000  }
0x98: {  	[sflag:s25] =	ssyncset.done $0x0  }
0x99: {  	s31 =	simm.s32 $0x100;
	[sflag:s25] =	ssyncadd.s32 $0xFFFFC000  }
0x9a: {  	[tilespmem:s19], [sflag:$0x1] =	stream.indirect.gather [hbm4b:s4+s22], $0x80, s31, s22, $0xb8;
	[tilespmem:$0x1E800] =	vst v63  }
0x9b: {  	_ =	swait.ge [sflag:s25], $0x4000  }
0x9c: {  	[sflag:s25] =	ssyncset.done $0x0  }
0x9d: {  	s30 =	simm.s32 $0x400;
	s0 =	simm.s32 $0x180;
	[sflag:s25] =	ssyncadd.s32 $0xFFFFC000  }
.LBB2_9:
0x9e: {  	[tilespmem:s23], [sflag:$0x1] =	stream.indirect.gather [hbm4b:s4+s22], $0x80, s0, s22, $0xb8;
	[tilespmem:$0x1E800] =	vst v63  }
0x9f: {  	s0 =	smov.u32 s30  }
0xa0: {  	p3 =	sne.s32 s30, $0x4800;
	s30 =	sadd.s32 $0x400, s30;
	_ =	swait.ge [sflag:s24], $0x4000  }
0xa1: {  	s0 =	sshra.s32 s0, $0x2;
	[sflag:s24] =	ssyncset.done $0x0  }
0xa2: {  	s3 =	sadd.s32 $0x1400, s0;
	[sflag:s24] =	ssyncadd.s32 $0xFFFFC000  }
0xa3: {  	[spmem:s1] =	stream.indirect.scatter.add.f32 [tilespmem:s19], [sflag:$0x2], $0x80, s3, s22, $0xb8;
	[tilespmem:$0x1E800] =	vst v63  }
0xa4: {  	_ =	swait.ge [sflag:s24], $0x4000  }
0xa5: {  	[sflag:s24] =	ssyncset.done $0x0  }
0xa6: {  	s3 =	sadd.s32 $0x1480, s0;
	[sflag:s24] =	ssyncadd.s32 $0xFFFFC000  }
0xa7: {  	[spmem:s1] =	stream.indirect.scatter.add.f32 [tilespmem:s23], [sflag:$0x2], $0x80, s3, s22, $0xb8;
	[tilespmem:$0x1E800] =	vst v63  }
0xa8: {  	_ =	swait.ge [sflag:s25], $0x4000  }
0xa9: {  	[sflag:s25] =	ssyncset.done $0x0  }
.Ltmp4:
0xaa: {  	s3 =	sadd.s32 $0x100, s0;
	[sflag:s25] =	ssyncadd.s32 $0xFFFFC000;
	(pc) =	sbr.rel @p3 .LBB2_9-.Ltmp4, $4  }
0xab: {  	[tilespmem:s19], [sflag:$0x1] =	stream.indirect.gather [hbm4b:s4+s22], $0x80, s3, s22, $0xb8;
	[tilespmem:$0x1E800] =	vst v63  }
0xac: {  	_ =	swait.ge [sflag:s25], $0x4000  }
0xad: {  	[sflag:s25] =	ssyncset.done $0x0  }
0xae: {  	s0 =	sadd.s32 $0x180, s0;
	[sflag:s25] =	ssyncadd.s32 $0xFFFFC000  }
0xaf: {  	[tilespmem:s23], [sflag:$0x1] =	stream.indirect.gather [hbm4b:s4+s22], $0x80, s0, s22, $0xb8;
	[tilespmem:$0x1E800] =	vst v63  }
0xb0: {  	_ =	swait.ge [sflag:s24], $0x4000  }
0xb1: {  	[sflag:s24] =	ssyncset.done $0x0  }
0xb2: {  	[sflag:s24] =	ssyncadd.s32 $0xFFFFC000  }
0xb3: {  	[spmem:s1] =	stream.indirect.scatter.add.f32 [tilespmem:s19], [sflag:$0x2], $0x80, s26, s22, $0xb8;
	[tilespmem:$0x1E800] =	vst v63  }
0xb4: {  	_ =	swait.ge [sflag:s24], $0x4000  }
0xb5: {  	[sflag:s24] =	ssyncset.done $0x0  }
0xb6: {  	[sflag:s24] =	ssyncadd.s32 $0xFFFFC000  }
0xb7: {  	[spmem:s1] =	stream.indirect.scatter.add.f32 [tilespmem:s23], [sflag:$0x2], $0x80, s28, s22, $0xb8;
	[tilespmem:$0x1E800] =	vst v63  }
0xb8: {  	_ =	swait.ge [sflag:s25], $0x4000  }
0xb9: {  	[sflag:s25] =	ssyncset.done $0x0  }
0xba: {  	[sflag:s25] =	ssyncadd.s32 $0xFFFFC000  }
0xbb: {  	_ =	swait.ge [sflag:s25], $0x4000  }
0xbc: {  	s31 =	sshll.u32 s2, $0x6;
	s29 =	sadd.s32 $0x1, s29;
	[sflag:s25] =	ssyncset.done $0x0  }
0xbd: {  	s3 =	sshrl.u32 s6, $0x3;
	p3 =	sne.s32 s29, s9;
	[sflag:s25] =	ssyncadd.s32 $0xFFFFC000  }
.Ltmp5:
0xbe: {  	s0 =	sor.u32 $0x1C03, s31;
	[bflag:$0x0] =	sbarrier.arrive $0xFFFF;
	(pc) =	sbr.rel @p3 .LBB2_1-.Ltmp5, $4  }
0xbf: {  	[hbm:s8], [sflag:s0] =	dma.local [spmem:s3], $0x2800  }
0xc0: {  	_ =	swait.ge [sflag:s20], $0x2800  }
0xc1: {  	[sflag:s20] =	ssyncset.done $0x0  }
0xc2: {  	[sflag:s20] =	ssyncadd.s32 $0xFFFFD800  }
0xc3: {  	_ =	sfence.sel $0x180000  }
0xc4: {  	[bflag:$0x0] =	sbarrier.arrive $0xFFFF  }
0xc5: {  	_ =	strace $0x9000004D  }
0xc6: {  	[bflag:$0x2] =	sbarrier.arrive $0xFFFF  }
0xc7: {  	p0 =	sne.s32 s2, $0x0;
	s0 =	rddreg [dreg:$0x2]  }
0xc8: {  	s0 =	sadd.s32 @!p0 $0x100000, s0  }
0xc9: {  	[sflag:s0] =	ssyncadd.tile.s32 @!p0 $0x1;
	_ =	shalt  }
.Lfunc_end2:
_tile_overlayer_lowered:
.L_overlay_start_2:
0xca: {  	(tag) =	ssettag $0x2  }
0xcb: {  	s0 =	rddreg [dreg:$0x0];
	s2 =	stileid.u32  }
0xcc: {  	s1 =	rddreg [dreg:$0x1];
	p0 =	sne.s32 s2, $0x0  }
0xcd: {  	s3 =	rddreg [dreg:$0x2];
	[bflag:$0x3] =	sbarrier.arrive $0xFFFF;
	s2 =	simm.s32 @!p0 $0x1C03  }
0xce: {  	[timem:s3], [sflag:s2] =	dma.local @!p0 [hbm:s0], s1  }
0xcf: {  	s0 =	simm.s32 @!p0 $0x3  }
0xd0: {  	_ =	swait.ge @!p0 [sflag:s0], s1  }
0xd1: {  	s1 =	ssub.s32 @!p0 $0x0, s1;
	[sflag:s0] =	ssyncset.done @!p0 $0x0  }
0xd2: {  	[sflag:s0] =	ssyncadd.s32 @!p0 s1  }
0xd3: {  	[bflag:$0x3] =	sbarrier.arrive $0xFFFF  }
0xd4: {  	_ =	shalt  }

// kernel: kernel.8.cloned.1.call-start
scs
__scs_entry_jumppad:
0x0: {  	(pc) =	sbr.rel $0x88, $3  }
0x1: {  	(tag) =	ssettag $0x0;
	lr =	simm.s32 $0x1  }
0x2: {  	[smem:$0x3F92] =	sst lr;
	_ =	strace $0xD0000000  }
0x3: {  	_ = 	snop  }
0x4: {  	_ = 	snop  }
0x5: {  	_ = 	snop  }
0x6: {  	_ = 	snop  }
0x7: {  	_ = 	snop  }
__scs_overlays_trampoline_lowered:
0x8: {  	[smem:$0x3FA1] =	sst s0  }
0x9: {  	[smem:$0x3FA2] =	sst s1  }
0xa: {  	[smem:$0x3FA3] =	sst s2  }
0xb: {  	[smem:$0x3FA4] =	sst s3  }
0xc: {  	[smem:$0x3FA5] =	sst s4  }
0xd: {  	[smem:$0x3FA6] =	sst s5  }
0xe: {  	[smem:$0x3FA7] =	sst s6  }
0xf: {  	[smem:$0x3FA8] =	sst s7  }
0x10: {  	[smem:$0x3FA9] =	sst s8  }
0x11: {  	[smem:$0x3FAA] =	sst s9;
	s0 =	simm.s32 @!p0 $0x0  }
0x12: {  	s1 =	sld [smem:$0x3F90];
	s0 =	simm.s32 @p0 $0x1  }
0x13: {  	[smem:$0x3FAB] =	sst s0;
	s0 =	simm.s32 @!p1 $0x0  }
0x14: {  	s2 =	sld [smem:$0x3F8F];
	s0 =	simm.s32 @p1 $0x1  }
0x15: {  	[smem:$0x3FAC] =	sst s0;
	s0 =	simm.s32 @!p2 $0x0  }
0x16: {  	s3 =	sld [smem:$0x3FDB];
	s0 =	simm.s32 @p2 $0x1  }
0x17: {  	s4 =	simm.s32 $0x1BF5;
	[smem:$0x3FAE] =	sst s0  }
0x18: {  	s0 =	sld [smem:$0x3F91];
	_ =	swait.ge [sflag:s4], $0x0  }
0x19: {  	s7 =	sld [smem:$0x3F92]  }
0x1a: {  	s8 =	sadd.s32 $0xFFFFE003, lr  }
0x1b: {  	s9 =	sadd.s32 $0xFFFFFEF7, lr;
	s5 =	simm.s32 $0xFFFFFFFF;
	p2 =	slt.u32 s8, $0xFFFFF086  }
0x1c: {  	p1 =	slt.u32 s9, $0xF7A;
	s5 =	simm.s32 @!p2 $0x0  }
0x1d: {  	s5 =	simm.s32 @p1 $0x1;
	p0 =	seq.s32 s7, s2  }
0x1e: {  	s7 =	smul.u32 @!p0 $0xF7A, s2;
	p2 =	seq.s32 @!p0 s5, $0x0  }
0x1f: {  	s9 =	smul.u32 $0xF7A, s1;
	s8 =	simm.s32 @!p0 $0x1BF5;
	p2 =	por !p2, p0  }
0x20: {  	[sflag:s8] =	ssyncset.s32 @!p0 $0xFFFFF086;
	s6 =	sadd.s32 @!p0 s3, s7;
	s7 =	simm.s32 @!p0 $0x108  }
0x21: {  	s3 =	sadd.s32 s3, s9;
	s6 =	sadd.s32 @!p0 $0x88, s6;
	s7 =	simm.s32 @p2 $0x1082  }
0x22: {  	[simem:s7], [sflag:s8] =	dma.local @!p0 [hbm:s6], $0xF7A  }
0x23: {  	s9 =	sor.u32 $0xD0000000, s2;
	s6 =	simm.s32 $0x108;
	_ =	swait.ge @!p0 [sflag:s8], $0x0  }
0x24: {  	s3 =	sadd.s32 $0x88, s3;
	s6 =	simm.s32 @!p1 $0x1082;
	[sflag:s4] =	ssyncset.s32 $0xFFFFF086  }
0x25: {  	[simem:s6], [sflag:s4] =	dma.local [hbm:s3], $0xF7A  }
0x26: {  	[smem:$0x3F92] =	sst s1;
	(tag) =	ssettag s2;
	_ =	strace s9  }
0x27: {  	s1 =	sld [smem:$0x3FA2]  }
0x28: {  	s2 =	sld [smem:$0x3FA3]  }
0x29: {  	s4 =	sld [smem:$0x3FA5]  }
0x2a: {  	p0 =	seq.s32 s5, $0x0;
	s5 =	sld [smem:$0x3FA6]  }
0x2b: {  	s6 =	sld [smem:$0x3FA7]  }
0x2c: {  	s7 =	sld [smem:$0x3FA8]  }
0x2d: {  	s3 =	simm.s32 $0x108;
	s8 =	sld [smem:$0x3FA9]  }
0x2e: {  	s3 =	simm.s32 @!p0 $0x1082;
	s9 =	sld [smem:$0x3FAA]  }
0x2f: {  	lr =	sadd.s32 s0, s3;
	s0 =	sld [smem:$0x3FA1]  }
0x30: {  	s3 =	sld [smem:$0x3FA4]  }
0x31: {  	[smem:$0x3FAD] =	sst s10  }
0x32: {  	s10 =	sld [smem:$0x3FAB];
	_ =	sdelay $0x3  }
0x33: {  	p0 =	seq.s32 s10, $0x1;
	s10 =	sld [smem:$0x3FAD];
	_ =	sdelay $0x3  }
0x34: {  	[smem:$0x3FAD] =	sst s10  }
0x35: {  	s10 =	sld [smem:$0x3FAC];
	_ =	sdelay $0x3  }
0x36: {  	p1 =	seq.s32 s10, $0x1;
	s10 =	sld [smem:$0x3FAD];
	_ =	sdelay $0x3  }
0x37: {  	[smem:$0x3FAD] =	sst s10  }
0x38: {  	s10 =	sld [smem:$0x3FAE]  }
0x39: {  	_ = 	snop;
	(pc) =	sbr.ind lr, $3  }
0x3a: {  	_ = 	snop  }
0x3b: {  	_ = 	snop  }
0x3c: {  	p2 =	seq.s32 s10, $0x1;
	s10 =	sld [smem:$0x3FAD]  }
0x3d: {  	_ =	shalt  }
0x3e: {  	_ =	shalt  }
0x3f: {  	_ =	shalt  }
0x40: {  	_ =	shalt  }
0x41: {  	_ =	shalt  }
0x42: {  	_ =	shalt  }
0x43: {  	_ =	shalt  }
0x44: {  	_ =	shalt  }
0x45: {  	_ =	shalt  }
0x46: {  	_ =	shalt  }
0x47: {  	_ =	shalt  }
0x48: {  	_ =	shalt  }
0x49: {  	_ =	shalt  }
0x4a: {  	_ =	shalt  }
0x4b: {  	_ =	shalt  }
0x4c: {  	_ =	shalt  }
0x4d: {  	_ =	shalt  }
0x4e: {  	_ =	shalt  }
0x4f: {  	_ =	shalt  }
0x50: {  	_ =	shalt  }
0x51: {  	_ =	shalt  }
0x52: {  	_ =	shalt  }
0x53: {  	_ =	shalt  }
0x54: {  	_ =	shalt  }
0x55: {  	_ =	shalt  }
0x56: {  	_ =	shalt  }
0x57: {  	_ =	shalt  }
0x58: {  	_ =	shalt  }
0x59: {  	_ =	shalt  }
0x5a: {  	_ =	shalt  }
0x5b: {  	_ =	shalt  }
0x5c: {  	_ =	shalt  }
0x5d: {  	_ =	shalt  }
0x5e: {  	_ =	shalt  }
0x5f: {  	_ =	shalt  }
0x60: {  	_ =	shalt  }
0x61: {  	_ =	shalt  }
0x62: {  	_ =	shalt  }
0x63: {  	_ =	shalt  }
0x64: {  	_ =	shalt  }
0x65: {  	_ =	shalt  }
0x66: {  	_ =	shalt  }
0x67: {  	_ =	shalt  }
0x68: {  	_ =	shalt  }
0x69: {  	_ =	shalt  }
0x6a: {  	_ =	shalt  }
0x6b: {  	_ =	shalt  }
0x6c: {  	_ =	shalt  }
0x6d: {  	_ =	shalt  }
0x6e: {  	_ =	shalt  }
0x6f: {  	_ =	shalt  }
0x70: {  	_ =	shalt  }
0x71: {  	_ =	shalt  }
0x72: {  	_ =	shalt  }
0x73: {  	_ =	shalt  }
0x74: {  	_ =	shalt  }
0x75: {  	_ =	shalt  }
0x76: {  	_ =	shalt  }
0x77: {  	_ =	shalt  }
0x78: {  	_ =	shalt  }
0x79: {  	_ =	shalt  }
0x7a: {  	_ =	shalt  }
0x7b: {  	_ =	shalt  }
0x7c: {  	_ =	shalt  }
0x7d: {  	_ =	shalt  }
0x7e: {  	_ =	shalt  }
0x7f: {  	_ =	shalt  }
0x80: {  	_ =	shalt  }
0x81: {  	_ =	shalt  }
0x82: {  	_ =	shalt  }
0x83: {  	_ =	shalt  }
0x84: {  	_ =	shalt  }
0x85: {  	_ =	shalt  }
0x86: {  	_ =	shalt  }
0x87: {  	_ =	shalt  }
.Lfunc_end0:
.L_simem_size_0:
called_computation_lowered:
.L_overlay_start_0:
0x88: {  	s2 =	sld [smem:$0x3FD9]  }
0x89: {  	s3 =	sld [smem:$0x3FFE];
	_ =	sdelay $0x1  }
0x8a: {  	s1 =	srdreg.scid  }
0x8b: {  	s0 =	sand.u32 $0x1, s1  }
0x8c: {  	s16 =	sshll.u32 s0, $0xA;
	s2 =	sadd.s32 s3, s2  }
0x8d: {  	s2 =	sadd.s32 s2, s16  }
0x8e: {  	[smem:$0x3FB9] =	sst s2  }
0x8f: {  	_ = 	snop  }
0x90: {  	(tm) =	ssettm $0x1  }
0x91: {  	s17 =	sld [smem:$0x3FFB];
	_ =	sdelay $0x3  }
0x92: {  	_ =	strace s17  }
0x93: {  	s2 =	sld [smem:$0x3FFC];
	_ =	sdelay $0x3  }
0x94: {  	_ =	strace s2  }
0x95: {  	s2 =	sld [smem:$0x3FFD];
	_ =	sdelay $0x3  }
0x96: {  	_ =	strace s2  }
0x97: {  	_ =	strace $0x8FFFFFFF  }
0x98: {  	s18 =	sld [smem:$0x3FDB];
	_ =	sdelay $0x1  }
0x99: {  	s19 =	simm.s32 $_scs_section_size  }
0x9a: {  	s4 =	simm.s32 $_size__tile_overlayer_lowered;
	s5 =	simm.s32 $_tile_overlayer_lowered  }
0x9b: {  	s22 =	simm.s32 $0x1BFF;
	s21 =	sshll.u32 s5, $0x1;
	s2 =	sadd.s32 s19, s18  }
0x9c: {  	s6 =	simm.s32 $0x0;
	s20 =	sshll.u32 s4, $0x1;
	s4 =	sadd.s32 s21, s2  }
0x9d: {  	[timem:s6], [sflag:s22] =	dma.local [hbm:s4], s20  }
0x9e: {  	_ =	swait.ge [sflag:s22], s20  }
0x9f: {  	s3 =	ssub.s32 $0x0, s20;
	[sflag:s22] =	ssyncset.done $0x0  }
0xa0: {  	[sflag:s22] =	ssyncadd.s32 s3;
	_ =	sdelay $0x1  }
0xa1: {  	s23 =	simm.s32 $0x1B8B  }
0xa2: {  	_ =	swait.ge [sflag:s23], $0x1  }
0xa3: {  	[sflag:s23] =	ssyncset.done $0x0  }
0xa4: {  	s25 =	simm.s32 $0x1B8E;
	s24 =	sld [smem:$0x3FFE];
	[sflag:s23] =	ssyncadd.s32 $0xFFFFFFFF  }
0xa5: {  	s26 =	simm.s32 $execute0_lowered;
	[smem:$0x3FD2] =	sst s25  }
0xa6: {  	s4 =	sshll.u32 s26, $0x1;
	_ =	strace $0x80000046;
	[dreg:$0x1] =	wrdreg $0xFFFFFFFF  }
0xa7: {  	s28 =	simm.s32 $_size_execute0_lowered;
	s2 =	sadd.s32 s2, s4;
	[dreg:$0x0] =	wrdreg $0x0  }
0xa8: {  	s4 =	sshll.u32 s28, $0x1;
	[dreg:$0x2] =	wrdreg s2  }
0xa9: {  	[dreg:$0x3] =	wrdreg s4  }
0xaa: {  	[dreg:$0x4] =	wrdreg $0xC0  }
0xab: {  	_ =	task [dreg:s6], $0x5FFFF  }
0xac: {  	[dreg:$0x1] =	wrdreg $0xFFFFFFFF  }
0xad: {  	[dreg:$0x0] =	wrdreg $0x60  }
0xae: {  	[dreg:$0x2] =	wrdreg s24  }
0xaf: {  	[dreg:$0x3] =	wrdreg $0x2B000  }
0xb0: {  	[dreg:$0x4] =	wrdreg $0x9  }
0xb1: {  	_ =	task.clear_ibuf [dreg:s6], $0x5FFFF;
	_ =	strace $0x90000046  }
0xb2: {  	s29 =	simm.s32 $0x9;
	_ =	strace $0x80000048  }
0xb3: {  	_ =	swait.ge [sflag:s29], $0x1  }
0xb4: {  	[sflag:s29] =	ssyncadd.s32 $0xFFFFFFFF  }
0xb5: {  	_ =	strace $0x90000048  }
0xb6: {  	_ =	sfence  }
0xb7: {  	s30 =	sld [smem:$0x0];
	_ =	sdelay $0x2  }
0xb8: {  	s31 =	sshll.u32 s1, $0xD;
	s1 =	sshrl.u32 s1, $0x2  }
0xb9: {  	s3 =	sand.u32 $0x4000, s31;
	s1 =	sadd.s32 s1, s30  }
0xba: {  	s0 =	sor.u32 s3, s0;
	s1 =	sshll.u32 s1, $0x11  }
0xbb: {  	s0 =	sor.u32 s1, s0  }
0xbc: {  	s0 =	sadd.s32 $0x8F2B, s0  }
0xbd: {  	[sflag:s0] =	ssyncadd.remote.s32 $0x1  }
0xbe: {  	_ =	sfence.sel $0xFFFF  }
0xbf: {  	[dreg:$0x0] =	wrdreg $0xFFFFFFFF;
	(pc) =	sbr.abs _section_cstart, $3  }
0xc0: {  	[dreg:$0x1] =	wrdreg $0xFFFFFFFF  }
0xc1: {  	_ =	task.clear_ibuf [dreg:s6], $0x2FFFF;
	_ =	strace $0x9FFFFFFF  }
0xc2: {  	(tm) =	ssettm $0x7FFFFFFF  }
0xc3: {  	_ =	shalt  }
tec
execute0_lowered:
.L_overlay_start_1:
0x0: {  	(tag) =	ssettag $0x1  }
0x1: {  	s0 =	srdreg.scid;
	s7 =	rddreg [dreg:$0x0]  }
0x2: {  	s2 =	rddreg [dreg:$0x1];
	s3 =	simm.s32 $0x0;
	s16 =	simm.s32 $0x20  }
0x3: {  	s17 =	simm.s32 $0x10;
	s18 =	simm.s32 $0x0;
	s4 =	sand.u32 $0x1, s0  }
0x4: {  	s0 =	stileid.u32;
	[smem:$0x7FF] =	sst s3;
	s11 =	sadd.s32 $0x16200, s7  }
0x5: {  	s13 =	sadd.s32 $0x16480, s7;
	s1 =	sshll.u32 s4, $0x4;
	s6 =	smul.u32 $0x500, s0  }
0x6: {  	s8 =	sshll.u32 s4, $0x7;
	s29 =	smul.u32 $0xA00, s0;
	s4 =	ssub.s32 $0x2, s4  }
0x7: {  	s14 =	sshll.u32 s0, $0x6;
	s9 =	sor.u32 s0, s1;
	s1 =	rddreg [dreg:$0x2]  }
0x8: {  	_ =	strace $0x80000047;
	s31 =	sshrl.u32 s4, $0x1;
	s14 =	sor.u32 $0x1C01, s14  }
0x9: {  	s5 =	smul.u32 $0x500, s9;
	s28 =	sor.u32 s8, s6;
	s6 =	sshrl.u32 s29, $0x2  }
0xa: {  	s12 =	ssub.s32 s4, s31;
	p0 =	seq.s32 s9, $0x1F;
	s9 =	simm.s32 $0x2880  }
0xb: {  	s4 =	sadd.s32 s6, s2;
	s8 =	smax.u32 s12, $0x1;
	s12 =	simm.s32 $0x80  }
0xc: {  	s10 =	sadd.s32 s5, s7;
	s5 =	sshrl.u32 s28, $0x3;
	s15 =	sshrl.u32 s4, $0x3  }
0xd: {  	s30 =	sadd.s32 s5, s7;
	s5 =	sadd.s32 $0xC000, s10;
	s6 =	sadd.s32 $0xC280, s10  }
0xe: {  	s10 =	simm.s32 $0x1;
	s7 =	sadd.s32 $0x16800, s30;
	s5 =	smov.u32 @p0 s11  }
0xf: {  	v0 =	vimm.f32 $1.000000000e+00;
	v1 =	vimm.f32 $0.0e+00;
	s6 =	smov.u32 @p0 s13;
	s11 =	simm.s32 $0x1400;
	s13 =	simm.s32 $0x2800  }
.LBB2_1:
0x10: {  	[tilespmem:$0x2800] =	vst v0  }
0x11: {  	[tilespmem:$0x2810] =	vst v0  }
0x12: {  	[tilespmem:$0x2820] =	vst v0  }
0x13: {  	[tilespmem:$0x2830] =	vst v0  }
0x14: {  	[tilespmem:$0x2840] =	vst v0  }
0x15: {  	[tilespmem:$0x2850] =	vst v0  }
0x16: {  	[tilespmem:$0x2860] =	vst v0  }
0x17: {  	[tilespmem:$0x2870] =	vst v0  }
0x18: {  	[tilespmem:$0x2880] =	vst v1  }
0x19: {  	[tilespmem:$0x2890] =	vst v1  }
0x1a: {  	[tilespmem:$0x28A0] =	vst v1  }
0x1b: {  	[tilespmem:$0x28B0] =	vst v1  }
0x1c: {  	[tilespmem:$0x28C0] =	vst v1  }
0x1d: {  	[tilespmem:$0x28D0] =	vst v1  }
0x1e: {  	[tilespmem:$0x28E0] =	vst v1  }
0x1f: {  	[tilespmem:$0x28F0] =	vst v1  }
0x20: {  	[tilespmem:$0x2900] =	vst v1  }
0x21: {  	[tilespmem:$0x2910] =	vst v1  }
0x22: {  	[tilespmem:$0x2920] =	vst v1  }
0x23: {  	[tilespmem:$0x2930] =	vst v1  }
0x24: {  	[tilespmem:$0x2940] =	vst v1  }
0x25: {  	[tilespmem:$0x2950] =	vst v1  }
0x26: {  	[tilespmem:$0x2960] =	vst v1  }
0x27: {  	[tilespmem:$0x2970] =	vst v1  }
0x28: {  	[tilespmem:$0x2980] =	vst v1  }
0x29: {  	[tilespmem:$0x2990] =	vst v1  }
0x2a: {  	[tilespmem:$0x29A0] =	vst v1  }
0x2b: {  	[tilespmem:$0x29B0] =	vst v1  }
0x2c: {  	[tilespmem:$0x29C0] =	vst v1  }
0x2d: {  	[tilespmem:$0x29D0] =	vst v1  }
0x2e: {  	[tilespmem:$0x29E0] =	vst v1  }
0x2f: {  	[tilespmem:$0x29F0] =	vst v1  }
0x30: {  	[tilespmem:$0x2A00] =	vst v1  }
0x31: {  	[tilespmem:$0x2A10] =	vst v1  }
0x32: {  	[tilespmem:$0x2A20] =	vst v1  }
0x33: {  	[tilespmem:$0x2A30] =	vst v1  }
0x34: {  	[tilespmem:$0x2A40] =	vst v1  }
0x35: {  	[tilespmem:$0x2A50] =	vst v1  }
0x36: {  	[tilespmem:$0x2A60] =	vst v1  }
0x37: {  	[tilespmem:$0x2A70] =	vst v1  }
0x38: {  	[tilespmem:$0x2A80] =	vst v1  }
0x39: {  	[tilespmem:$0x2A90] =	vst v1  }
0x3a: {  	[tilespmem:$0x2AA0] =	vst v1  }
0x3b: {  	[tilespmem:$0x2AB0] =	vst v1  }
0x3c: {  	[tilespmem:$0x2AC0] =	vst v1  }
0x3d: {  	[tilespmem:$0x2AD0] =	vst v1  }
0x3e: {  	[tilespmem:$0x2AE0] =	vst v1  }
0x3f: {  	[tilespmem:$0x2AF0] =	vst v1  }
0x40: {  	[spmem:s4] =	stream.linear.scatter [tilespmem:s9], [sflag:$0x1], $0x280, $0x38;
	[tilespmem:$0x2D80] =	vst v63  }
0x41: {  	_ =	swait.ge [sflag:s10], $0x280  }
0x42: {  	[sflag:s10] =	ssyncset.done $0x0  }
0x43: {  	[sflag:s10] =	ssyncadd.s32 $0xFFFFFD80  }
0x44: {  	[tilespmem:s3], [sflag:$0x1] =	stream.linear.gather [hbm4b:s5+s3], $0x1400, $0x38;
	[tilespmem:$0x2D80] =	vst v63  }
0x45: {  	_ =	swait.ge [sflag:s10], $0x1400  }
0x46: {  	[sflag:s10] =	ssyncset.done $0x0  }
0x47: {  	[sflag:s10] =	ssyncadd.s32 $0xFFFFEC00  }
0x48: {  	[tilespmem:s11], [sflag:$0x1] =	stream.linear.gather [hbm4b:s6+s3], $0x1400, $0x38;
	[tilespmem:$0x2D80] =	vst v63  }
0x49: {  	_ =	swait.ge [sflag:s10], $0x1400  }
0x4a: {  	[sflag:s10] =	ssyncset.done $0x0  }
0x4b: {  	[sflag:s10] =	ssyncadd.s32 $0xFFFFEC00  }
0x4c: {  	s19 =	simm.s32 $0x0;
	[bflag:$0x0] =	sbarrier.arrive $0xFFFF  }
0x4d: {  	[spmem:s2] =	stream.indirect.scatter.add.f32 [tilespmem:s13], [sflag:$0x1], $0x1, s19, s12, $0xb8;
	[tilespmem:$0x2D80] =	vst v63  }
0x4e: {  	_ =	swait.ge [sflag:s10], $0x80  }
0x4f: {  	s19 =	simm.s32 $0x200;
	[sflag:s10] =	ssyncset.done $0x0  }
.LBB2_2:
0x50: {  	s20 =	sshra.s32 s19, $0x2;
	[sflag:s10] =	ssyncadd.s32 $0xFFFFFF80;
	p0 =	sne.s32 s19, $0x9E00  }
0x51: {  	[spmem:s2] =	stream.indirect.scatter.add.f32 [tilespmem:s13], [sflag:$0x1], $0x1, s20, s12, $0xb8;
	[tilespmem:$0x2D80] =	vst v63  }
.Ltmp0:
0x52: {  	_ = 	snop;
	(pc) =	sbr.rel @p0 .LBB2_2-.Ltmp0, $4  }
0x53: {  	_ = 	snop  }
0x54: {  	s19 =	sadd.s32 $0x200, s19  }
0x55: {  	_ =	swait.ge [sflag:s10], $0x80  }
0x56: {  	[sflag:s10] =	ssyncset.done $0x0  }
0x57: {  	s18 =	sadd.s32 $0x1, s18  }
0x58: {  	[sflag:s10] =	ssyncadd.s32 $0xFFFFFF80;
	p0 =	sne.s32 s18, s8  }
.Ltmp1:
0x59: {  	[bflag:$0x0] =	sbarrier.arrive $0xFFFF;
	(pc) =	sbr.rel @p0 .LBB2_1-.Ltmp1, $4  }
0x5a: {  	[hbm:s7@s16], [sflag:s14] =	dma.strided [spmem:s15@s17], $0x50, s10, $0x10   }
0x5b: {  	_ =	swait.ge [sflag:s10], $0x50  }
0x5c: {  	[sflag:s10] =	ssyncset.done $0x0  }
0x5d: {  	[sflag:s10] =	ssyncadd.s32 $0xFFFFFFB0  }
0x5e: {  	_ =	sfence.sel $0x180000  }
0x5f: {  	[bflag:$0x0] =	sbarrier.arrive $0xFFFF  }
0x60: {  	p0 =	sne.s32 s0, $0x0;
	_ =	strace $0x90000047  }
0x61: {  	s0 =	sadd.s32 @!p0 $0x100000, s1;
	[bflag:$0x2] =	sbarrier.arrive $0xFFFF  }
0x62: {  	[sflag:s0] =	ssyncadd.tile.s32 @!p0 $0x1;
	_ =	shalt  }
.Lfunc_end2:
_tile_overlayer_lowered:
.L_overlay_start_2:
0x63: {  	(tag) =	ssettag $0x2  }
0x64: {  	s0 =	rddreg [dreg:$0x0];
	s2 =	stileid.u32  }
0x65: {  	s1 =	rddreg [dreg:$0x1];
	p0 =	sne.s32 s2, $0x0  }
0x66: {  	s3 =	rddreg [dreg:$0x2];
	[bflag:$0x3] =	sbarrier.arrive $0xFFFF;
	s2 =	simm.s32 @!p0 $0x1C01  }
0x67: {  	[timem:s3], [sflag:s2] =	dma.local @!p0 [hbm:s0], s1  }
0x68: {  	s0 =	simm.s32 @!p0 $0x1  }
0x69: {  	_ =	swait.ge @!p0 [sflag:s0], s1  }
0x6a: {  	s1 =	ssub.s32 @!p0 $0x0, s1;
	[sflag:s0] =	ssyncset.done @!p0 $0x0  }
0x6b: {  	[sflag:s0] =	ssyncadd.s32 @!p0 s1  }
0x6c: {  	[bflag:$0x3] =	sbarrier.arrive $0xFFFF  }
0x6d: {  	_ =	shalt  }

</sc_bundles>
